<compile_context>
chip_gen: v7x
topology: tpu7x:2x2x1
jax: 0.10.2.dev20260603
libtpu: 0.0.44.dev20260713+nightly
codegen_flags: <defaults>
</compile_context>

<pallas_src>
import functools

import jax
import jax.numpy as jnp
from jax import lax
from jax.experimental import pallas as pl
from jax.experimental.pallas import tpu as pltpu
from jax.experimental.pallas import tpu_sc as plsc

VOCAB = 1000000
EMB_DIM = 64
BATCH = 16384
HIST = 50

NUM_CORES = 2
NUM_SUBCORES = 16
NW = NUM_CORES * NUM_SUBCORES

B = BATCH * HIST
BPW = B // NW
BATCH_PER_W = BPW // HIST

NB = 16
CHUNK = NB * HIST
NCHUNK = BPW // CHUNK

HIST_PAD = 56
ROW_PAD = 128

_mesh = plsc.VectorSubcoreMesh(
    core_axis_name="c", subcore_axis_name="s",
    num_cores=NUM_CORES, num_subcores=NUM_SUBCORES,
)


@functools.partial(
    pl.kernel,
    out_type=jax.ShapeDtypeStruct((BATCH, HIST_PAD, ROW_PAD), jnp.float32),
    mesh=_mesh,
    scratch_types=[
        pltpu.VMEM((BPW,), jnp.int32),
        pltpu.VMEM((CHUNK, EMB_DIM), jnp.float32),
        pltpu.VMEM((CHUNK, EMB_DIM), jnp.float32),
        pltpu.SemaphoreType.DMA,
        pltpu.SemaphoreType.DMA,
        pltpu.SemaphoreType.DMA,
        pltpu.SemaphoreType.DMA,
    ],
    compiler_params=pltpu.CompilerParams(use_tc_tiling_on_sc=False),
)
def _gather_kernel(idx_hbm, table_hbm, out_hbm, idx_all, rows0, rows1,
                   g0, g1, s0, s1):
    wid = lax.axis_index("s") * NUM_CORES + lax.axis_index("c")
    base = wid * BPW
    bb0 = wid * BATCH_PER_W

    rows = (rows0, rows1)
    gsem = (g0, g1)
    ssem = (s0, s1)

    pltpu.sync_copy(idx_hbm.at[pl.ds(base, BPW)], idx_all)

    def start_gather(i, slot):
        pltpu.async_copy(
            table_hbm.at[idx_all.at[pl.ds(i * CHUNK, CHUNK)]], rows[slot],
            gsem[slot])

    def wait_gather(i, slot):
        pltpu.make_async_copy(
            table_hbm.at[idx_all.at[pl.ds(i * CHUNK, CHUNK)]], rows[slot],
            gsem[slot]).wait()

    def store_chunk(i, slot):
        for j in range(NB):
            bb = bb0 + i * NB + j
            pltpu.async_copy(
                rows[slot].at[pl.ds(j * HIST, HIST)],
                out_hbm.at[bb, pl.ds(0, HIST), pl.ds(0, EMB_DIM)],
                ssem[slot])

    def drain_stores(i, slot):
        for j in range(NB):
            bb = bb0 + i * NB + j
            pltpu.make_async_copy(
                rows[slot].at[pl.ds(j * HIST, HIST)],
                out_hbm.at[bb, pl.ds(0, HIST), pl.ds(0, EMB_DIM)],
                ssem[slot]).wait()

    start_gather(0, 0)

    def pair(k, carry):
        i = 2 * k

        @pl.when(k >= 1)
        def _():
            drain_stores(i - 1, 1)
        start_gather(i + 1, 1)
        wait_gather(i, 0)
        store_chunk(i, 0)

        @pl.when(k < NCHUNK // 2 - 1)
        def _():
            drain_stores(i, 0)
            start_gather(i + 2, 0)
        wait_gather(i + 1, 1)
        store_chunk(i + 1, 1)
        return carry

    lax.fori_loop(0, NCHUNK // 2, pair, 0)
    drain_stores(NCHUNK - 2, 0)
    drain_stores(NCHUNK - 1, 1)


def kernel(x, emb_weight):
    idx = x.reshape(B)
    out = _gather_kernel(idx, emb_weight)
    return out[:, :HIST, :EMB_DIM]

# --- scband reference (transcript-rebuilt; emitter-appended) ---
"""Pipeline reference for scband-embedding-layer-55422257988165 (READ-ONLY COPY).

The authoritative reference and input builder live on the scoring server;
editing this copy changes nothing except your own understanding.
"""

import jax, jax.numpy as jnp
import numpy as np

VOCAB = 1000000
EMB_DIM = 64
BATCH = 16384
HIST = 50

def setup_inputs(seed: int = 0) -> dict:
    key = jax.random.key(seed)
    k_idx, k_emb = jax.random.split(key)
    x = jax.random.randint(k_idx, (BATCH, HIST), 0, VOCAB, dtype=jnp.int64 if jax.config.jax_enable_x64 else jnp.int32)
    # Embedding table initialized uniform(-0.5, 0.5) as in init_embedding
    emb_weight = jax.random.uniform(k_emb, (VOCAB, EMB_DIM), dtype=jnp.float32, minval=-0.5, maxval=0.5)
    return {"x": x, "emb_weight": emb_weight}

def reference(x, emb_weight):
    # emb = self.emb(x): embedding lookup (gather rows)
    emb = jnp.take(emb_weight, x, axis=0)
    # self.dropout(emb): identity in eval mode
    return emb

if __name__ == "__main__":
    import jax
    _d = setup_inputs()
    print(jax.jit(kernel)(*tuple(_d.values())))

</pallas_src>

<mosaic_0001>
#map = affine_map<(d0, d1) -> (0)>
#map1 = affine_map<(d0, d1) -> (0, 0)>
#map2 = affine_map<(d0, d1) -> (0, 0, 0)>
module attributes {stable_mosaic.version = 14 : i64} {
  func.func @_gather_kernel(%arg0: i32, %arg1: i32, %arg2: memref<819200xi32, #tpu.memory_space<hbm>>, %arg3: memref<1000000x64xf32, #tpu.memory_space<hbm>>, %arg4: memref<16384x56x128xf32, #tpu.memory_space<hbm>>, %arg5: memref<25600xi32, #tpu.memory_space<vmem>>, %arg6: memref<800x64xf32, #tpu.memory_space<vmem>>, %arg7: memref<800x64xf32, #tpu.memory_space<vmem>>, %arg8: memref<!tpu.dma_semaphore, #tpu.memory_space<semaphore_mem>>, %arg9: memref<!tpu.dma_semaphore, #tpu.memory_space<semaphore_mem>>, %arg10: memref<!tpu.dma_semaphore, #tpu.memory_space<semaphore_mem>>, %arg11: memref<!tpu.dma_semaphore, #tpu.memory_space<semaphore_mem>>) attributes {dimension_semantics = [#tpu.dimension_semantics<core_parallel>, #tpu.dimension_semantics<subcore_parallel>], iteration_bounds = array<i64: 2, 16>, scalar_prefetch = 0 : i64, scratch_operands = 7 : i64, tpu.core_type = #tpu.core_type<sc_vector_subcore>, window_params = [{transform_indices = #map}, {transform_indices = #map1}, {transform_indices = #map2}]} {
    %mul3A = arith.constant 2 : i32
    %mul3A_0 = arith.muli %arg1, %mul3A : i32
    %add3A = arith.addi %mul3A_0, %arg0 : i32
    %mul3A_1 = arith.constant 25600 : i32
    %mul3A_2 = arith.muli %add3A, %mul3A_1 : i32
    %mul3A_3 = arith.constant 512 : i32
    %mul3A_4 = arith.muli %add3A, %mul3A_3 : i32
    "tpu.region"() ({
      %run_scoped3A = tpu.sem_alloc : memref<!tpu.dma_semaphore, #tpu.memory_space<semaphore_mem>>
      %dma_start3A_589 = tpu.memref_slice %arg2[%mul3A_2] : memref<819200xi32, #tpu.memory_space<hbm>> -> memref<25600xi32, #tpu.memory_space<hbm>>
      %dma_start3A_590 = tpu.memref_slice %arg2[%mul3A_2] : memref<819200xi32, #tpu.memory_space<hbm>> -> memref<25600xi32, #tpu.memory_space<hbm>>
      tpu.enqueue_dma source(%dma_start3A_590 : memref<25600xi32, #tpu.memory_space<hbm>>) target(%arg5 : memref<25600xi32, #tpu.memory_space<vmem>>) target_semaphore(%run_scoped3A : memref<!tpu.dma_semaphore, #tpu.memory_space<semaphore_mem>>)
      %dma_wait3A_591 = tpu.memref_slice %arg2[%mul3A_2] : memref<819200xi32, #tpu.memory_space<hbm>> -> memref<25600xi32, #tpu.memory_space<hbm>>
      %dma_wait3A_592 = tpu.memref_slice %arg2[%mul3A_2] : memref<819200xi32, #tpu.memory_space<hbm>> -> memref<25600xi32, #tpu.memory_space<hbm>>
      tpu.wait_dma2 semaphore(%run_scoped3A : memref<!tpu.dma_semaphore, #tpu.memory_space<semaphore_mem>>) src(%dma_wait3A_592 : memref<25600xi32, #tpu.memory_space<hbm>>) dst(%arg5 : memref<25600xi32, #tpu.memory_space<vmem>>)
      tpu.yield
    }) : () -> ()
    %dma_start3A = arith.constant 0 : i32
    %dma_start3A_5 = tpu.memref_slice %arg5[%dma_start3A] : memref<25600xi32, #tpu.memory_space<vmem>> -> memref<800xi32, #tpu.memory_space<vmem>>
    %dma_start3A_6 = arith.constant 0 : i32
    %dma_start3A_7 = arith.constant 0 : i32
    %dma_start3A_8 = tpu.memref_slice %arg3[%dma_start3A_6, %dma_start3A_7] : memref<1000000x64xf32, #tpu.memory_space<hbm>> -> memref<1000000x64xf32, #tpu.memory_space<hbm>>
    tpu.enqueue_indirect_dma source(%dma_start3A_8 : memref<1000000x64xf32, #tpu.memory_space<hbm>>) target(%arg6 : memref<800x64xf32, #tpu.memory_space<vmem>>) offsets(%dma_start3A_5 : memref<800xi32, #tpu.memory_space<vmem>>) semaphore(%arg8 : memref<!tpu.dma_semaphore, #tpu.memory_space<semaphore_mem>>)
    %scan3A = arith.constant 0 : i32
    %scan3A_9 = arith.constant 0 : i32
    %scan3A_10 = arith.constant 16 : i32
    %scan3A_11 = arith.addi %scan3A_9, %scan3A_10 : i32
    %scan3A_12 = arith.constant 1 : i32
    scf.for %scan3A_589 = %scan3A_9 to %scan3A_11 step %scan3A_12  : i32 {
      %mul3A_590 = arith.constant 2 : i32
      %mul3A_591 = arith.muli %mul3A_590, %scan3A_589 : i32
      %ge3A = arith.constant 1 : i32
      %ge3A_592 = arith.cmpi sge, %scan3A_589, %ge3A : i32
      %convert_element_type3A = arith.extui %ge3A_592 : i1 to i32
      %cond3A = arith.constant 0 : i32
      %cond3A_593 = arith.cmpi ne, %convert_element_type3A, %cond3A : i32
      scf.if %cond3A_593 {
        %sub3A = arith.constant 1 : i32
        %sub3A_1230 = arith.subi %mul3A_591, %sub3A : i32
        %mul3A_1231 = arith.constant 16 : i32
        %mul3A_1232 = arith.muli %sub3A_1230, %mul3A_1231 : i32
        %add3A_1233 = arith.addi %mul3A_4, %mul3A_1232 : i32
        %add3A_1234 = arith.constant 0 : i32
        %add3A_1235 = arith.addi %add3A_1233, %add3A_1234 : i32
        %dma_wait3A_1236 = arith.constant 0 : i32
        %dma_wait3A_1237 = arith.constant 0 : i32
        %dma_wait3A_1238 = tpu.memref_slice %arg7[%dma_wait3A_1236, %dma_wait3A_1237] : memref<800x64xf32, #tpu.memory_space<vmem>> -> memref<50x64xf32, #tpu.memory_space<vmem>>
        %dma_wait3A_1239 = arith.constant 0 : i32
        %dma_wait3A_1240 = arith.constant 0 : i32
        %dma_wait3A_1241 = tpu.memref_slice %arg4[%add3A_1235, %dma_wait3A_1239, %dma_wait3A_1240] : memref<16384x56x128xf32, #tpu.memory_space<hbm>> -> memref<1x50x64xf32, #tpu.memory_space<hbm>>
        %dma_wait3A_1242 = tpu.memref_squeeze %dma_wait3A_1241 : memref<1x50x64xf32, #tpu.memory_space<hbm>> -> memref<50x64xf32, #tpu.memory_space<hbm>>
        %dma_wait3A_1243 = arith.constant 0 : i32
        %dma_wait3A_1244 = arith.constant 0 : i32
        %dma_wait3A_1245 = tpu.memref_slice %arg4[%add3A_1235, %dma_wait3A_1243, %dma_wait3A_1244] : memref<16384x56x128xf32, #tpu.memory_space<hbm>> -> memref<1x50x64xf32, #tpu.memory_space<hbm>>
        %dma_wait3A_1246 = tpu.memref_squeeze %dma_wait3A_1245 : memref<1x50x64xf32, #tpu.memory_space<hbm>> -> memref<50x64xf32, #tpu.memory_space<hbm>>
        %dma_wait3A_1247 = arith.constant 0 : i32
        %dma_wait3A_1248 = arith.constant 0 : i32
        %dma_wait3A_1249 = tpu.memref_slice %arg7[%dma_wait3A_1247, %dma_wait3A_1248] : memref<800x64xf32, #tpu.memory_space<vmem>> -> memref<50x64xf32, #tpu.memory_space<vmem>>
        tpu.wait_dma2 semaphore(%arg11 : memref<!tpu.dma_semaphore, #tpu.memory_space<semaphore_mem>>) src(%dma_wait3A_1249 : memref<50x64xf32, #tpu.memory_space<vmem>>) dst(%dma_wait3A_1246 : memref<50x64xf32, #tpu.memory_space<hbm>>)
        %mul3A_1250 = arith.constant 16 : i32
        %mul3A_1251 = arith.muli %sub3A_1230, %mul3A_1250 : i32
        %add3A_1252 = arith.addi %mul3A_4, %mul3A_1251 : i32
        %add3A_1253 = arith.constant 1 : i32
        %add3A_1254 = arith.addi %add3A_1252, %add3A_1253 : i32
        %dma_wait3A_1255 = arith.constant 50 : i32
        %dma_wait3A_1256 = arith.constant 0 : i32
        %dma_wait3A_1257 = tpu.memref_slice %arg7[%dma_wait3A_1255, %dma_wait3A_1256] : memref<800x64xf32, #tpu.memory_space<vmem>> -> memref<50x64xf32, #tpu.memory_space<vmem>>
        %dma_wait3A_1258 = arith.constant 0 : i32
        %dma_wait3A_1259 = arith.constant 0 : i32
        %dma_wait3A_1260 = tpu.memref_slice %arg4[%add3A_1254, %dma_wait3A_1258, %dma_wait3A_1259] : memref<16384x56x128xf32, #tpu.memory_space<hbm>> -> memref<1x50x64xf32, #tpu.memory_space<hbm>>
        %dma_wait3A_1261 = tpu.memref_squeeze %dma_wait3A_1260 : memref<1x50x64xf32, #tpu.memory_space<hbm>> -> memref<50x64xf32, #tpu.memory_space<hbm>>
        %dma_wait3A_1262 = arith.constant 0 : i32
        %dma_wait3A_1263 = arith.constant 0 : i32
        %dma_wait3A_1264 = tpu.memref_slice %arg4[%add3A_1254, %dma_wait3A_1262, %dma_wait3A_1263] : memref<16384x56x128xf32, #tpu.memory_space<hbm>> -> memref<1x50x64xf32, #tpu.memory_space<hbm>>
        %dma_wait3A_1265 = tpu.memref_squeeze %dma_wait3A_1264 : memref<1x50x64xf32, #tpu.memory_space<hbm>> -> memref<50x64xf32, #tpu.memory_space<hbm>>
        %dma_wait3A_1266 = arith.constant 50 : i32
        %dma_wait3A_1267 = arith.constant 0 : i32
        %dma_wait3A_1268 = tpu.memref_slice %arg7[%dma_wait3A_1266, %dma_wait3A_1267] : memref<800x64xf32, #tpu.memory_space<vmem>> -> memref<50x64xf32, #tpu.memory_space<vmem>>
        tpu.wait_dma2 semaphore(%arg11 : memref<!tpu.dma_semaphore, #tpu.memory_space<semaphore_mem>>) src(%dma_wait3A_1268 : memref<50x64xf32, #tpu.memory_space<vmem>>) dst(%dma_wait3A_1265 : memref<50x64xf32, #tpu.memory_space<hbm>>)
        %mul3A_1269 = arith.constant 16 : i32
        %mul3A_1270 = arith.muli %sub3A_1230, %mul3A_1269 : i32
        %add3A_1271 = arith.addi %mul3A_4, %mul3A_1270 : i32
        %add3A_1272 = arith.constant 2 : i32
        %add3A_1273 = arith.addi %add3A_1271, %add3A_1272 : i32
        %dma_wait3A_1274 = arith.constant 100 : i32
        %dma_wait3A_1275 = arith.constant 0 : i32
        %dma_wait3A_1276 = tpu.memref_slice %arg7[%dma_wait3A_1274, %dma_wait3A_1275] : memref<800x64xf32, #tpu.memory_space<vmem>> -> memref<50x64xf32, #tpu.memory_space<vmem>>
        %dma_wait3A_1277 = arith.constant 0 : i32
        %dma_wait3A_1278 = arith.constant 0 : i32
        %dma_wait3A_1279 = tpu.memref_slice %arg4[%add3A_1273, %dma_wait3A_1277, %dma_wait3A_1278] : memref<16384x56x128xf32, #tpu.memory_space<hbm>> -> memref<1x50x64xf32, #tpu.memory_space<hbm>>
        %dma_wait3A_1280 = tpu.memref_squeeze %dma_wait3A_1279 : memref<1x50x64xf32, #tpu.memory_space<hbm>> -> memref<50x64xf32, #tpu.memory_space<hbm>>
        %dma_wait3A_1281 = arith.constant 0 : i32
        %dma_wait3A_1282 = arith.constant 0 : i32
        %dma_wait3A_1283 = tpu.memref_slice %arg4[%add3A_1273, %dma_wait3A_1281, %dma_wait3A_1282] : memref<16384x56x128xf32, #tpu.memory_space<hbm>> -> memref<1x50x64xf32, #tpu.memory_space<hbm>>
        %dma_wait3A_1284 = tpu.memref_squeeze %dma_wait3A_1283 : memref<1x50x64xf32, #tpu.memory_space<hbm>> -> memref<50x64xf32, #tpu.memory_space<hbm>>
        %dma_wait3A_1285 = arith.constant 100 : i32
        %dma_wait3A_1286 = arith.constant 0 : i32
        %dma_wait3A_1287 = tpu.memref_slice %arg7[%dma_wait3A_1285, %dma_wait3A_1286] : memref<800x64xf32, #tpu.memory_space<vmem>> -> memref<50x64xf32, #tpu.memory_space<vmem>>
        tpu.wait_dma2 semaphore(%arg11 : memref<!tpu.dma_semaphore, #tpu.memory_space<semaphore_mem>>) src(%dma_wait3A_1287 : memref<50x64xf32, #tpu.memory_space<vmem>>) dst(%dma_wait3A_1284 : memref<50x64xf32, #tpu.memory_space<hbm>>)
        %mul3A_1288 = arith.constant 16 : i32
        %mul3A_1289 = arith.muli %sub3A_1230, %mul3A_1288 : i32
        %add3A_1290 = arith.addi %mul3A_4, %mul3A_1289 : i32
        %add3A_1291 = arith.constant 3 : i32
        %add3A_1292 = arith.addi %add3A_1290, %add3A_1291 : i32
        %dma_wait3A_1293 = arith.constant 150 : i32
        %dma_wait3A_1294 = arith.constant 0 : i32
        %dma_wait3A_1295 = tpu.memref_slice %arg7[%dma_wait3A_1293, %dma_wait3A_1294] : memref<800x64xf32, #tpu.memory_space<vmem>> -> memref<50x64xf32, #tpu.memory_space<vmem>>
        %dma_wait3A_1296 = arith.constant 0 : i32
        %dma_wait3A_1297 = arith.constant 0 : i32
        %dma_wait3A_1298 = tpu.memref_slice %arg4[%add3A_1292, %dma_wait3A_1296, %dma_wait3A_1297] : memref<16384x56x128xf32, #tpu.memory_space<hbm>> -> memref<1x50x64xf32, #tpu.memory_space<hbm>>
        %dma_wait3A_1299 = tpu.memref_squeeze %dma_wait3A_1298 : memref<1x50x64xf32, #tpu.memory_space<hbm>> -> memref<50x64xf32, #tpu.memory_space<hbm>>
        %dma_wait3A_1300 = arith.constant 0 : i32
        %dma_wait3A_1301 = arith.constant 0 : i32
        %dma_wait3A_1302 = tpu.memref_slice %arg4[%add3A_1292, %dma_wait3A_1300, %dma_wait3A_1301] : memref<16384x56x128xf32, #tpu.memory_space<hbm>> -> memref<1x50x64xf32, #tpu.memory_space<hbm>>
        %dma_wait3A_1303 = tpu.memref_squeeze %dma_wait3A_1302 : memref<1x50x64xf32, #tpu.memory_space<hbm>> -> memref<50x64xf32, #tpu.memory_space<hbm>>
        %dma_wait3A_1304 = arith.constant 150 : i32
        %dma_wait3A_1305 = arith.constant 0 : i32
        %dma_wait3A_1306 = tpu.memref_slice %arg7[%dma_wait3A_1304, %dma_wait3A_1305] : memref<800x64xf32, #tpu.memory_space<vmem>> -> memref<50x64xf32, #tpu.memory_space<vmem>>
        tpu.wait_dma2 semaphore(%arg11 : memref<!tpu.dma_semaphore, #tpu.memory_space<semaphore_mem>>) src(%dma_wait3A_1306 : memref<50x64xf32, #tpu.memory_space<vmem>>) dst(%dma_wait3A_1303 : memref<50x64xf32, #tpu.memory_space<hbm>>)
        %mul3A_1307 = arith.constant 16 : i32
        %mul3A_1308 = arith.muli %sub3A_1230, %mul3A_1307 : i32
        %add3A_1309 = arith.addi %mul3A_4, %mul3A_1308 : i32
        %add3A_1310 = arith.constant 4 : i32
        %add3A_1311 = arith.addi %add3A_1309, %add3A_1310 : i32
        %dma_wait3A_1312 = arith.constant 200 : i32
        %dma_wait3A_1313 = arith.constant 0 : i32
        %dma_wait3A_1314 = tpu.memref_slice %arg7[%dma_wait3A_1312, %dma_wait3A_1313] : memref<800x64xf32, #tpu.memory_space<vmem>> -> memref<50x64xf32, #tpu.memory_space<vmem>>
        %dma_wait3A_1315 = arith.constant 0 : i32
        %dma_wait3A_1316 = arith.constant 0 : i32
        %dma_wait3A_1317 = tpu.memref_slice %arg4[%add3A_1311, %dma_wait3A_1315, %dma_wait3A_1316] : memref<16384x56x128xf32, #tpu.memory_space<hbm>> -> memref<1x50x64xf32, #tpu.memory_space<hbm>>
        %dma_wait3A_1318 = tpu.memref_squeeze %dma_wait3A_1317 : memref<1x50x64xf32, #tpu.memory_space<hbm>> -> memref<50x64xf32, #tpu.memory_space<hbm>>
        %dma_wait3A_1319 = arith.constant 0 : i32
        %dma_wait3A_1320 = arith.constant 0 : i32
        %dma_wait3A_1321 = tpu.memref_slice %arg4[%add3A_1311, %dma_wait3A_1319, %dma_wait3A_1320] : memref<16384x56x128xf32, #tpu.memory_space<hbm>> -> memref<1x50x64xf32, #tpu.memory_space<hbm>>
        %dma_wait3A_1322 = tpu.memref_squeeze %dma_wait3A_1321 : memref<1x50x64xf32, #tpu.memory_space<hbm>> -> memref<50x64xf32, #tpu.memory_space<hbm>>
        %dma_wait3A_1323 = arith.constant 200 : i32
        %dma_wait3A_1324 = arith.constant 0 : i32
        %dma_wait3A_1325 = tpu.memref_slice %arg7[%dma_wait3A_1323, %dma_wait3A_1324] : memref<800x64xf32, #tpu.memory_space<vmem>> -> memref<50x64xf32, #tpu.memory_space<vmem>>
        tpu.wait_dma2 semaphore(%arg11 : memref<!tpu.dma_semaphore, #tpu.memory_space<semaphore_mem>>) src(%dma_wait3A_1325 : memref<50x64xf32, #tpu.memory_space<vmem>>) dst(%dma_wait3A_1322 : memref<50x64xf32, #tpu.memory_space<hbm>>)
        %mul3A_1326 = arith.constant 16 : i32
        %mul3A_1327 = arith.muli %sub3A_1230, %mul3A_1326 : i32
        %add3A_1328 = arith.addi %mul3A_4, %mul3A_1327 : i32
        %add3A_1329 = arith.constant 5 : i32
        %add3A_1330 = arith.addi %add3A_1328, %add3A_1329 : i32
        %dma_wait3A_1331 = arith.constant 250 : i32
        %dma_wait3A_1332 = arith.constant 0 : i32
        %dma_wait3A_1333 = tpu.memref_slice %arg7[%dma_wait3A_1331, %dma_wait3A_1332] : memref<800x64xf32, #tpu.memory_space<vmem>> -> memref<50x64xf32, #tpu.memory_space<vmem>>
        %dma_wait3A_1334 = arith.constant 0 : i32
        %dma_wait3A_1335 = arith.constant 0 : i32
        %dma_wait3A_1336 = tpu.memref_slice %arg4[%add3A_1330, %dma_wait3A_1334, %dma_wait3A_1335] : memref<16384x56x128xf32, #tpu.memory_space<hbm>> -> memref<1x50x64xf32, #tpu.memory_space<hbm>>
        %dma_wait3A_1337 = tpu.memref_squeeze %dma_wait3A_1336 : memref<1x50x64xf32, #tpu.memory_space<hbm>> -> memref<50x64xf32, #tpu.memory_space<hbm>>
        %dma_wait3A_1338 = arith.constant 0 : i32
        %dma_wait3A_1339 = arith.constant 0 : i32
        %dma_wait3A_1340 = tpu.memref_slice %arg4[%add3A_1330, %dma_wait3A_1338, %dma_wait3A_1339] : memref<16384x56x128xf32, #tpu.memory_space<hbm>> -> memref<1x50x64xf32, #tpu.memory_space<hbm>>
        %dma_wait3A_1341 = tpu.memref_squeeze %dma_wait3A_1340 : memref<1x50x64xf32, #tpu.memory_space<hbm>> -> memref<50x64xf32, #tpu.memory_space<hbm>>
        %dma_wait3A_1342 = arith.constant 250 : i32
        %dma_wait3A_1343 = arith.constant 0 : i32
        %dma_wait3A_1344 = tpu.memref_slice %arg7[%dma_wait3A_1342, %dma_wait3A_1343] : memref<800x64xf32, #tpu.memory_space<vmem>> -> memref<50x64xf32, #tpu.memory_space<vmem>>
        tpu.wait_dma2 semaphore(%arg11 : memref<!tpu.dma_semaphore, #tpu.memory_space<semaphore_mem>>) src(%dma_wait3A_1344 : memref<50x64xf32, #tpu.memory_space<vmem>>) dst(%dma_wait3A_1341 : memref<50x64xf32, #tpu.memory_space<hbm>>)
        %mul3A_1345 = arith.constant 16 : i32
        %mul3A_1346 = arith.muli %sub3A_1230, %mul3A_1345 : i32
        %add3A_1347 = arith.addi %mul3A_4, %mul3A_1346 : i32
        %add3A_1348 = arith.constant 6 : i32
        %add3A_1349 = arith.addi %add3A_1347, %add3A_1348 : i32
        %dma_wait3A_1350 = arith.constant 300 : i32
        %dma_wait3A_1351 = arith.constant 0 : i32
        %dma_wait3A_1352 = tpu.memref_slice %arg7[%dma_wait3A_1350, %dma_wait3A_1351] : memref<800x64xf32, #tpu.memory_space<vmem>> -> memref<50x64xf32, #tpu.memory_space<vmem>>
        %dma_wait3A_1353 = arith.constant 0 : i32
        %dma_wait3A_1354 = arith.constant 0 : i32
        %dma_wait3A_1355 = tpu.memref_slice %arg4[%add3A_1349, %dma_wait3A_1353, %dma_wait3A_1354] : memref<16384x56x128xf32, #tpu.memory_space<hbm>> -> memref<1x50x64xf32, #tpu.memory_space<hbm>>
        %dma_wait3A_1356 = tpu.memref_squeeze %dma_wait3A_1355 : memref<1x50x64xf32, #tpu.memory_space<hbm>> -> memref<50x64xf32, #tpu.memory_space<hbm>>
        %dma_wait3A_1357 = arith.constant 0 : i32
        %dma_wait3A_1358 = arith.constant 0 : i32
        %dma_wait3A_1359 = tpu.memref_slice %arg4[%add3A_1349, %dma_wait3A_1357, %dma_wait3A_1358] : memref<16384x56x128xf32, #tpu.memory_space<hbm>> -> memref<1x50x64xf32, #tpu.memory_space<hbm>>
        %dma_wait3A_1360 = tpu.memref_squeeze %dma_wait3A_1359 : memref<1x50x64xf32, #tpu.memory_space<hbm>> -> memref<50x64xf32, #tpu.memory_space<hbm>>
        %dma_wait3A_1361 = arith.constant 300 : i32
        %dma_wait3A_1362 = arith.constant 0 : i32
        %dma_wait3A_1363 = tpu.memref_slice %arg7[%dma_wait3A_1361, %dma_wait3A_1362] : memref<800x64xf32, #tpu.memory_space<vmem>> -> memref<50x64xf32, #tpu.memory_space<vmem>>
        tpu.wait_dma2 semaphore(%arg11 : memref<!tpu.dma_semaphore, #tpu.memory_space<semaphore_mem>>) src(%dma_wait3A_1363 : memref<50x64xf32, #tpu.memory_space<vmem>>) dst(%dma_wait3A_1360 : memref<50x64xf32, #tpu.memory_space<hbm>>)
        %mul3A_1364 = arith.constant 16 : i32
        %mul3A_1365 = arith.muli %sub3A_1230, %mul3A_1364 : i32
        %add3A_1366 = arith.addi %mul3A_4, %mul3A_1365 : i32
        %add3A_1367 = arith.constant 7 : i32
        %add3A_1368 = arith.addi %add3A_1366, %add3A_1367 : i32
        %dma_wait3A_1369 = arith.constant 350 : i32
        %dma_wait3A_1370 = arith.constant 0 : i32
        %dma_wait3A_1371 = tpu.memref_slice %arg7[%dma_wait3A_1369, %dma_wait3A_1370] : memref<800x64xf32, #tpu.memory_space<vmem>> -> memref<50x64xf32, #tpu.memory_space<vmem>>
        %dma_wait3A_1372 = arith.constant 0 : i32
        %dma_wait3A_1373 = arith.constant 0 : i32
        %dma_wait3A_1374 = tpu.memref_slice %arg4[%add3A_1368, %dma_wait3A_1372, %dma_wait3A_1373] : memref<16384x56x128xf32, #tpu.memory_space<hbm>> -> memref<1x50x64xf32, #tpu.memory_space<hbm>>
        %dma_wait3A_1375 = tpu.memref_squeeze %dma_wait3A_1374 : memref<1x50x64xf32, #tpu.memory_space<hbm>> -> memref<50x64xf32, #tpu.memory_space<hbm>>
        %dma_wait3A_1376 = arith.constant 0 : i32
        %dma_wait3A_1377 = arith.constant 0 : i32
        %dma_wait3A_1378 = tpu.memref_slice %arg4[%add3A_1368, %dma_wait3A_1376, %dma_wait3A_1377] : memref<16384x56x128xf32, #tpu.memory_space<hbm>> -> memref<1x50x64xf32, #tpu.memory_space<hbm>>
        %dma_wait3A_1379 = tpu.memref_squeeze %dma_wait3A_1378 : memref<1x50x64xf32, #tpu.memory_space<hbm>> -> memref<50x64xf32, #tpu.memory_space<hbm>>
        %dma_wait3A_1380 = arith.constant 350 : i32
        %dma_wait3A_1381 = arith.constant 0 : i32
        %dma_wait3A_1382 = tpu.memref_slice %arg7[%dma_wait3A_1380, %dma_wait3A_1381] : memref<800x64xf32, #tpu.memory_space<vmem>> -> memref<50x64xf32, #tpu.memory_space<vmem>>
        tpu.wait_dma2 semaphore(%arg11 : memref<!tpu.dma_semaphore, #tpu.memory_space<semaphore_mem>>) src(%dma_wait3A_1382 : memref<50x64xf32, #tpu.memory_space<vmem>>) dst(%dma_wait3A_1379 : memref<50x64xf32, #tpu.memory_space<hbm>>)
        %mul3A_1383 = arith.constant 16 : i32
        %mul3A_1384 = arith.muli %sub3A_1230, %mul3A_1383 : i32
        %add3A_1385 = arith.addi %mul3A_4, %mul3A_1384 : i32
        %add3A_1386 = arith.constant 8 : i32
        %add3A_1387 = arith.addi %add3A_1385, %add3A_1386 : i32
        %dma_wait3A_1388 = arith.constant 400 : i32
        %dma_wait3A_1389 = arith.constant 0 : i32
        %dma_wait3A_1390 = tpu.memref_slice %arg7[%dma_wait3A_1388, %dma_wait3A_1389] : memref<800x64xf32, #tpu.memory_space<vmem>> -> memref<50x64xf32, #tpu.memory_space<vmem>>
        %dma_wait3A_1391 = arith.constant 0 : i32
        %dma_wait3A_1392 = arith.constant 0 : i32
        %dma_wait3A_1393 = tpu.memref_slice %arg4[%add3A_1387, %dma_wait3A_1391, %dma_wait3A_1392] : memref<16384x56x128xf32, #tpu.memory_space<hbm>> -> memref<1x50x64xf32, #tpu.memory_space<hbm>>
        %dma_wait3A_1394 = tpu.memref_squeeze %dma_wait3A_1393 : memref<1x50x64xf32, #tpu.memory_space<hbm>> -> memref<50x64xf32, #tpu.memory_space<hbm>>
        %dma_wait3A_1395 = arith.constant 0 : i32
        %dma_wait3A_1396 = arith.constant 0 : i32
        %dma_wait3A_1397 = tpu.memref_slice %arg4[%add3A_1387, %dma_wait3A_1395, %dma_wait3A_1396] : memref<16384x56x128xf32, #tpu.memory_space<hbm>> -> memref<1x50x64xf32, #tpu.memory_space<hbm>>
        %dma_wait3A_1398 = tpu.memref_squeeze %dma_wait3A_1397 : memref<1x50x64xf32, #tpu.memory_space<hbm>> -> memref<50x64xf32, #tpu.memory_space<hbm>>
        %dma_wait3A_1399 = arith.constant 400 : i32
        %dma_wait3A_1400 = arith.constant 0 : i32
        %dma_wait3A_1401 = tpu.memref_slice %arg7[%dma_wait3A_1399, %dma_wait3A_1400] : memref<800x64xf32, #tpu.memory_space<vmem>> -> memref<50x64xf32, #tpu.memory_space<vmem>>
        tpu.wait_dma2 semaphore(%arg11 : memref<!tpu.dma_semaphore, #tpu.memory_space<semaphore_mem>>) src(%dma_wait3A_1401 : memref<50x64xf32, #tpu.memory_space<vmem>>) dst(%dma_wait3A_1398 : memref<50x64xf32, #tpu.memory_space<hbm>>)
        %mul3A_1402 = arith.constant 16 : i32
        %mul3A_1403 = arith.muli %sub3A_1230, %mul3A_1402 : i32
        %add3A_1404 = arith.addi %mul3A_4, %mul3A_1403 : i32
        %add3A_1405 = arith.constant 9 : i32
        %add3A_1406 = arith.addi %add3A_1404, %add3A_1405 : i32
        %dma_wait3A_1407 = arith.constant 450 : i32
        %dma_wait3A_1408 = arith.constant 0 : i32
        %dma_wait3A_1409 = tpu.memref_slice %arg7[%dma_wait3A_1407, %dma_wait3A_1408] : memref<800x64xf32, #tpu.memory_space<vmem>> -> memref<50x64xf32, #tpu.memory_space<vmem>>
        %dma_wait3A_1410 = arith.constant 0 : i32
        %dma_wait3A_1411 = arith.constant 0 : i32
        %dma_wait3A_1412 = tpu.memref_slice %arg4[%add3A_1406, %dma_wait3A_1410, %dma_wait3A_1411] : memref<16384x56x128xf32, #tpu.memory_space<hbm>> -> memref<1x50x64xf32, #tpu.memory_space<hbm>>
        %dma_wait3A_1413 = tpu.memref_squeeze %dma_wait3A_1412 : memref<1x50x64xf32, #tpu.memory_space<hbm>> -> memref<50x64xf32, #tpu.memory_space<hbm>>
        %dma_wait3A_1414 = arith.constant 0 : i32
        %dma_wait3A_1415 = arith.constant 0 : i32
        %dma_wait3A_1416 = tpu.memref_slice %arg4[%add3A_1406, %dma_wait3A_1414, %dma_wait3A_1415] : memref<16384x56x128xf32, #tpu.memory_space<hbm>> -> memref<1x50x64xf32, #tpu.memory_space<hbm>>
        %dma_wait3A_1417 = tpu.memref_squeeze %dma_wait3A_1416 : memref<1x50x64xf32, #tpu.memory_space<hbm>> -> memref<50x64xf32, #tpu.memory_space<hbm>>
        %dma_wait3A_1418 = arith.constant 450 : i32
        %dma_wait3A_1419 = arith.constant 0 : i32
        %dma_wait3A_1420 = tpu.memref_slice %arg7[%dma_wait3A_1418, %dma_wait3A_1419] : memref<800x64xf32, #tpu.memory_space<vmem>> -> memref<50x64xf32, #tpu.memory_space<vmem>>
        tpu.wait_dma2 semaphore(%arg11 : memref<!tpu.dma_semaphore, #tpu.memory_space<semaphore_mem>>) src(%dma_wait3A_1420 : memref<50x64xf32, #tpu.memory_space<vmem>>) dst(%dma_wait3A_1417 : memref<50x64xf32, #tpu.memory_space<hbm>>)
        %mul3A_1421 = arith.constant 16 : i32
        %mul3A_1422 = arith.muli %sub3A_1230, %mul3A_1421 : i32
        %add3A_1423 = arith.addi %mul3A_4, %mul3A_1422 : i32
        %add3A_1424 = arith.constant 10 : i32
        %add3A_1425 = arith.addi %add3A_1423, %add3A_1424 : i32
        %dma_wait3A_1426 = arith.constant 500 : i32
        %dma_wait3A_1427 = arith.constant 0 : i32
        %dma_wait3A_1428 = tpu.memref_slice %arg7[%dma_wait3A_1426, %dma_wait3A_1427] : memref<800x64xf32, #tpu.memory_space<vmem>> -> memref<50x64xf32, #tpu.memory_space<vmem>>
        %dma_wait3A_1429 = arith.constant 0 : i32
        %dma_wait3A_1430 = arith.constant 0 : i32
        %dma_wait3A_1431 = tpu.memref_slice %arg4[%add3A_1425, %dma_wait3A_1429, %dma_wait3A_1430] : memref<16384x56x128xf32, #tpu.memory_space<hbm>> -> memref<1x50x64xf32, #tpu.memory_space<hbm>>
        %dma_wait3A_1432 = tpu.memref_squeeze %dma_wait3A_1431 : memref<1x50x64xf32, #tpu.memory_space<hbm>> -> memref<50x64xf32, #tpu.memory_space<hbm>>
        %dma_wait3A_1433 = arith.constant 0 : i32
        %dma_wait3A_1434 = arith.constant 0 : i32
        %dma_wait3A_1435 = tpu.memref_slice %arg4[%add3A_1425, %dma_wait3A_1433, %dma_wait3A_1434] : memref<16384x56x128xf32, #tpu.memory_space<hbm>> -> memref<1x50x64xf32, #tpu.memory_space<hbm>>
        %dma_wait3A_1436 = tpu.memref_squeeze %dma_wait3A_1435 : memref<1x50x64xf32, #tpu.memory_space<hbm>> -> memref<50x64xf32, #tpu.memory_space<hbm>>
        %dma_wait3A_1437 = arith.constant 500 : i32
        %dma_wait3A_1438 = arith.constant 0 : i32
        %dma_wait3A_1439 = tpu.memref_slice %arg7[%dma_wait3A_1437, %dma_wait3A_1438] : memref<800x64xf32, #tpu.memory_space<vmem>> -> memref<50x64xf32, #tpu.memory_space<vmem>>
        tpu.wait_dma2 semaphore(%arg11 : memref<!tpu.dma_semaphore, #tpu.memory_space<semaphore_mem>>) src(%dma_wait3A_1439 : memref<50x64xf32, #tpu.memory_space<vmem>>) dst(%dma_wait3A_1436 : memref<50x64xf32, #tpu.memory_space<hbm>>)
        %mul3A_1440 = arith.constant 16 : i32
        %mul3A_1441 = arith.muli %sub3A_1230, %mul3A_1440 : i32
        %add3A_1442 = arith.addi %mul3A_4, %mul3A_1441 : i32
        %add3A_1443 = arith.constant 11 : i32
        %add3A_1444 = arith.addi %add3A_1442, %add3A_1443 : i32
        %dma_wait3A_1445 = arith.constant 550 : i32
        %dma_wait3A_1446 = arith.constant 0 : i32
        %dma_wait3A_1447 = tpu.memref_slice %arg7[%dma_wait3A_1445, %dma_wait3A_1446] : memref<800x64xf32, #tpu.memory_space<vmem>> -> memref<50x64xf32, #tpu.memory_space<vmem>>
        %dma_wait3A_1448 = arith.constant 0 : i32
        %dma_wait3A_1449 = arith.constant 0 : i32
        %dma_wait3A_1450 = tpu.memref_slice %arg4[%add3A_1444, %dma_wait3A_1448, %dma_wait3A_1449] : memref<16384x56x128xf32, #tpu.memory_space<hbm>> -> memref<1x50x64xf32, #tpu.memory_space<hbm>>
        %dma_wait3A_1451 = tpu.memref_squeeze %dma_wait3A_1450 : memref<1x50x64xf32, #tpu.memory_space<hbm>> -> memref<50x64xf32, #tpu.memory_space<hbm>>
        %dma_wait3A_1452 = arith.constant 0 : i32
        %dma_wait3A_1453 = arith.constant 0 : i32
        %dma_wait3A_1454 = tpu.memref_slice %arg4[%add3A_1444, %dma_wait3A_1452, %dma_wait3A_1453] : memref<16384x56x128xf32, #tpu.memory_space<hbm>> -> memref<1x50x64xf32, #tpu.memory_space<hbm>>
        %dma_wait3A_1455 = tpu.memref_squeeze %dma_wait3A_1454 : memref<1x50x64xf32, #tpu.memory_space<hbm>> -> memref<50x64xf32, #tpu.memory_space<hbm>>
        %dma_wait3A_1456 = arith.constant 550 : i32
        %dma_wait3A_1457 = arith.constant 0 : i32
        %dma_wait3A_1458 = tpu.memref_slice %arg7[%dma_wait3A_1456, %dma_wait3A_1457] : memref<800x64xf32, #tpu.memory_space<vmem>> -> memref<50x64xf32, #tpu.memory_space<vmem>>
        tpu.wait_dma2 semaphore(%arg11 : memref<!tpu.dma_semaphore, #tpu.memory_space<semaphore_mem>>) src(%dma_wait3A_1458 : memref<50x64xf32, #tpu.memory_space<vmem>>) dst(%dma_wait3A_1455 : memref<50x64xf32, #tpu.memory_space<hbm>>)
        %mul3A_1459 = arith.constant 16 : i32
        %mul3A_1460 = arith.muli %sub3A_1230, %mul3A_1459 : i32
        %add3A_1461 = arith.addi %mul3A_4, %mul3A_1460 : i32
        %add3A_1462 = arith.constant 12 : i32
        %add3A_1463 = arith.addi %add3A_1461, %add3A_1462 : i32
        %dma_wait3A_1464 = arith.constant 600 : i32
        %dma_wait3A_1465 = arith.constant 0 : i32
        %dma_wait3A_1466 = tpu.memref_slice %arg7[%dma_wait3A_1464, %dma_wait3A_1465] : memref<800x64xf32, #tpu.memory_space<vmem>> -> memref<50x64xf32, #tpu.memory_space<vmem>>
        %dma_wait3A_1467 = arith.constant 0 : i32
        %dma_wait3A_1468 = arith.constant 0 : i32
        %dma_wait3A_1469 = tpu.memref_slice %arg4[%add3A_1463, %dma_wait3A_1467, %dma_wait3A_1468] : memref<16384x56x128xf32, #tpu.memory_space<hbm>> -> memref<1x50x64xf32, #tpu.memory_space<hbm>>
        %dma_wait3A_1470 = tpu.memref_squeeze %dma_wait3A_1469 : memref<1x50x64xf32, #tpu.memory_space<hbm>> -> memref<50x64xf32, #tpu.memory_space<hbm>>
        %dma_wait3A_1471 = arith.constant 0 : i32
        %dma_wait3A_1472 = arith.constant 0 : i32
        %dma_wait3A_1473 = tpu.memref_slice %arg4[%add3A_1463, %dma_wait3A_1471, %dma_wait3A_1472] : memref<16384x56x128xf32, #tpu.memory_space<hbm>> -> memref<1x50x64xf32, #tpu.memory_space<hbm>>
        %dma_wait3A_1474 = tpu.memref_squeeze %dma_wait3A_1473 : memref<1x50x64xf32, #tpu.memory_space<hbm>> -> memref<50x64xf32, #tpu.memory_space<hbm>>
        %dma_wait3A_1475 = arith.constant 600 : i32
        %dma_wait3A_1476 = arith.constant 0 : i32
        %dma_wait3A_1477 = tpu.memref_slice %arg7[%dma_wait3A_1475, %dma_wait3A_1476] : memref<800x64xf32, #tpu.memory_space<vmem>> -> memref<50x64xf32, #tpu.memory_space<vmem>>
        tpu.wait_dma2 semaphore(%arg11 : memref<!tpu.dma_semaphore, #tpu.memory_space<semaphore_mem>>) src(%dma_wait3A_1477 : memref<50x64xf32, #tpu.memory_space<vmem>>) dst(%dma_wait3A_1474 : memref<50x64xf32, #tpu.memory_space<hbm>>)
        %mul3A_1478 = arith.constant 16 : i32
        %mul3A_1479 = arith.muli %sub3A_1230, %mul3A_1478 : i32
        %add3A_1480 = arith.addi %mul3A_4, %mul3A_1479 : i32
        %add3A_1481 = arith.constant 13 : i32
        %add3A_1482 = arith.addi %add3A_1480, %add3A_1481 : i32
        %dma_wait3A_1483 = arith.constant 650 : i32
        %dma_wait3A_1484 = arith.constant 0 : i32
        %dma_wait3A_1485 = tpu.memref_slice %arg7[%dma_wait3A_1483, %dma_wait3A_1484] : memref<800x64xf32, #tpu.memory_space<vmem>> -> memref<50x64xf32, #tpu.memory_space<vmem>>
        %dma_wait3A_1486 = arith.constant 0 : i32
        %dma_wait3A_1487 = arith.constant 0 : i32
        %dma_wait3A_1488 = tpu.memref_slice %arg4[%add3A_1482, %dma_wait3A_1486, %dma_wait3A_1487] : memref<16384x56x128xf32, #tpu.memory_space<hbm>> -> memref<1x50x64xf32, #tpu.memory_space<hbm>>
        %dma_wait3A_1489 = tpu.memref_squeeze %dma_wait3A_1488 : memref<1x50x64xf32, #tpu.memory_space<hbm>> -> memref<50x64xf32, #tpu.memory_space<hbm>>
        %dma_wait3A_1490 = arith.constant 0 : i32
        %dma_wait3A_1491 = arith.constant 0 : i32
        %dma_wait3A_1492 = tpu.memref_slice %arg4[%add3A_1482, %dma_wait3A_1490, %dma_wait3A_1491] : memref<16384x56x128xf32, #tpu.memory_space<hbm>> -> memref<1x50x64xf32, #tpu.memory_space<hbm>>
        %dma_wait3A_1493 = tpu.memref_squeeze %dma_wait3A_1492 : memref<1x50x64xf32, #tpu.memory_space<hbm>> -> memref<50x64xf32, #tpu.memory_space<hbm>>
        %dma_wait3A_1494 = arith.constant 650 : i32
        %dma_wait3A_1495 = arith.constant 0 : i32
        %dma_wait3A_1496 = tpu.memref_slice %arg7[%dma_wait3A_1494, %dma_wait3A_1495] : memref<800x64xf32, #tpu.memory_space<vmem>> -> memref<50x64xf32, #tpu.memory_space<vmem>>
        tpu.wait_dma2 semaphore(%arg11 : memref<!tpu.dma_semaphore, #tpu.memory_space<semaphore_mem>>) src(%dma_wait3A_1496 : memref<50x64xf32, #tpu.memory_space<vmem>>) dst(%dma_wait3A_1493 : memref<50x64xf32, #tpu.memory_space<hbm>>)
        %mul3A_1497 = arith.constant 16 : i32
        %mul3A_1498 = arith.muli %sub3A_1230, %mul3A_1497 : i32
        %add3A_1499 = arith.addi %mul3A_4, %mul3A_1498 : i32
        %add3A_1500 = arith.constant 14 : i32
        %add3A_1501 = arith.addi %add3A_1499, %add3A_1500 : i32
        %dma_wait3A_1502 = arith.constant 700 : i32
        %dma_wait3A_1503 = arith.constant 0 : i32
        %dma_wait3A_1504 = tpu.memref_slice %arg7[%dma_wait3A_1502, %dma_wait3A_1503] : memref<800x64xf32, #tpu.memory_space<vmem>> -> memref<50x64xf32, #tpu.memory_space<vmem>>
        %dma_wait3A_1505 = arith.constant 0 : i32
        %dma_wait3A_1506 = arith.constant 0 : i32
        %dma_wait3A_1507 = tpu.memref_slice %arg4[%add3A_1501, %dma_wait3A_1505, %dma_wait3A_1506] : memref<16384x56x128xf32, #tpu.memory_space<hbm>> -> memref<1x50x64xf32, #tpu.memory_space<hbm>>
        %dma_wait3A_1508 = tpu.memref_squeeze %dma_wait3A_1507 : memref<1x50x64xf32, #tpu.memory_space<hbm>> -> memref<50x64xf32, #tpu.memory_space<hbm>>
        %dma_wait3A_1509 = arith.constant 0 : i32
        %dma_wait3A_1510 = arith.constant 0 : i32
        %dma_wait3A_1511 = tpu.memref_slice %arg4[%add3A_1501, %dma_wait3A_1509, %dma_wait3A_1510] : memref<16384x56x128xf32, #tpu.memory_space<hbm>> -> memref<1x50x64xf32, #tpu.memory_space<hbm>>
        %dma_wait3A_1512 = tpu.memref_squeeze %dma_wait3A_1511 : memref<1x50x64xf32, #tpu.memory_space<hbm>> -> memref<50x64xf32, #tpu.memory_space<hbm>>
        %dma_wait3A_1513 = arith.constant 700 : i32
        %dma_wait3A_1514 = arith.constant 0 : i32
        %dma_wait3A_1515 = tpu.memref_slice %arg7[%dma_wait3A_1513, %dma_wait3A_1514] : memref<800x64xf32, #tpu.memory_space<vmem>> -> memref<50x64xf32, #tpu.memory_space<vmem>>
        tpu.wait_dma2 semaphore(%arg11 : memref<!tpu.dma_semaphore, #tpu.memory_space<semaphore_mem>>) src(%dma_wait3A_1515 : memref<50x64xf32, #tpu.memory_space<vmem>>) dst(%dma_wait3A_1512 : memref<50x64xf32, #tpu.memory_space<hbm>>)
        %mul3A_1516 = arith.constant 16 : i32
        %mul3A_1517 = arith.muli %sub3A_1230, %mul3A_1516 : i32
        %add3A_1518 = arith.addi %mul3A_4, %mul3A_1517 : i32
        %add3A_1519 = arith.constant 15 : i32
        %add3A_1520 = arith.addi %add3A_1518, %add3A_1519 : i32
        %dma_wait3A_1521 = arith.constant 750 : i32
        %dma_wait3A_1522 = arith.constant 0 : i32
        %dma_wait3A_1523 = tpu.memref_slice %arg7[%dma_wait3A_1521, %dma_wait3A_1522] : memref<800x64xf32, #tpu.memory_space<vmem>> -> memref<50x64xf32, #tpu.memory_space<vmem>>
        %dma_wait3A_1524 = arith.constant 0 : i32
        %dma_wait3A_1525 = arith.constant 0 : i32
        %dma_wait3A_1526 = tpu.memref_slice %arg4[%add3A_1520, %dma_wait3A_1524, %dma_wait3A_1525] : memref<16384x56x128xf32, #tpu.memory_space<hbm>> -> memref<1x50x64xf32, #tpu.memory_space<hbm>>
        %dma_wait3A_1527 = tpu.memref_squeeze %dma_wait3A_1526 : memref<1x50x64xf32, #tpu.memory_space<hbm>> -> memref<50x64xf32, #tpu.memory_space<hbm>>
        %dma_wait3A_1528 = arith.constant 0 : i32
        %dma_wait3A_1529 = arith.constant 0 : i32
        %dma_wait3A_1530 = tpu.memref_slice %arg4[%add3A_1520, %dma_wait3A_1528, %dma_wait3A_1529] : memref<16384x56x128xf32, #tpu.memory_space<hbm>> -> memref<1x50x64xf32, #tpu.memory_space<hbm>>
        %dma_wait3A_1531 = tpu.memref_squeeze %dma_wait3A_1530 : memref<1x50x64xf32, #tpu.memory_space<hbm>> -> memref<50x64xf32, #tpu.memory_space<hbm>>
        %dma_wait3A_1532 = arith.constant 750 : i32
        %dma_wait3A_1533 = arith.constant 0 : i32
        %dma_wait3A_1534 = tpu.memref_slice %arg7[%dma_wait3A_1532, %dma_wait3A_1533] : memref<800x64xf32, #tpu.memory_space<vmem>> -> memref<50x64xf32, #tpu.memory_space<vmem>>
        tpu.wait_dma2 semaphore(%arg11 : memref<!tpu.dma_semaphore, #tpu.memory_space<semaphore_mem>>) src(%dma_wait3A_1534 : memref<50x64xf32, #tpu.memory_space<vmem>>) dst(%dma_wait3A_1531 : memref<50x64xf32, #tpu.memory_space<hbm>>)
      } else {
      }
      %add3A_594 = arith.constant 1 : i32
      %add3A_595 = arith.addi %mul3A_591, %add3A_594 : i32
      %mul3A_596 = arith.constant 800 : i32
      %mul3A_597 = arith.muli %add3A_595, %mul3A_596 : i32
      %dma_start3A_598 = tpu.memref_slice %arg5[%mul3A_597] : memref<25600xi32, #tpu.memory_space<vmem>> -> memref<800xi32, #tpu.memory_space<vmem>>
      %dma_start3A_599 = arith.constant 0 : i32
      %dma_start3A_600 = arith.constant 0 : i32
      %dma_start3A_601 = tpu.memref_slice %arg3[%dma_start3A_599, %dma_start3A_600] : memref<1000000x64xf32, #tpu.memory_space<hbm>> -> memref<1000000x64xf32, #tpu.memory_space<hbm>>
      tpu.enqueue_indirect_dma source(%dma_start3A_601 : memref<1000000x64xf32, #tpu.memory_space<hbm>>) target(%arg7 : memref<800x64xf32, #tpu.memory_space<vmem>>) offsets(%dma_start3A_598 : memref<800xi32, #tpu.memory_space<vmem>>) semaphore(%arg9 : memref<!tpu.dma_semaphore, #tpu.memory_space<semaphore_mem>>)
      %mul3A_602 = arith.constant 800 : i32
      %mul3A_603 = arith.muli %mul3A_591, %mul3A_602 : i32
      %dma_wait3A_604 = tpu.memref_slice %arg5[%mul3A_603] : memref<25600xi32, #tpu.memory_space<vmem>> -> memref<800xi32, #tpu.memory_space<vmem>>
      %dma_wait3A_605 = arith.constant 0 : i32
      %dma_wait3A_606 = arith.constant 0 : i32
      %dma_wait3A_607 = tpu.memref_slice %arg3[%dma_wait3A_605, %dma_wait3A_606] : memref<1000000x64xf32, #tpu.memory_space<hbm>> -> memref<1000000x64xf32, #tpu.memory_space<hbm>>
      tpu.wait_indirect_dma semaphore(%arg8 : memref<!tpu.dma_semaphore, #tpu.memory_space<semaphore_mem>>) src(%dma_wait3A_607 : memref<1000000x64xf32, #tpu.memory_space<hbm>>) dst(%arg6 : memref<800x64xf32, #tpu.memory_space<vmem>>)
      %mul3A_608 = arith.constant 16 : i32
      %mul3A_609 = arith.muli %mul3A_591, %mul3A_608 : i32
      %add3A_610 = arith.addi %mul3A_4, %mul3A_609 : i32
      %add3A_611 = arith.constant 0 : i32
      %add3A_612 = arith.addi %add3A_610, %add3A_611 : i32
      %dma_start3A_613 = arith.constant 0 : i32
      %dma_start3A_614 = arith.constant 0 : i32
      %dma_start3A_615 = tpu.memref_slice %arg6[%dma_start3A_613, %dma_start3A_614] : memref<800x64xf32, #tpu.memory_space<vmem>> -> memref<50x64xf32, #tpu.memory_space<vmem>>
      %dma_start3A_616 = arith.constant 0 : i32
      %dma_start3A_617 = arith.constant 0 : i32
      %dma_start3A_618 = tpu.memref_slice %arg4[%add3A_612, %dma_start3A_616, %dma_start3A_617] : memref<16384x56x128xf32, #tpu.memory_space<hbm>> -> memref<1x50x64xf32, #tpu.memory_space<hbm>>
      %dma_start3A_619 = tpu.memref_squeeze %dma_start3A_618 : memref<1x50x64xf32, #tpu.memory_space<hbm>> -> memref<50x64xf32, #tpu.memory_space<hbm>>
      %dma_start3A_620 = arith.constant 0 : i32
      %dma_start3A_621 = arith.constant 0 : i32
      %dma_start3A_622 = tpu.memref_slice %arg4[%add3A_612, %dma_start3A_620, %dma_start3A_621] : memref<16384x56x128xf32, #tpu.memory_space<hbm>> -> memref<1x50x64xf32, #tpu.memory_space<hbm>>
      %dma_start3A_623 = tpu.memref_squeeze %dma_start3A_622 : memref<1x50x64xf32, #tpu.memory_space<hbm>> -> memref<50x64xf32, #tpu.memory_space<hbm>>
      %dma_start3A_624 = arith.constant 0 : i32
      %dma_start3A_625 = arith.constant 0 : i32
      %dma_start3A_626 = tpu.memref_slice %arg6[%dma_start3A_624, %dma_start3A_625] : memref<800x64xf32, #tpu.memory_space<vmem>> -> memref<50x64xf32, #tpu.memory_space<vmem>>
      tpu.enqueue_dma source(%dma_start3A_626 : memref<50x64xf32, #tpu.memory_space<vmem>>) target(%dma_start3A_623 : memref<50x64xf32, #tpu.memory_space<hbm>>) target_semaphore(%arg10 : memref<!tpu.dma_semaphore, #tpu.memory_space<semaphore_mem>>)
      %mul3A_627 = arith.constant 16 : i32
      %mul3A_628 = arith.muli %mul3A_591, %mul3A_627 : i32
      %add3A_629 = arith.addi %mul3A_4, %mul3A_628 : i32
      %add3A_630 = arith.constant 1 : i32
      %add3A_631 = arith.addi %add3A_629, %add3A_630 : i32
      %dma_start3A_632 = arith.constant 50 : i32
      %dma_start3A_633 = arith.constant 0 : i32
      %dma_start3A_634 = tpu.memref_slice %arg6[%dma_start3A_632, %dma_start3A_633] : memref<800x64xf32, #tpu.memory_space<vmem>> -> memref<50x64xf32, #tpu.memory_space<vmem>>
      %dma_start3A_635 = arith.constant 0 : i32
      %dma_start3A_636 = arith.constant 0 : i32
      %dma_start3A_637 = tpu.memref_slice %arg4[%add3A_631, %dma_start3A_635, %dma_start3A_636] : memref<16384x56x128xf32, #tpu.memory_space<hbm>> -> memref<1x50x64xf32, #tpu.memory_space<hbm>>
      %dma_start3A_638 = tpu.memref_squeeze %dma_start3A_637 : memref<1x50x64xf32, #tpu.memory_space<hbm>> -> memref<50x64xf32, #tpu.memory_space<hbm>>
      %dma_start3A_639 = arith.constant 0 : i32
      %dma_start3A_640 = arith.constant 0 : i32
      %dma_start3A_641 = tpu.memref_slice %arg4[%add3A_631, %dma_start3A_639, %dma_start3A_640] : memref<16384x56x128xf32, #tpu.memory_space<hbm>> -> memref<1x50x64xf32, #tpu.memory_space<hbm>>
      %dma_start3A_642 = tpu.memref_squeeze %dma_start3A_641 : memref<1x50x64xf32, #tpu.memory_space<hbm>> -> memref<50x64xf32, #tpu.memory_space<hbm>>
      %dma_start3A_643 = arith.constant 50 : i32
      %dma_start3A_644 = arith.constant 0 : i32
      %dma_start3A_645 = tpu.memref_slice %arg6[%dma_start3A_643, %dma_start3A_644] : memref<800x64xf32, #tpu.memory_space<vmem>> -> memref<50x64xf32, #tpu.memory_space<vmem>>
      tpu.enqueue_dma source(%dma_start3A_645 : memref<50x64xf32, #tpu.memory_space<vmem>>) target(%dma_start3A_642 : memref<50x64xf32, #tpu.memory_space<hbm>>) target_semaphore(%arg10 : memref<!tpu.dma_semaphore, #tpu.memory_space<semaphore_mem>>)
      %mul3A_646 = arith.constant 16 : i32
      %mul3A_647 = arith.muli %mul3A_591, %mul3A_646 : i32
      %add3A_648 = arith.addi %mul3A_4, %mul3A_647 : i32
      %add3A_649 = arith.constant 2 : i32
      %add3A_650 = arith.addi %add3A_648, %add3A_649 : i32
      %dma_start3A_651 = arith.constant 100 : i32
      %dma_start3A_652 = arith.constant 0 : i32
      %dma_start3A_653 = tpu.memref_slice %arg6[%dma_start3A_651, %dma_start3A_652] : memref<800x64xf32, #tpu.memory_space<vmem>> -> memref<50x64xf32, #tpu.memory_space<vmem>>
      %dma_start3A_654 = arith.constant 0 : i32
      %dma_start3A_655 = arith.constant 0 : i32
      %dma_start3A_656 = tpu.memref_slice %arg4[%add3A_650, %dma_start3A_654, %dma_start3A_655] : memref<16384x56x128xf32, #tpu.memory_space<hbm>> -> memref<1x50x64xf32, #tpu.memory_space<hbm>>
      %dma_start3A_657 = tpu.memref_squeeze %dma_start3A_656 : memref<1x50x64xf32, #tpu.memory_space<hbm>> -> memref<50x64xf32, #tpu.memory_space<hbm>>
      %dma_start3A_658 = arith.constant 0 : i32
      %dma_start3A_659 = arith.constant 0 : i32
      %dma_start3A_660 = tpu.memref_slice %arg4[%add3A_650, %dma_start3A_658, %dma_start3A_659] : memref<16384x56x128xf32, #tpu.memory_space<hbm>> -> memref<1x50x64xf32, #tpu.memory_space<hbm>>
      %dma_start3A_661 = tpu.memref_squeeze %dma_start3A_660 : memref<1x50x64xf32, #tpu.memory_space<hbm>> -> memref<50x64xf32, #tpu.memory_space<hbm>>
      %dma_start3A_662 = arith.constant 100 : i32
      %dma_start3A_663 = arith.constant 0 : i32
      %dma_start3A_664 = tpu.memref_slice %arg6[%dma_start3A_662, %dma_start3A_663] : memref<800x64xf32, #tpu.memory_space<vmem>> -> memref<50x64xf32, #tpu.memory_space<vmem>>
      tpu.enqueue_dma source(%dma_start3A_664 : memref<50x64xf32, #tpu.memory_space<vmem>>) target(%dma_start3A_661 : memref<50x64xf32, #tpu.memory_space<hbm>>) target_semaphore(%arg10 : memref<!tpu.dma_semaphore, #tpu.memory_space<semaphore_mem>>)
      %mul3A_665 = arith.constant 16 : i32
      %mul3A_666 = arith.muli %mul3A_591, %mul3A_665 : i32
      %add3A_667 = arith.addi %mul3A_4, %mul3A_666 : i32
      %add3A_668 = arith.constant 3 : i32
      %add3A_669 = arith.addi %add3A_667, %add3A_668 : i32
      %dma_start3A_670 = arith.constant 150 : i32
      %dma_start3A_671 = arith.constant 0 : i32
      %dma_start3A_672 = tpu.memref_slice %arg6[%dma_start3A_670, %dma_start3A_671] : memref<800x64xf32, #tpu.memory_space<vmem>> -> memref<50x64xf32, #tpu.memory_space<vmem>>
      %dma_start3A_673 = arith.constant 0 : i32
      %dma_start3A_674 = arith.constant 0 : i32
      %dma_start3A_675 = tpu.memref_slice %arg4[%add3A_669, %dma_start3A_673, %dma_start3A_674] : memref<16384x56x128xf32, #tpu.memory_space<hbm>> -> memref<1x50x64xf32, #tpu.memory_space<hbm>>
      %dma_start3A_676 = tpu.memref_squeeze %dma_start3A_675 : memref<1x50x64xf32, #tpu.memory_space<hbm>> -> memref<50x64xf32, #tpu.memory_space<hbm>>
      %dma_start3A_677 = arith.constant 0 : i32
      %dma_start3A_678 = arith.constant 0 : i32
      %dma_start3A_679 = tpu.memref_slice %arg4[%add3A_669, %dma_start3A_677, %dma_start3A_678] : memref<16384x56x128xf32, #tpu.memory_space<hbm>> -> memref<1x50x64xf32, #tpu.memory_space<hbm>>
      %dma_start3A_680 = tpu.memref_squeeze %dma_start3A_679 : memref<1x50x64xf32, #tpu.memory_space<hbm>> -> memref<50x64xf32, #tpu.memory_space<hbm>>
      %dma_start3A_681 = arith.constant 150 : i32
      %dma_start3A_682 = arith.constant 0 : i32
      %dma_start3A_683 = tpu.memref_slice %arg6[%dma_start3A_681, %dma_start3A_682] : memref<800x64xf32, #tpu.memory_space<vmem>> -> memref<50x64xf32, #tpu.memory_space<vmem>>
      tpu.enqueue_dma source(%dma_start3A_683 : memref<50x64xf32, #tpu.memory_space<vmem>>) target(%dma_start3A_680 : memref<50x64xf32, #tpu.memory_space<hbm>>) target_semaphore(%arg10 : memref<!tpu.dma_semaphore, #tpu.memory_space<semaphore_mem>>)
      %mul3A_684 = arith.constant 16 : i32
      %mul3A_685 = arith.muli %mul3A_591, %mul3A_684 : i32
      %add3A_686 = arith.addi %mul3A_4, %mul3A_685 : i32
      %add3A_687 = arith.constant 4 : i32
      %add3A_688 = arith.addi %add3A_686, %add3A_687 : i32
      %dma_start3A_689 = arith.constant 200 : i32
      %dma_start3A_690 = arith.constant 0 : i32
      %dma_start3A_691 = tpu.memref_slice %arg6[%dma_start3A_689, %dma_start3A_690] : memref<800x64xf32, #tpu.memory_space<vmem>> -> memref<50x64xf32, #tpu.memory_space<vmem>>
      %dma_start3A_692 = arith.constant 0 : i32
      %dma_start3A_693 = arith.constant 0 : i32
      %dma_start3A_694 = tpu.memref_slice %arg4[%add3A_688, %dma_start3A_692, %dma_start3A_693] : memref<16384x56x128xf32, #tpu.memory_space<hbm>> -> memref<1x50x64xf32, #tpu.memory_space<hbm>>
      %dma_start3A_695 = tpu.memref_squeeze %dma_start3A_694 : memref<1x50x64xf32, #tpu.memory_space<hbm>> -> memref<50x64xf32, #tpu.memory_space<hbm>>
      %dma_start3A_696 = arith.constant 0 : i32
      %dma_start3A_697 = arith.constant 0 : i32
      %dma_start3A_698 = tpu.memref_slice %arg4[%add3A_688, %dma_start3A_696, %dma_start3A_697] : memref<16384x56x128xf32, #tpu.memory_space<hbm>> -> memref<1x50x64xf32, #tpu.memory_space<hbm>>
      %dma_start3A_699 = tpu.memref_squeeze %dma_start3A_698 : memref<1x50x64xf32, #tpu.memory_space<hbm>> -> memref<50x64xf32, #tpu.memory_space<hbm>>
      %dma_start3A_700 = arith.constant 200 : i32
      %dma_start3A_701 = arith.constant 0 : i32
      %dma_start3A_702 = tpu.memref_slice %arg6[%dma_start3A_700, %dma_start3A_701] : memref<800x64xf32, #tpu.memory_space<vmem>> -> memref<50x64xf32, #tpu.memory_space<vmem>>
      tpu.enqueue_dma source(%dma_start3A_702 : memref<50x64xf32, #tpu.memory_space<vmem>>) target(%dma_start3A_699 : memref<50x64xf32, #tpu.memory_space<hbm>>) target_semaphore(%arg10 : memref<!tpu.dma_semaphore, #tpu.memory_space<semaphore_mem>>)
      %mul3A_703 = arith.constant 16 : i32
      %mul3A_704 = arith.muli %mul3A_591, %mul3A_703 : i32
      %add3A_705 = arith.addi %mul3A_4, %mul3A_704 : i32
      %add3A_706 = arith.constant 5 : i32
      %add3A_707 = arith.addi %add3A_705, %add3A_706 : i32
      %dma_start3A_708 = arith.constant 250 : i32
      %dma_start3A_709 = arith.constant 0 : i32
      %dma_start3A_710 = tpu.memref_slice %arg6[%dma_start3A_708, %dma_start3A_709] : memref<800x64xf32, #tpu.memory_space<vmem>> -> memref<50x64xf32, #tpu.memory_space<vmem>>
      %dma_start3A_711 = arith.constant 0 : i32
      %dma_start3A_712 = arith.constant 0 : i32
      %dma_start3A_713 = tpu.memref_slice %arg4[%add3A_707, %dma_start3A_711, %dma_start3A_712] : memref<16384x56x128xf32, #tpu.memory_space<hbm>> -> memref<1x50x64xf32, #tpu.memory_space<hbm>>
      %dma_start3A_714 = tpu.memref_squeeze %dma_start3A_713 : memref<1x50x64xf32, #tpu.memory_space<hbm>> -> memref<50x64xf32, #tpu.memory_space<hbm>>
      %dma_start3A_715 = arith.constant 0 : i32
      %dma_start3A_716 = arith.constant 0 : i32
      %dma_start3A_717 = tpu.memref_slice %arg4[%add3A_707, %dma_start3A_715, %dma_start3A_716] : memref<16384x56x128xf32, #tpu.memory_space<hbm>> -> memref<1x50x64xf32, #tpu.memory_space<hbm>>
      %dma_start3A_718 = tpu.memref_squeeze %dma_start3A_717 : memref<1x50x64xf32, #tpu.memory_space<hbm>> -> memref<50x64xf32, #tpu.memory_space<hbm>>
      %dma_start3A_719 = arith.constant 250 : i32
      %dma_start3A_720 = arith.constant 0 : i32
      %dma_start3A_721 = tpu.memref_slice %arg6[%dma_start3A_719, %dma_start3A_720] : memref<800x64xf32, #tpu.memory_space<vmem>> -> memref<50x64xf32, #tpu.memory_space<vmem>>
      tpu.enqueue_dma source(%dma_start3A_721 : memref<50x64xf32, #tpu.memory_space<vmem>>) target(%dma_start3A_718 : memref<50x64xf32, #tpu.memory_space<hbm>>) target_semaphore(%arg10 : memref<!tpu.dma_semaphore, #tpu.memory_space<semaphore_mem>>)
      %mul3A_722 = arith.constant 16 : i32
      %mul3A_723 = arith.muli %mul3A_591, %mul3A_722 : i32
      %add3A_724 = arith.addi %mul3A_4, %mul3A_723 : i32
      %add3A_725 = arith.constant 6 : i32
      %add3A_726 = arith.addi %add3A_724, %add3A_725 : i32
      %dma_start3A_727 = arith.constant 300 : i32
      %dma_start3A_728 = arith.constant 0 : i32
      %dma_start3A_729 = tpu.memref_slice %arg6[%dma_start3A_727, %dma_start3A_728] : memref<800x64xf32, #tpu.memory_space<vmem>> -> memref<50x64xf32, #tpu.memory_space<vmem>>
      %dma_start3A_730 = arith.constant 0 : i32
      %dma_start3A_731 = arith.constant 0 : i32
      %dma_start3A_732 = tpu.memref_slice %arg4[%add3A_726, %dma_start3A_730, %dma_start3A_731] : memref<16384x56x128xf32, #tpu.memory_space<hbm>> -> memref<1x50x64xf32, #tpu.memory_space<hbm>>
      %dma_start3A_733 = tpu.memref_squeeze %dma_start3A_732 : memref<1x50x64xf32, #tpu.memory_space<hbm>> -> memref<50x64xf32, #tpu.memory_space<hbm>>
      %dma_start3A_734 = arith.constant 0 : i32
      %dma_start3A_735 = arith.constant 0 : i32
      %dma_start3A_736 = tpu.memref_slice %arg4[%add3A_726, %dma_start3A_734, %dma_start3A_735] : memref<16384x56x128xf32, #tpu.memory_space<hbm>> -> memref<1x50x64xf32, #tpu.memory_space<hbm>>
      %dma_start3A_737 = tpu.memref_squeeze %dma_start3A_736 : memref<1x50x64xf32, #tpu.memory_space<hbm>> -> memref<50x64xf32, #tpu.memory_space<hbm>>
      %dma_start3A_738 = arith.constant 300 : i32
      %dma_start3A_739 = arith.constant 0 : i32
      %dma_start3A_740 = tpu.memref_slice %arg6[%dma_start3A_738, %dma_start3A_739] : memref<800x64xf32, #tpu.memory_space<vmem>> -> memref<50x64xf32, #tpu.memory_space<vmem>>
      tpu.enqueue_dma source(%dma_start3A_740 : memref<50x64xf32, #tpu.memory_space<vmem>>) target(%dma_start3A_737 : memref<50x64xf32, #tpu.memory_space<hbm>>) target_semaphore(%arg10 : memref<!tpu.dma_semaphore, #tpu.memory_space<semaphore_mem>>)
      %mul3A_741 = arith.constant 16 : i32
      %mul3A_742 = arith.muli %mul3A_591, %mul3A_741 : i32
      %add3A_743 = arith.addi %mul3A_4, %mul3A_742 : i32
      %add3A_744 = arith.constant 7 : i32
      %add3A_745 = arith.addi %add3A_743, %add3A_744 : i32
      %dma_start3A_746 = arith.constant 350 : i32
      %dma_start3A_747 = arith.constant 0 : i32
      %dma_start3A_748 = tpu.memref_slice %arg6[%dma_start3A_746, %dma_start3A_747] : memref<800x64xf32, #tpu.memory_space<vmem>> -> memref<50x64xf32, #tpu.memory_space<vmem>>
      %dma_start3A_749 = arith.constant 0 : i32
      %dma_start3A_750 = arith.constant 0 : i32
      %dma_start3A_751 = tpu.memref_slice %arg4[%add3A_745, %dma_start3A_749, %dma_start3A_750] : memref<16384x56x128xf32, #tpu.memory_space<hbm>> -> memref<1x50x64xf32, #tpu.memory_space<hbm>>
      %dma_start3A_752 = tpu.memref_squeeze %dma_start3A_751 : memref<1x50x64xf32, #tpu.memory_space<hbm>> -> memref<50x64xf32, #tpu.memory_space<hbm>>
      %dma_start3A_753 = arith.constant 0 : i32
      %dma_start3A_754 = arith.constant 0 : i32
      %dma_start3A_755 = tpu.memref_slice %arg4[%add3A_745, %dma_start3A_753, %dma_start3A_754] : memref<16384x56x128xf32, #tpu.memory_space<hbm>> -> memref<1x50x64xf32, #tpu.memory_space<hbm>>
      %dma_start3A_756 = tpu.memref_squeeze %dma_start3A_755 : memref<1x50x64xf32, #tpu.memory_space<hbm>> -> memref<50x64xf32, #tpu.memory_space<hbm>>
      %dma_start3A_757 = arith.constant 350 : i32
      %dma_start3A_758 = arith.constant 0 : i32
      %dma_start3A_759 = tpu.memref_slice %arg6[%dma_start3A_757, %dma_start3A_758] : memref<800x64xf32, #tpu.memory_space<vmem>> -> memref<50x64xf32, #tpu.memory_space<vmem>>
      tpu.enqueue_dma source(%dma_start3A_759 : memref<50x64xf32, #tpu.memory_space<vmem>>) target(%dma_start3A_756 : memref<50x64xf32, #tpu.memory_space<hbm>>) target_semaphore(%arg10 : memref<!tpu.dma_semaphore, #tpu.memory_space<semaphore_mem>>)
      %mul3A_760 = arith.constant 16 : i32
      %mul3A_761 = arith.muli %mul3A_591, %mul3A_760 : i32
      %add3A_762 = arith.addi %mul3A_4, %mul3A_761 : i32
      %add3A_763 = arith.constant 8 : i32
      %add3A_764 = arith.addi %add3A_762, %add3A_763 : i32
      %dma_start3A_765 = arith.constant 400 : i32
      %dma_start3A_766 = arith.constant 0 : i32
      %dma_start3A_767 = tpu.memref_slice %arg6[%dma_start3A_765, %dma_start3A_766] : memref<800x64xf32, #tpu.memory_space<vmem>> -> memref<50x64xf32, #tpu.memory_space<vmem>>
      %dma_start3A_768 = arith.constant 0 : i32
      %dma_start3A_769 = arith.constant 0 : i32
      %dma_start3A_770 = tpu.memref_slice %arg4[%add3A_764, %dma_start3A_768, %dma_start3A_769] : memref<16384x56x128xf32, #tpu.memory_space<hbm>> -> memref<1x50x64xf32, #tpu.memory_space<hbm>>
      %dma_start3A_771 = tpu.memref_squeeze %dma_start3A_770 : memref<1x50x64xf32, #tpu.memory_space<hbm>> -> memref<50x64xf32, #tpu.memory_space<hbm>>
      %dma_start3A_772 = arith.constant 0 : i32
      %dma_start3A_773 = arith.constant 0 : i32
      %dma_start3A_774 = tpu.memref_slice %arg4[%add3A_764, %dma_start3A_772, %dma_start3A_773] : memref<16384x56x128xf32, #tpu.memory_space<hbm>> -> memref<1x50x64xf32, #tpu.memory_space<hbm>>
      %dma_start3A_775 = tpu.memref_squeeze %dma_start3A_774 : memref<1x50x64xf32, #tpu.memory_space<hbm>> -> memref<50x64xf32, #tpu.memory_space<hbm>>
      %dma_start3A_776 = arith.constant 400 : i32
      %dma_start3A_777 = arith.constant 0 : i32
      %dma_start3A_778 = tpu.memref_slice %arg6[%dma_start3A_776, %dma_start3A_777] : memref<800x64xf32, #tpu.memory_space<vmem>> -> memref<50x64xf32, #tpu.memory_space<vmem>>
      tpu.enqueue_dma source(%dma_start3A_778 : memref<50x64xf32, #tpu.memory_space<vmem>>) target(%dma_start3A_775 : memref<50x64xf32, #tpu.memory_space<hbm>>) target_semaphore(%arg10 : memref<!tpu.dma_semaphore, #tpu.memory_space<semaphore_mem>>)
      %mul3A_779 = arith.constant 16 : i32
      %mul3A_780 = arith.muli %mul3A_591, %mul3A_779 : i32
      %add3A_781 = arith.addi %mul3A_4, %mul3A_780 : i32
      %add3A_782 = arith.constant 9 : i32
      %add3A_783 = arith.addi %add3A_781, %add3A_782 : i32
      %dma_start3A_784 = arith.constant 450 : i32
      %dma_start3A_785 = arith.constant 0 : i32
      %dma_start3A_786 = tpu.memref_slice %arg6[%dma_start3A_784, %dma_start3A_785] : memref<800x64xf32, #tpu.memory_space<vmem>> -> memref<50x64xf32, #tpu.memory_space<vmem>>
      %dma_start3A_787 = arith.constant 0 : i32
      %dma_start3A_788 = arith.constant 0 : i32
      %dma_start3A_789 = tpu.memref_slice %arg4[%add3A_783, %dma_start3A_787, %dma_start3A_788] : memref<16384x56x128xf32, #tpu.memory_space<hbm>> -> memref<1x50x64xf32, #tpu.memory_space<hbm>>
      %dma_start3A_790 = tpu.memref_squeeze %dma_start3A_789 : memref<1x50x64xf32, #tpu.memory_space<hbm>> -> memref<50x64xf32, #tpu.memory_space<hbm>>
      %dma_start3A_791 = arith.constant 0 : i32
      %dma_start3A_792 = arith.constant 0 : i32
      %dma_start3A_793 = tpu.memref_slice %arg4[%add3A_783, %dma_start3A_791, %dma_start3A_792] : memref<16384x56x128xf32, #tpu.memory_space<hbm>> -> memref<1x50x64xf32, #tpu.memory_space<hbm>>
      %dma_start3A_794 = tpu.memref_squeeze %dma_start3A_793 : memref<1x50x64xf32, #tpu.memory_space<hbm>> -> memref<50x64xf32, #tpu.memory_space<hbm>>
      %dma_start3A_795 = arith.constant 450 : i32
      %dma_start3A_796 = arith.constant 0 : i32
      %dma_start3A_797 = tpu.memref_slice %arg6[%dma_start3A_795, %dma_start3A_796] : memref<800x64xf32, #tpu.memory_space<vmem>> -> memref<50x64xf32, #tpu.memory_space<vmem>>
      tpu.enqueue_dma source(%dma_start3A_797 : memref<50x64xf32, #tpu.memory_space<vmem>>) target(%dma_start3A_794 : memref<50x64xf32, #tpu.memory_space<hbm>>) target_semaphore(%arg10 : memref<!tpu.dma_semaphore, #tpu.memory_space<semaphore_mem>>)
      %mul3A_798 = arith.constant 16 : i32
      %mul3A_799 = arith.muli %mul3A_591, %mul3A_798 : i32
      %add3A_800 = arith.addi %mul3A_4, %mul3A_799 : i32
      %add3A_801 = arith.constant 10 : i32
      %add3A_802 = arith.addi %add3A_800, %add3A_801 : i32
      %dma_start3A_803 = arith.constant 500 : i32
      %dma_start3A_804 = arith.constant 0 : i32
      %dma_start3A_805 = tpu.memref_slice %arg6[%dma_start3A_803, %dma_start3A_804] : memref<800x64xf32, #tpu.memory_space<vmem>> -> memref<50x64xf32, #tpu.memory_space<vmem>>
      %dma_start3A_806 = arith.constant 0 : i32
      %dma_start3A_807 = arith.constant 0 : i32
      %dma_start3A_808 = tpu.memref_slice %arg4[%add3A_802, %dma_start3A_806, %dma_start3A_807] : memref<16384x56x128xf32, #tpu.memory_space<hbm>> -> memref<1x50x64xf32, #tpu.memory_space<hbm>>
      %dma_start3A_809 = tpu.memref_squeeze %dma_start3A_808 : memref<1x50x64xf32, #tpu.memory_space<hbm>> -> memref<50x64xf32, #tpu.memory_space<hbm>>
      %dma_start3A_810 = arith.constant 0 : i32
      %dma_start3A_811 = arith.constant 0 : i32
      %dma_start3A_812 = tpu.memref_slice %arg4[%add3A_802, %dma_start3A_810, %dma_start3A_811] : memref<16384x56x128xf32, #tpu.memory_space<hbm>> -> memref<1x50x64xf32, #tpu.memory_space<hbm>>
      %dma_start3A_813 = tpu.memref_squeeze %dma_start3A_812 : memref<1x50x64xf32, #tpu.memory_space<hbm>> -> memref<50x64xf32, #tpu.memory_space<hbm>>
      %dma_start3A_814 = arith.constant 500 : i32
      %dma_start3A_815 = arith.constant 0 : i32
      %dma_start3A_816 = tpu.memref_slice %arg6[%dma_start3A_814, %dma_start3A_815] : memref<800x64xf32, #tpu.memory_space<vmem>> -> memref<50x64xf32, #tpu.memory_space<vmem>>
      tpu.enqueue_dma source(%dma_start3A_816 : memref<50x64xf32, #tpu.memory_space<vmem>>) target(%dma_start3A_813 : memref<50x64xf32, #tpu.memory_space<hbm>>) target_semaphore(%arg10 : memref<!tpu.dma_semaphore, #tpu.memory_space<semaphore_mem>>)
      %mul3A_817 = arith.constant 16 : i32
      %mul3A_818 = arith.muli %mul3A_591, %mul3A_817 : i32
      %add3A_819 = arith.addi %mul3A_4, %mul3A_818 : i32
      %add3A_820 = arith.constant 11 : i32
      %add3A_821 = arith.addi %add3A_819, %add3A_820 : i32
      %dma_start3A_822 = arith.constant 550 : i32
      %dma_start3A_823 = arith.constant 0 : i32
      %dma_start3A_824 = tpu.memref_slice %arg6[%dma_start3A_822, %dma_start3A_823] : memref<800x64xf32, #tpu.memory_space<vmem>> -> memref<50x64xf32, #tpu.memory_space<vmem>>
      %dma_start3A_825 = arith.constant 0 : i32
      %dma_start3A_826 = arith.constant 0 : i32
      %dma_start3A_827 = tpu.memref_slice %arg4[%add3A_821, %dma_start3A_825, %dma_start3A_826] : memref<16384x56x128xf32, #tpu.memory_space<hbm>> -> memref<1x50x64xf32, #tpu.memory_space<hbm>>
      %dma_start3A_828 = tpu.memref_squeeze %dma_start3A_827 : memref<1x50x64xf32, #tpu.memory_space<hbm>> -> memref<50x64xf32, #tpu.memory_space<hbm>>
      %dma_start3A_829 = arith.constant 0 : i32
      %dma_start3A_830 = arith.constant 0 : i32
      %dma_start3A_831 = tpu.memref_slice %arg4[%add3A_821, %dma_start3A_829, %dma_start3A_830] : memref<16384x56x128xf32, #tpu.memory_space<hbm>> -> memref<1x50x64xf32, #tpu.memory_space<hbm>>
      %dma_start3A_832 = tpu.memref_squeeze %dma_start3A_831 : memref<1x50x64xf32, #tpu.memory_space<hbm>> -> memref<50x64xf32, #tpu.memory_space<hbm>>
      %dma_start3A_833 = arith.constant 550 : i32
      %dma_start3A_834 = arith.constant 0 : i32
      %dma_start3A_835 = tpu.memref_slice %arg6[%dma_start3A_833, %dma_start3A_834] : memref<800x64xf32, #tpu.memory_space<vmem>> -> memref<50x64xf32, #tpu.memory_space<vmem>>
      tpu.enqueue_dma source(%dma_start3A_835 : memref<50x64xf32, #tpu.memory_space<vmem>>) target(%dma_start3A_832 : memref<50x64xf32, #tpu.memory_space<hbm>>) target_semaphore(%arg10 : memref<!tpu.dma_semaphore, #tpu.memory_space<semaphore_mem>>)
      %mul3A_836 = arith.constant 16 : i32
      %mul3A_837 = arith.muli %mul3A_591, %mul3A_836 : i32
      %add3A_838 = arith.addi %mul3A_4, %mul3A_837 : i32
      %add3A_839 = arith.constant 12 : i32
      %add3A_840 = arith.addi %add3A_838, %add3A_839 : i32
      %dma_start3A_841 = arith.constant 600 : i32
      %dma_start3A_842 = arith.constant 0 : i32
      %dma_start3A_843 = tpu.memref_slice %arg6[%dma_start3A_841, %dma_start3A_842] : memref<800x64xf32, #tpu.memory_space<vmem>> -> memref<50x64xf32, #tpu.memory_space<vmem>>
      %dma_start3A_844 = arith.constant 0 : i32
      %dma_start3A_845 = arith.constant 0 : i32
      %dma_start3A_846 = tpu.memref_slice %arg4[%add3A_840, %dma_start3A_844, %dma_start3A_845] : memref<16384x56x128xf32, #tpu.memory_space<hbm>> -> memref<1x50x64xf32, #tpu.memory_space<hbm>>
      %dma_start3A_847 = tpu.memref_squeeze %dma_start3A_846 : memref<1x50x64xf32, #tpu.memory_space<hbm>> -> memref<50x64xf32, #tpu.memory_space<hbm>>
      %dma_start3A_848 = arith.constant 0 : i32
      %dma_start3A_849 = arith.constant 0 : i32
      %dma_start3A_850 = tpu.memref_slice %arg4[%add3A_840, %dma_start3A_848, %dma_start3A_849] : memref<16384x56x128xf32, #tpu.memory_space<hbm>> -> memref<1x50x64xf32, #tpu.memory_space<hbm>>
      %dma_start3A_851 = tpu.memref_squeeze %dma_start3A_850 : memref<1x50x64xf32, #tpu.memory_space<hbm>> -> memref<50x64xf32, #tpu.memory_space<hbm>>
      %dma_start3A_852 = arith.constant 600 : i32
      %dma_start3A_853 = arith.constant 0 : i32
      %dma_start3A_854 = tpu.memref_slice %arg6[%dma_start3A_852, %dma_start3A_853] : memref<800x64xf32, #tpu.memory_space<vmem>> -> memref<50x64xf32, #tpu.memory_space<vmem>>
      tpu.enqueue_dma source(%dma_start3A_854 : memref<50x64xf32, #tpu.memory_space<vmem>>) target(%dma_start3A_851 : memref<50x64xf32, #tpu.memory_space<hbm>>) target_semaphore(%arg10 : memref<!tpu.dma_semaphore, #tpu.memory_space<semaphore_mem>>)
      %mul3A_855 = arith.constant 16 : i32
      %mul3A_856 = arith.muli %mul3A_591, %mul3A_855 : i32
      %add3A_857 = arith.addi %mul3A_4, %mul3A_856 : i32
      %add3A_858 = arith.constant 13 : i32
      %add3A_859 = arith.addi %add3A_857, %add3A_858 : i32
      %dma_start3A_860 = arith.constant 650 : i32
      %dma_start3A_861 = arith.constant 0 : i32
      %dma_start3A_862 = tpu.memref_slice %arg6[%dma_start3A_860, %dma_start3A_861] : memref<800x64xf32, #tpu.memory_space<vmem>> -> memref<50x64xf32, #tpu.memory_space<vmem>>
      %dma_start3A_863 = arith.constant 0 : i32
      %dma_start3A_864 = arith.constant 0 : i32
      %dma_start3A_865 = tpu.memref_slice %arg4[%add3A_859, %dma_start3A_863, %dma_start3A_864] : memref<16384x56x128xf32, #tpu.memory_space<hbm>> -> memref<1x50x64xf32, #tpu.memory_space<hbm>>
      %dma_start3A_866 = tpu.memref_squeeze %dma_start3A_865 : memref<1x50x64xf32, #tpu.memory_space<hbm>> -> memref<50x64xf32, #tpu.memory_space<hbm>>
      %dma_start3A_867 = arith.constant 0 : i32
      %dma_start3A_868 = arith.constant 0 : i32
      %dma_start3A_869 = tpu.memref_slice %arg4[%add3A_859, %dma_start3A_867, %dma_start3A_868] : memref<16384x56x128xf32, #tpu.memory_space<hbm>> -> memref<1x50x64xf32, #tpu.memory_space<hbm>>
      %dma_start3A_870 = tpu.memref_squeeze %dma_start3A_869 : memref<1x50x64xf32, #tpu.memory_space<hbm>> -> memref<50x64xf32, #tpu.memory_space<hbm>>
      %dma_start3A_871 = arith.constant 650 : i32
      %dma_start3A_872 = arith.constant 0 : i32
      %dma_start3A_873 = tpu.memref_slice %arg6[%dma_start3A_871, %dma_start3A_872] : memref<800x64xf32, #tpu.memory_space<vmem>> -> memref<50x64xf32, #tpu.memory_space<vmem>>
      tpu.enqueue_dma source(%dma_start3A_873 : memref<50x64xf32, #tpu.memory_space<vmem>>) target(%dma_start3A_870 : memref<50x64xf32, #tpu.memory_space<hbm>>) target_semaphore(%arg10 : memref<!tpu.dma_semaphore, #tpu.memory_space<semaphore_mem>>)
      %mul3A_874 = arith.constant 16 : i32
      %mul3A_875 = arith.muli %mul3A_591, %mul3A_874 : i32
      %add3A_876 = arith.addi %mul3A_4, %mul3A_875 : i32
      %add3A_877 = arith.constant 14 : i32
      %add3A_878 = arith.addi %add3A_876, %add3A_877 : i32
      %dma_start3A_879 = arith.constant 700 : i32
      %dma_start3A_880 = arith.constant 0 : i32
      %dma_start3A_881 = tpu.memref_slice %arg6[%dma_start3A_879, %dma_start3A_880] : memref<800x64xf32, #tpu.memory_space<vmem>> -> memref<50x64xf32, #tpu.memory_space<vmem>>
      %dma_start3A_882 = arith.constant 0 : i32
      %dma_start3A_883 = arith.constant 0 : i32
      %dma_start3A_884 = tpu.memref_slice %arg4[%add3A_878, %dma_start3A_882, %dma_start3A_883] : memref<16384x56x128xf32, #tpu.memory_space<hbm>> -> memref<1x50x64xf32, #tpu.memory_space<hbm>>
      %dma_start3A_885 = tpu.memref_squeeze %dma_start3A_884 : memref<1x50x64xf32, #tpu.memory_space<hbm>> -> memref<50x64xf32, #tpu.memory_space<hbm>>
      %dma_start3A_886 = arith.constant 0 : i32
      %dma_start3A_887 = arith.constant 0 : i32
      %dma_start3A_888 = tpu.memref_slice %arg4[%add3A_878, %dma_start3A_886, %dma_start3A_887] : memref<16384x56x128xf32, #tpu.memory_space<hbm>> -> memref<1x50x64xf32, #tpu.memory_space<hbm>>
      %dma_start3A_889 = tpu.memref_squeeze %dma_start3A_888 : memref<1x50x64xf32, #tpu.memory_space<hbm>> -> memref<50x64xf32, #tpu.memory_space<hbm>>
      %dma_start3A_890 = arith.constant 700 : i32
      %dma_start3A_891 = arith.constant 0 : i32
      %dma_start3A_892 = tpu.memref_slice %arg6[%dma_start3A_890, %dma_start3A_891] : memref<800x64xf32, #tpu.memory_space<vmem>> -> memref<50x64xf32, #tpu.memory_space<vmem>>
      tpu.enqueue_dma source(%dma_start3A_892 : memref<50x64xf32, #tpu.memory_space<vmem>>) target(%dma_start3A_889 : memref<50x64xf32, #tpu.memory_space<hbm>>) target_semaphore(%arg10 : memref<!tpu.dma_semaphore, #tpu.memory_space<semaphore_mem>>)
      %mul3A_893 = arith.constant 16 : i32
      %mul3A_894 = arith.muli %mul3A_591, %mul3A_893 : i32
      %add3A_895 = arith.addi %mul3A_4, %mul3A_894 : i32
      %add3A_896 = arith.constant 15 : i32
      %add3A_897 = arith.addi %add3A_895, %add3A_896 : i32
      %dma_start3A_898 = arith.constant 750 : i32
      %dma_start3A_899 = arith.constant 0 : i32
      %dma_start3A_900 = tpu.memref_slice %arg6[%dma_start3A_898, %dma_start3A_899] : memref<800x64xf32, #tpu.memory_space<vmem>> -> memref<50x64xf32, #tpu.memory_space<vmem>>
      %dma_start3A_901 = arith.constant 0 : i32
      %dma_start3A_902 = arith.constant 0 : i32
      %dma_start3A_903 = tpu.memref_slice %arg4[%add3A_897, %dma_start3A_901, %dma_start3A_902] : memref<16384x56x128xf32, #tpu.memory_space<hbm>> -> memref<1x50x64xf32, #tpu.memory_space<hbm>>
      %dma_start3A_904 = tpu.memref_squeeze %dma_start3A_903 : memref<1x50x64xf32, #tpu.memory_space<hbm>> -> memref<50x64xf32, #tpu.memory_space<hbm>>
      %dma_start3A_905 = arith.constant 0 : i32
      %dma_start3A_906 = arith.constant 0 : i32
      %dma_start3A_907 = tpu.memref_slice %arg4[%add3A_897, %dma_start3A_905, %dma_start3A_906] : memref<16384x56x128xf32, #tpu.memory_space<hbm>> -> memref<1x50x64xf32, #tpu.memory_space<hbm>>
      %dma_start3A_908 = tpu.memref_squeeze %dma_start3A_907 : memref<1x50x64xf32, #tpu.memory_space<hbm>> -> memref<50x64xf32, #tpu.memory_space<hbm>>
      %dma_start3A_909 = arith.constant 750 : i32
      %dma_start3A_910 = arith.constant 0 : i32
      %dma_start3A_911 = tpu.memref_slice %arg6[%dma_start3A_909, %dma_start3A_910] : memref<800x64xf32, #tpu.memory_space<vmem>> -> memref<50x64xf32, #tpu.memory_space<vmem>>
      tpu.enqueue_dma source(%dma_start3A_911 : memref<50x64xf32, #tpu.memory_space<vmem>>) target(%dma_start3A_908 : memref<50x64xf32, #tpu.memory_space<hbm>>) target_semaphore(%arg10 : memref<!tpu.dma_semaphore, #tpu.memory_space<semaphore_mem>>)
      %lt3A = arith.constant 15 : i32
      %lt3A_912 = arith.cmpi slt, %scan3A_589, %lt3A : i32
      %convert_element_type3A_913 = arith.extui %lt3A_912 : i1 to i32
      %cond3A_914 = arith.constant 0 : i32
      %cond3A_915 = arith.cmpi ne, %convert_element_type3A_913, %cond3A_914 : i32
      scf.if %cond3A_915 {
        %mul3A_1230 = arith.constant 16 : i32
        %mul3A_1231 = arith.muli %mul3A_591, %mul3A_1230 : i32
        %add3A_1232 = arith.addi %mul3A_4, %mul3A_1231 : i32
        %add3A_1233 = arith.constant 0 : i32
        %add3A_1234 = arith.addi %add3A_1232, %add3A_1233 : i32
        %dma_wait3A_1235 = arith.constant 0 : i32
        %dma_wait3A_1236 = arith.constant 0 : i32
        %dma_wait3A_1237 = tpu.memref_slice %arg6[%dma_wait3A_1235, %dma_wait3A_1236] : memref<800x64xf32, #tpu.memory_space<vmem>> -> memref<50x64xf32, #tpu.memory_space<vmem>>
        %dma_wait3A_1238 = arith.constant 0 : i32
        %dma_wait3A_1239 = arith.constant 0 : i32
        %dma_wait3A_1240 = tpu.memref_slice %arg4[%add3A_1234, %dma_wait3A_1238, %dma_wait3A_1239] : memref<16384x56x128xf32, #tpu.memory_space<hbm>> -> memref<1x50x64xf32, #tpu.memory_space<hbm>>
        %dma_wait3A_1241 = tpu.memref_squeeze %dma_wait3A_1240 : memref<1x50x64xf32, #tpu.memory_space<hbm>> -> memref<50x64xf32, #tpu.memory_space<hbm>>
        %dma_wait3A_1242 = arith.constant 0 : i32
        %dma_wait3A_1243 = arith.constant 0 : i32
        %dma_wait3A_1244 = tpu.memref_slice %arg4[%add3A_1234, %dma_wait3A_1242, %dma_wait3A_1243] : memref<16384x56x128xf32, #tpu.memory_space<hbm>> -> memref<1x50x64xf32, #tpu.memory_space<hbm>>
        %dma_wait3A_1245 = tpu.memref_squeeze %dma_wait3A_1244 : memref<1x50x64xf32, #tpu.memory_space<hbm>> -> memref<50x64xf32, #tpu.memory_space<hbm>>
        %dma_wait3A_1246 = arith.constant 0 : i32
        %dma_wait3A_1247 = arith.constant 0 : i32
        %dma_wait3A_1248 = tpu.memref_slice %arg6[%dma_wait3A_1246, %dma_wait3A_1247] : memref<800x64xf32, #tpu.memory_space<vmem>> -> memref<50x64xf32, #tpu.memory_space<vmem>>
        tpu.wait_dma2 semaphore(%arg10 : memref<!tpu.dma_semaphore, #tpu.memory_space<semaphore_mem>>) src(%dma_wait3A_1248 : memref<50x64xf32, #tpu.memory_space<vmem>>) dst(%dma_wait3A_1245 : memref<50x64xf32, #tpu.memory_space<hbm>>)
        %mul3A_1249 = arith.constant 16 : i32
        %mul3A_1250 = arith.muli %mul3A_591, %mul3A_1249 : i32
        %add3A_1251 = arith.addi %mul3A_4, %mul3A_1250 : i32
        %add3A_1252 = arith.constant 1 : i32
        %add3A_1253 = arith.addi %add3A_1251, %add3A_1252 : i32
        %dma_wait3A_1254 = arith.constant 50 : i32
        %dma_wait3A_1255 = arith.constant 0 : i32
        %dma_wait3A_1256 = tpu.memref_slice %arg6[%dma_wait3A_1254, %dma_wait3A_1255] : memref<800x64xf32, #tpu.memory_space<vmem>> -> memref<50x64xf32, #tpu.memory_space<vmem>>
        %dma_wait3A_1257 = arith.constant 0 : i32
        %dma_wait3A_1258 = arith.constant 0 : i32
        %dma_wait3A_1259 = tpu.memref_slice %arg4[%add3A_1253, %dma_wait3A_1257, %dma_wait3A_1258] : memref<16384x56x128xf32, #tpu.memory_space<hbm>> -> memref<1x50x64xf32, #tpu.memory_space<hbm>>
        %dma_wait3A_1260 = tpu.memref_squeeze %dma_wait3A_1259 : memref<1x50x64xf32, #tpu.memory_space<hbm>> -> memref<50x64xf32, #tpu.memory_space<hbm>>
        %dma_wait3A_1261 = arith.constant 0 : i32
        %dma_wait3A_1262 = arith.constant 0 : i32
        %dma_wait3A_1263 = tpu.memref_slice %arg4[%add3A_1253, %dma_wait3A_1261, %dma_wait3A_1262] : memref<16384x56x128xf32, #tpu.memory_space<hbm>> -> memref<1x50x64xf32, #tpu.memory_space<hbm>>
        %dma_wait3A_1264 = tpu.memref_squeeze %dma_wait3A_1263 : memref<1x50x64xf32, #tpu.memory_space<hbm>> -> memref<50x64xf32, #tpu.memory_space<hbm>>
        %dma_wait3A_1265 = arith.constant 50 : i32
        %dma_wait3A_1266 = arith.constant 0 : i32
        %dma_wait3A_1267 = tpu.memref_slice %arg6[%dma_wait3A_1265, %dma_wait3A_1266] : memref<800x64xf32, #tpu.memory_space<vmem>> -> memref<50x64xf32, #tpu.memory_space<vmem>>
        tpu.wait_dma2 semaphore(%arg10 : memref<!tpu.dma_semaphore, #tpu.memory_space<semaphore_mem>>) src(%dma_wait3A_1267 : memref<50x64xf32, #tpu.memory_space<vmem>>) dst(%dma_wait3A_1264 : memref<50x64xf32, #tpu.memory_space<hbm>>)
        %mul3A_1268 = arith.constant 16 : i32
        %mul3A_1269 = arith.muli %mul3A_591, %mul3A_1268 : i32
        %add3A_1270 = arith.addi %mul3A_4, %mul3A_1269 : i32
        %add3A_1271 = arith.constant 2 : i32
        %add3A_1272 = arith.addi %add3A_1270, %add3A_1271 : i32
        %dma_wait3A_1273 = arith.constant 100 : i32
        %dma_wait3A_1274 = arith.constant 0 : i32
        %dma_wait3A_1275 = tpu.memref_slice %arg6[%dma_wait3A_1273, %dma_wait3A_1274] : memref<800x64xf32, #tpu.memory_space<vmem>> -> memref<50x64xf32, #tpu.memory_space<vmem>>
        %dma_wait3A_1276 = arith.constant 0 : i32
        %dma_wait3A_1277 = arith.constant 0 : i32
        %dma_wait3A_1278 = tpu.memref_slice %arg4[%add3A_1272, %dma_wait3A_1276, %dma_wait3A_1277] : memref<16384x56x128xf32, #tpu.memory_space<hbm>> -> memref<1x50x64xf32, #tpu.memory_space<hbm>>
        %dma_wait3A_1279 = tpu.memref_squeeze %dma_wait3A_1278 : memref<1x50x64xf32, #tpu.memory_space<hbm>> -> memref<50x64xf32, #tpu.memory_space<hbm>>
        %dma_wait3A_1280 = arith.constant 0 : i32
        %dma_wait3A_1281 = arith.constant 0 : i32
        %dma_wait3A_1282 = tpu.memref_slice %arg4[%add3A_1272, %dma_wait3A_1280, %dma_wait3A_1281] : memref<16384x56x128xf32, #tpu.memory_space<hbm>> -> memref<1x50x64xf32, #tpu.memory_space<hbm>>
        %dma_wait3A_1283 = tpu.memref_squeeze %dma_wait3A_1282 : memref<1x50x64xf32, #tpu.memory_space<hbm>> -> memref<50x64xf32, #tpu.memory_space<hbm>>
        %dma_wait3A_1284 = arith.constant 100 : i32
        %dma_wait3A_1285 = arith.constant 0 : i32
        %dma_wait3A_1286 = tpu.memref_slice %arg6[%dma_wait3A_1284, %dma_wait3A_1285] : memref<800x64xf32, #tpu.memory_space<vmem>> -> memref<50x64xf32, #tpu.memory_space<vmem>>
        tpu.wait_dma2 semaphore(%arg10 : memref<!tpu.dma_semaphore, #tpu.memory_space<semaphore_mem>>) src(%dma_wait3A_1286 : memref<50x64xf32, #tpu.memory_space<vmem>>) dst(%dma_wait3A_1283 : memref<50x64xf32, #tpu.memory_space<hbm>>)
        %mul3A_1287 = arith.constant 16 : i32
        %mul3A_1288 = arith.muli %mul3A_591, %mul3A_1287 : i32
        %add3A_1289 = arith.addi %mul3A_4, %mul3A_1288 : i32
        %add3A_1290 = arith.constant 3 : i32
        %add3A_1291 = arith.addi %add3A_1289, %add3A_1290 : i32
        %dma_wait3A_1292 = arith.constant 150 : i32
        %dma_wait3A_1293 = arith.constant 0 : i32
        %dma_wait3A_1294 = tpu.memref_slice %arg6[%dma_wait3A_1292, %dma_wait3A_1293] : memref<800x64xf32, #tpu.memory_space<vmem>> -> memref<50x64xf32, #tpu.memory_space<vmem>>
        %dma_wait3A_1295 = arith.constant 0 : i32
        %dma_wait3A_1296 = arith.constant 0 : i32
        %dma_wait3A_1297 = tpu.memref_slice %arg4[%add3A_1291, %dma_wait3A_1295, %dma_wait3A_1296] : memref<16384x56x128xf32, #tpu.memory_space<hbm>> -> memref<1x50x64xf32, #tpu.memory_space<hbm>>
        %dma_wait3A_1298 = tpu.memref_squeeze %dma_wait3A_1297 : memref<1x50x64xf32, #tpu.memory_space<hbm>> -> memref<50x64xf32, #tpu.memory_space<hbm>>
        %dma_wait3A_1299 = arith.constant 0 : i32
        %dma_wait3A_1300 = arith.constant 0 : i32
        %dma_wait3A_1301 = tpu.memref_slice %arg4[%add3A_1291, %dma_wait3A_1299, %dma_wait3A_1300] : memref<16384x56x128xf32, #tpu.memory_space<hbm>> -> memref<1x50x64xf32, #tpu.memory_space<hbm>>
        %dma_wait3A_1302 = tpu.memref_squeeze %dma_wait3A_1301 : memref<1x50x64xf32, #tpu.memory_space<hbm>> -> memref<50x64xf32, #tpu.memory_space<hbm>>
        %dma_wait3A_1303 = arith.constant 150 : i32
        %dma_wait3A_1304 = arith.constant 0 : i32
        %dma_wait3A_1305 = tpu.memref_slice %arg6[%dma_wait3A_1303, %dma_wait3A_1304] : memref<800x64xf32, #tpu.memory_space<vmem>> -> memref<50x64xf32, #tpu.memory_space<vmem>>
        tpu.wait_dma2 semaphore(%arg10 : memref<!tpu.dma_semaphore, #tpu.memory_space<semaphore_mem>>) src(%dma_wait3A_1305 : memref<50x64xf32, #tpu.memory_space<vmem>>) dst(%dma_wait3A_1302 : memref<50x64xf32, #tpu.memory_space<hbm>>)
        %mul3A_1306 = arith.constant 16 : i32
        %mul3A_1307 = arith.muli %mul3A_591, %mul3A_1306 : i32
        %add3A_1308 = arith.addi %mul3A_4, %mul3A_1307 : i32
        %add3A_1309 = arith.constant 4 : i32
        %add3A_1310 = arith.addi %add3A_1308, %add3A_1309 : i32
        %dma_wait3A_1311 = arith.constant 200 : i32
        %dma_wait3A_1312 = arith.constant 0 : i32
        %dma_wait3A_1313 = tpu.memref_slice %arg6[%dma_wait3A_1311, %dma_wait3A_1312] : memref<800x64xf32, #tpu.memory_space<vmem>> -> memref<50x64xf32, #tpu.memory_space<vmem>>
        %dma_wait3A_1314 = arith.constant 0 : i32
        %dma_wait3A_1315 = arith.constant 0 : i32
        %dma_wait3A_1316 = tpu.memref_slice %arg4[%add3A_1310, %dma_wait3A_1314, %dma_wait3A_1315] : memref<16384x56x128xf32, #tpu.memory_space<hbm>> -> memref<1x50x64xf32, #tpu.memory_space<hbm>>
        %dma_wait3A_1317 = tpu.memref_squeeze %dma_wait3A_1316 : memref<1x50x64xf32, #tpu.memory_space<hbm>> -> memref<50x64xf32, #tpu.memory_space<hbm>>
        %dma_wait3A_1318 = arith.constant 0 : i32
        %dma_wait3A_1319 = arith.constant 0 : i32
        %dma_wait3A_1320 = tpu.memref_slice %arg4[%add3A_1310, %dma_wait3A_1318, %dma_wait3A_1319] : memref<16384x56x128xf32, #tpu.memory_space<hbm>> -> memref<1x50x64xf32, #tpu.memory_space<hbm>>
        %dma_wait3A_1321 = tpu.memref_squeeze %dma_wait3A_1320 : memref<1x50x64xf32, #tpu.memory_space<hbm>> -> memref<50x64xf32, #tpu.memory_space<hbm>>
        %dma_wait3A_1322 = arith.constant 200 : i32
        %dma_wait3A_1323 = arith.constant 0 : i32
        %dma_wait3A_1324 = tpu.memref_slice %arg6[%dma_wait3A_1322, %dma_wait3A_1323] : memref<800x64xf32, #tpu.memory_space<vmem>> -> memref<50x64xf32, #tpu.memory_space<vmem>>
        tpu.wait_dma2 semaphore(%arg10 : memref<!tpu.dma_semaphore, #tpu.memory_space<semaphore_mem>>) src(%dma_wait3A_1324 : memref<50x64xf32, #tpu.memory_space<vmem>>) dst(%dma_wait3A_1321 : memref<50x64xf32, #tpu.memory_space<hbm>>)
        %mul3A_1325 = arith.constant 16 : i32
        %mul3A_1326 = arith.muli %mul3A_591, %mul3A_1325 : i32
        %add3A_1327 = arith.addi %mul3A_4, %mul3A_1326 : i32
        %add3A_1328 = arith.constant 5 : i32
        %add3A_1329 = arith.addi %add3A_1327, %add3A_1328 : i32
        %dma_wait3A_1330 = arith.constant 250 : i32
        %dma_wait3A_1331 = arith.constant 0 : i32
        %dma_wait3A_1332 = tpu.memref_slice %arg6[%dma_wait3A_1330, %dma_wait3A_1331] : memref<800x64xf32, #tpu.memory_space<vmem>> -> memref<50x64xf32, #tpu.memory_space<vmem>>
        %dma_wait3A_1333 = arith.constant 0 : i32
        %dma_wait3A_1334 = arith.constant 0 : i32
        %dma_wait3A_1335 = tpu.memref_slice %arg4[%add3A_1329, %dma_wait3A_1333, %dma_wait3A_1334] : memref<16384x56x128xf32, #tpu.memory_space<hbm>> -> memref<1x50x64xf32, #tpu.memory_space<hbm>>
        %dma_wait3A_1336 = tpu.memref_squeeze %dma_wait3A_1335 : memref<1x50x64xf32, #tpu.memory_space<hbm>> -> memref<50x64xf32, #tpu.memory_space<hbm>>
        %dma_wait3A_1337 = arith.constant 0 : i32
        %dma_wait3A_1338 = arith.constant 0 : i32
        %dma_wait3A_1339 = tpu.memref_slice %arg4[%add3A_1329, %dma_wait3A_1337, %dma_wait3A_1338] : memref<16384x56x128xf32, #tpu.memory_space<hbm>> -> memref<1x50x64xf32, #tpu.memory_space<hbm>>
        %dma_wait3A_1340 = tpu.memref_squeeze %dma_wait3A_1339 : memref<1x50x64xf32, #tpu.memory_space<hbm>> -> memref<50x64xf32, #tpu.memory_space<hbm>>
        %dma_wait3A_1341 = arith.constant 250 : i32
        %dma_wait3A_1342 = arith.constant 0 : i32
        %dma_wait3A_1343 = tpu.memref_slice %arg6[%dma_wait3A_1341, %dma_wait3A_1342] : memref<800x64xf32, #tpu.memory_space<vmem>> -> memref<50x64xf32, #tpu.memory_space<vmem>>
        tpu.wait_dma2 semaphore(%arg10 : memref<!tpu.dma_semaphore, #tpu.memory_space<semaphore_mem>>) src(%dma_wait3A_1343 : memref<50x64xf32, #tpu.memory_space<vmem>>) dst(%dma_wait3A_1340 : memref<50x64xf32, #tpu.memory_space<hbm>>)
        %mul3A_1344 = arith.constant 16 : i32
        %mul3A_1345 = arith.muli %mul3A_591, %mul3A_1344 : i32
        %add3A_1346 = arith.addi %mul3A_4, %mul3A_1345 : i32
        %add3A_1347 = arith.constant 6 : i32
        %add3A_1348 = arith.addi %add3A_1346, %add3A_1347 : i32
        %dma_wait3A_1349 = arith.constant 300 : i32
        %dma_wait3A_1350 = arith.constant 0 : i32
        %dma_wait3A_1351 = tpu.memref_slice %arg6[%dma_wait3A_1349, %dma_wait3A_1350] : memref<800x64xf32, #tpu.memory_space<vmem>> -> memref<50x64xf32, #tpu.memory_space<vmem>>
        %dma_wait3A_1352 = arith.constant 0 : i32
        %dma_wait3A_1353 = arith.constant 0 : i32
        %dma_wait3A_1354 = tpu.memref_slice %arg4[%add3A_1348, %dma_wait3A_1352, %dma_wait3A_1353] : memref<16384x56x128xf32, #tpu.memory_space<hbm>> -> memref<1x50x64xf32, #tpu.memory_space<hbm>>
        %dma_wait3A_1355 = tpu.memref_squeeze %dma_wait3A_1354 : memref<1x50x64xf32, #tpu.memory_space<hbm>> -> memref<50x64xf32, #tpu.memory_space<hbm>>
        %dma_wait3A_1356 = arith.constant 0 : i32
        %dma_wait3A_1357 = arith.constant 0 : i32
        %dma_wait3A_1358 = tpu.memref_slice %arg4[%add3A_1348, %dma_wait3A_1356, %dma_wait3A_1357] : memref<16384x56x128xf32, #tpu.memory_space<hbm>> -> memref<1x50x64xf32, #tpu.memory_space<hbm>>
        %dma_wait3A_1359 = tpu.memref_squeeze %dma_wait3A_1358 : memref<1x50x64xf32, #tpu.memory_space<hbm>> -> memref<50x64xf32, #tpu.memory_space<hbm>>
        %dma_wait3A_1360 = arith.constant 300 : i32
        %dma_wait3A_1361 = arith.constant 0 : i32
        %dma_wait3A_1362 = tpu.memref_slice %arg6[%dma_wait3A_1360, %dma_wait3A_1361] : memref<800x64xf32, #tpu.memory_space<vmem>> -> memref<50x64xf32, #tpu.memory_space<vmem>>
        tpu.wait_dma2 semaphore(%arg10 : memref<!tpu.dma_semaphore, #tpu.memory_space<semaphore_mem>>) src(%dma_wait3A_1362 : memref<50x64xf32, #tpu.memory_space<vmem>>) dst(%dma_wait3A_1359 : memref<50x64xf32, #tpu.memory_space<hbm>>)
        %mul3A_1363 = arith.constant 16 : i32
        %mul3A_1364 = arith.muli %mul3A_591, %mul3A_1363 : i32
        %add3A_1365 = arith.addi %mul3A_4, %mul3A_1364 : i32
        %add3A_1366 = arith.constant 7 : i32
        %add3A_1367 = arith.addi %add3A_1365, %add3A_1366 : i32
        %dma_wait3A_1368 = arith.constant 350 : i32
        %dma_wait3A_1369 = arith.constant 0 : i32
        %dma_wait3A_1370 = tpu.memref_slice %arg6[%dma_wait3A_1368, %dma_wait3A_1369] : memref<800x64xf32, #tpu.memory_space<vmem>> -> memref<50x64xf32, #tpu.memory_space<vmem>>
        %dma_wait3A_1371 = arith.constant 0 : i32
        %dma_wait3A_1372 = arith.constant 0 : i32
        %dma_wait3A_1373 = tpu.memref_slice %arg4[%add3A_1367, %dma_wait3A_1371, %dma_wait3A_1372] : memref<16384x56x128xf32, #tpu.memory_space<hbm>> -> memref<1x50x64xf32, #tpu.memory_space<hbm>>
        %dma_wait3A_1374 = tpu.memref_squeeze %dma_wait3A_1373 : memref<1x50x64xf32, #tpu.memory_space<hbm>> -> memref<50x64xf32, #tpu.memory_space<hbm>>
        %dma_wait3A_1375 = arith.constant 0 : i32
        %dma_wait3A_1376 = arith.constant 0 : i32
        %dma_wait3A_1377 = tpu.memref_slice %arg4[%add3A_1367, %dma_wait3A_1375, %dma_wait3A_1376] : memref<16384x56x128xf32, #tpu.memory_space<hbm>> -> memref<1x50x64xf32, #tpu.memory_space<hbm>>
        %dma_wait3A_1378 = tpu.memref_squeeze %dma_wait3A_1377 : memref<1x50x64xf32, #tpu.memory_space<hbm>> -> memref<50x64xf32, #tpu.memory_space<hbm>>
        %dma_wait3A_1379 = arith.constant 350 : i32
        %dma_wait3A_1380 = arith.constant 0 : i32
        %dma_wait3A_1381 = tpu.memref_slice %arg6[%dma_wait3A_1379, %dma_wait3A_1380] : memref<800x64xf32, #tpu.memory_space<vmem>> -> memref<50x64xf32, #tpu.memory_space<vmem>>
        tpu.wait_dma2 semaphore(%arg10 : memref<!tpu.dma_semaphore, #tpu.memory_space<semaphore_mem>>) src(%dma_wait3A_1381 : memref<50x64xf32, #tpu.memory_space<vmem>>) dst(%dma_wait3A_1378 : memref<50x64xf32, #tpu.memory_space<hbm>>)
        %mul3A_1382 = arith.constant 16 : i32
        %mul3A_1383 = arith.muli %mul3A_591, %mul3A_1382 : i32
        %add3A_1384 = arith.addi %mul3A_4, %mul3A_1383 : i32
        %add3A_1385 = arith.constant 8 : i32
        %add3A_1386 = arith.addi %add3A_1384, %add3A_1385 : i32
        %dma_wait3A_1387 = arith.constant 400 : i32
        %dma_wait3A_1388 = arith.constant 0 : i32
        %dma_wait3A_1389 = tpu.memref_slice %arg6[%dma_wait3A_1387, %dma_wait3A_1388] : memref<800x64xf32, #tpu.memory_space<vmem>> -> memref<50x64xf32, #tpu.memory_space<vmem>>
        %dma_wait3A_1390 = arith.constant 0 : i32
        %dma_wait3A_1391 = arith.constant 0 : i32
        %dma_wait3A_1392 = tpu.memref_slice %arg4[%add3A_1386, %dma_wait3A_1390, %dma_wait3A_1391] : memref<16384x56x128xf32, #tpu.memory_space<hbm>> -> memref<1x50x64xf32, #tpu.memory_space<hbm>>
        %dma_wait3A_1393 = tpu.memref_squeeze %dma_wait3A_1392 : memref<1x50x64xf32, #tpu.memory_space<hbm>> -> memref<50x64xf32, #tpu.memory_space<hbm>>
        %dma_wait3A_1394 = arith.constant 0 : i32
        %dma_wait3A_1395 = arith.constant 0 : i32
        %dma_wait3A_1396 = tpu.memref_slice %arg4[%add3A_1386, %dma_wait3A_1394, %dma_wait3A_1395] : memref<16384x56x128xf32, #tpu.memory_space<hbm>> -> memref<1x50x64xf32, #tpu.memory_space<hbm>>
        %dma_wait3A_1397 = tpu.memref_squeeze %dma_wait3A_1396 : memref<1x50x64xf32, #tpu.memory_space<hbm>> -> memref<50x64xf32, #tpu.memory_space<hbm>>
        %dma_wait3A_1398 = arith.constant 400 : i32
        %dma_wait3A_1399 = arith.constant 0 : i32
        %dma_wait3A_1400 = tpu.memref_slice %arg6[%dma_wait3A_1398, %dma_wait3A_1399] : memref<800x64xf32, #tpu.memory_space<vmem>> -> memref<50x64xf32, #tpu.memory_space<vmem>>
        tpu.wait_dma2 semaphore(%arg10 : memref<!tpu.dma_semaphore, #tpu.memory_space<semaphore_mem>>) src(%dma_wait3A_1400 : memref<50x64xf32, #tpu.memory_space<vmem>>) dst(%dma_wait3A_1397 : memref<50x64xf32, #tpu.memory_space<hbm>>)
        %mul3A_1401 = arith.constant 16 : i32
        %mul3A_1402 = arith.muli %mul3A_591, %mul3A_1401 : i32
        %add3A_1403 = arith.addi %mul3A_4, %mul3A_1402 : i32
        %add3A_1404 = arith.constant 9 : i32
        %add3A_1405 = arith.addi %add3A_1403, %add3A_1404 : i32
        %dma_wait3A_1406 = arith.constant 450 : i32
        %dma_wait3A_1407 = arith.constant 0 : i32
        %dma_wait3A_1408 = tpu.memref_slice %arg6[%dma_wait3A_1406, %dma_wait3A_1407] : memref<800x64xf32, #tpu.memory_space<vmem>> -> memref<50x64xf32, #tpu.memory_space<vmem>>
        %dma_wait3A_1409 = arith.constant 0 : i32
        %dma_wait3A_1410 = arith.constant 0 : i32
        %dma_wait3A_1411 = tpu.memref_slice %arg4[%add3A_1405, %dma_wait3A_1409, %dma_wait3A_1410] : memref<16384x56x128xf32, #tpu.memory_space<hbm>> -> memref<1x50x64xf32, #tpu.memory_space<hbm>>
        %dma_wait3A_1412 = tpu.memref_squeeze %dma_wait3A_1411 : memref<1x50x64xf32, #tpu.memory_space<hbm>> -> memref<50x64xf32, #tpu.memory_space<hbm>>
        %dma_wait3A_1413 = arith.constant 0 : i32
        %dma_wait3A_1414 = arith.constant 0 : i32
        %dma_wait3A_1415 = tpu.memref_slice %arg4[%add3A_1405, %dma_wait3A_1413, %dma_wait3A_1414] : memref<16384x56x128xf32, #tpu.memory_space<hbm>> -> memref<1x50x64xf32, #tpu.memory_space<hbm>>
        %dma_wait3A_1416 = tpu.memref_squeeze %dma_wait3A_1415 : memref<1x50x64xf32, #tpu.memory_space<hbm>> -> memref<50x64xf32, #tpu.memory_space<hbm>>
        %dma_wait3A_1417 = arith.constant 450 : i32
        %dma_wait3A_1418 = arith.constant 0 : i32
        %dma_wait3A_1419 = tpu.memref_slice %arg6[%dma_wait3A_1417, %dma_wait3A_1418] : memref<800x64xf32, #tpu.memory_space<vmem>> -> memref<50x64xf32, #tpu.memory_space<vmem>>
        tpu.wait_dma2 semaphore(%arg10 : memref<!tpu.dma_semaphore, #tpu.memory_space<semaphore_mem>>) src(%dma_wait3A_1419 : memref<50x64xf32, #tpu.memory_space<vmem>>) dst(%dma_wait3A_1416 : memref<50x64xf32, #tpu.memory_space<hbm>>)
        %mul3A_1420 = arith.constant 16 : i32
        %mul3A_1421 = arith.muli %mul3A_591, %mul3A_1420 : i32
        %add3A_1422 = arith.addi %mul3A_4, %mul3A_1421 : i32
        %add3A_1423 = arith.constant 10 : i32
        %add3A_1424 = arith.addi %add3A_1422, %add3A_1423 : i32
        %dma_wait3A_1425 = arith.constant 500 : i32
        %dma_wait3A_1426 = arith.constant 0 : i32
        %dma_wait3A_1427 = tpu.memref_slice %arg6[%dma_wait3A_1425, %dma_wait3A_1426] : memref<800x64xf32, #tpu.memory_space<vmem>> -> memref<50x64xf32, #tpu.memory_space<vmem>>
        %dma_wait3A_1428 = arith.constant 0 : i32
        %dma_wait3A_1429 = arith.constant 0 : i32
        %dma_wait3A_1430 = tpu.memref_slice %arg4[%add3A_1424, %dma_wait3A_1428, %dma_wait3A_1429] : memref<16384x56x128xf32, #tpu.memory_space<hbm>> -> memref<1x50x64xf32, #tpu.memory_space<hbm>>
        %dma_wait3A_1431 = tpu.memref_squeeze %dma_wait3A_1430 : memref<1x50x64xf32, #tpu.memory_space<hbm>> -> memref<50x64xf32, #tpu.memory_space<hbm>>
        %dma_wait3A_1432 = arith.constant 0 : i32
        %dma_wait3A_1433 = arith.constant 0 : i32
        %dma_wait3A_1434 = tpu.memref_slice %arg4[%add3A_1424, %dma_wait3A_1432, %dma_wait3A_1433] : memref<16384x56x128xf32, #tpu.memory_space<hbm>> -> memref<1x50x64xf32, #tpu.memory_space<hbm>>
        %dma_wait3A_1435 = tpu.memref_squeeze %dma_wait3A_1434 : memref<1x50x64xf32, #tpu.memory_space<hbm>> -> memref<50x64xf32, #tpu.memory_space<hbm>>
        %dma_wait3A_1436 = arith.constant 500 : i32
        %dma_wait3A_1437 = arith.constant 0 : i32
        %dma_wait3A_1438 = tpu.memref_slice %arg6[%dma_wait3A_1436, %dma_wait3A_1437] : memref<800x64xf32, #tpu.memory_space<vmem>> -> memref<50x64xf32, #tpu.memory_space<vmem>>
        tpu.wait_dma2 semaphore(%arg10 : memref<!tpu.dma_semaphore, #tpu.memory_space<semaphore_mem>>) src(%dma_wait3A_1438 : memref<50x64xf32, #tpu.memory_space<vmem>>) dst(%dma_wait3A_1435 : memref<50x64xf32, #tpu.memory_space<hbm>>)
        %mul3A_1439 = arith.constant 16 : i32
        %mul3A_1440 = arith.muli %mul3A_591, %mul3A_1439 : i32
        %add3A_1441 = arith.addi %mul3A_4, %mul3A_1440 : i32
        %add3A_1442 = arith.constant 11 : i32
        %add3A_1443 = arith.addi %add3A_1441, %add3A_1442 : i32
        %dma_wait3A_1444 = arith.constant 550 : i32
        %dma_wait3A_1445 = arith.constant 0 : i32
        %dma_wait3A_1446 = tpu.memref_slice %arg6[%dma_wait3A_1444, %dma_wait3A_1445] : memref<800x64xf32, #tpu.memory_space<vmem>> -> memref<50x64xf32, #tpu.memory_space<vmem>>
        %dma_wait3A_1447 = arith.constant 0 : i32
        %dma_wait3A_1448 = arith.constant 0 : i32
        %dma_wait3A_1449 = tpu.memref_slice %arg4[%add3A_1443, %dma_wait3A_1447, %dma_wait3A_1448] : memref<16384x56x128xf32, #tpu.memory_space<hbm>> -> memref<1x50x64xf32, #tpu.memory_space<hbm>>
        %dma_wait3A_1450 = tpu.memref_squeeze %dma_wait3A_1449 : memref<1x50x64xf32, #tpu.memory_space<hbm>> -> memref<50x64xf32, #tpu.memory_space<hbm>>
        %dma_wait3A_1451 = arith.constant 0 : i32
        %dma_wait3A_1452 = arith.constant 0 : i32
        %dma_wait3A_1453 = tpu.memref_slice %arg4[%add3A_1443, %dma_wait3A_1451, %dma_wait3A_1452] : memref<16384x56x128xf32, #tpu.memory_space<hbm>> -> memref<1x50x64xf32, #tpu.memory_space<hbm>>
        %dma_wait3A_1454 = tpu.memref_squeeze %dma_wait3A_1453 : memref<1x50x64xf32, #tpu.memory_space<hbm>> -> memref<50x64xf32, #tpu.memory_space<hbm>>
        %dma_wait3A_1455 = arith.constant 550 : i32
        %dma_wait3A_1456 = arith.constant 0 : i32
        %dma_wait3A_1457 = tpu.memref_slice %arg6[%dma_wait3A_1455, %dma_wait3A_1456] : memref<800x64xf32, #tpu.memory_space<vmem>> -> memref<50x64xf32, #tpu.memory_space<vmem>>
        tpu.wait_dma2 semaphore(%arg10 : memref<!tpu.dma_semaphore, #tpu.memory_space<semaphore_mem>>) src(%dma_wait3A_1457 : memref<50x64xf32, #tpu.memory_space<vmem>>) dst(%dma_wait3A_1454 : memref<50x64xf32, #tpu.memory_space<hbm>>)
        %mul3A_1458 = arith.constant 16 : i32
        %mul3A_1459 = arith.muli %mul3A_591, %mul3A_1458 : i32
        %add3A_1460 = arith.addi %mul3A_4, %mul3A_1459 : i32
        %add3A_1461 = arith.constant 12 : i32
        %add3A_1462 = arith.addi %add3A_1460, %add3A_1461 : i32
        %dma_wait3A_1463 = arith.constant 600 : i32
        %dma_wait3A_1464 = arith.constant 0 : i32
        %dma_wait3A_1465 = tpu.memref_slice %arg6[%dma_wait3A_1463, %dma_wait3A_1464] : memref<800x64xf32, #tpu.memory_space<vmem>> -> memref<50x64xf32, #tpu.memory_space<vmem>>
        %dma_wait3A_1466 = arith.constant 0 : i32
        %dma_wait3A_1467 = arith.constant 0 : i32
        %dma_wait3A_1468 = tpu.memref_slice %arg4[%add3A_1462, %dma_wait3A_1466, %dma_wait3A_1467] : memref<16384x56x128xf32, #tpu.memory_space<hbm>> -> memref<1x50x64xf32, #tpu.memory_space<hbm>>
        %dma_wait3A_1469 = tpu.memref_squeeze %dma_wait3A_1468 : memref<1x50x64xf32, #tpu.memory_space<hbm>> -> memref<50x64xf32, #tpu.memory_space<hbm>>
        %dma_wait3A_1470 = arith.constant 0 : i32
        %dma_wait3A_1471 = arith.constant 0 : i32
        %dma_wait3A_1472 = tpu.memref_slice %arg4[%add3A_1462, %dma_wait3A_1470, %dma_wait3A_1471] : memref<16384x56x128xf32, #tpu.memory_space<hbm>> -> memref<1x50x64xf32, #tpu.memory_space<hbm>>
        %dma_wait3A_1473 = tpu.memref_squeeze %dma_wait3A_1472 : memref<1x50x64xf32, #tpu.memory_space<hbm>> -> memref<50x64xf32, #tpu.memory_space<hbm>>
        %dma_wait3A_1474 = arith.constant 600 : i32
        %dma_wait3A_1475 = arith.constant 0 : i32
        %dma_wait3A_1476 = tpu.memref_slice %arg6[%dma_wait3A_1474, %dma_wait3A_1475] : memref<800x64xf32, #tpu.memory_space<vmem>> -> memref<50x64xf32, #tpu.memory_space<vmem>>
        tpu.wait_dma2 semaphore(%arg10 : memref<!tpu.dma_semaphore, #tpu.memory_space<semaphore_mem>>) src(%dma_wait3A_1476 : memref<50x64xf32, #tpu.memory_space<vmem>>) dst(%dma_wait3A_1473 : memref<50x64xf32, #tpu.memory_space<hbm>>)
        %mul3A_1477 = arith.constant 16 : i32
        %mul3A_1478 = arith.muli %mul3A_591, %mul3A_1477 : i32
        %add3A_1479 = arith.addi %mul3A_4, %mul3A_1478 : i32
        %add3A_1480 = arith.constant 13 : i32
        %add3A_1481 = arith.addi %add3A_1479, %add3A_1480 : i32
        %dma_wait3A_1482 = arith.constant 650 : i32
        %dma_wait3A_1483 = arith.constant 0 : i32
        %dma_wait3A_1484 = tpu.memref_slice %arg6[%dma_wait3A_1482, %dma_wait3A_1483] : memref<800x64xf32, #tpu.memory_space<vmem>> -> memref<50x64xf32, #tpu.memory_space<vmem>>
        %dma_wait3A_1485 = arith.constant 0 : i32
        %dma_wait3A_1486 = arith.constant 0 : i32
        %dma_wait3A_1487 = tpu.memref_slice %arg4[%add3A_1481, %dma_wait3A_1485, %dma_wait3A_1486] : memref<16384x56x128xf32, #tpu.memory_space<hbm>> -> memref<1x50x64xf32, #tpu.memory_space<hbm>>
        %dma_wait3A_1488 = tpu.memref_squeeze %dma_wait3A_1487 : memref<1x50x64xf32, #tpu.memory_space<hbm>> -> memref<50x64xf32, #tpu.memory_space<hbm>>
        %dma_wait3A_1489 = arith.constant 0 : i32
        %dma_wait3A_1490 = arith.constant 0 : i32
        %dma_wait3A_1491 = tpu.memref_slice %arg4[%add3A_1481, %dma_wait3A_1489, %dma_wait3A_1490] : memref<16384x56x128xf32, #tpu.memory_space<hbm>> -> memref<1x50x64xf32, #tpu.memory_space<hbm>>
        %dma_wait3A_1492 = tpu.memref_squeeze %dma_wait3A_1491 : memref<1x50x64xf32, #tpu.memory_space<hbm>> -> memref<50x64xf32, #tpu.memory_space<hbm>>
        %dma_wait3A_1493 = arith.constant 650 : i32
        %dma_wait3A_1494 = arith.constant 0 : i32
        %dma_wait3A_1495 = tpu.memref_slice %arg6[%dma_wait3A_1493, %dma_wait3A_1494] : memref<800x64xf32, #tpu.memory_space<vmem>> -> memref<50x64xf32, #tpu.memory_space<vmem>>
        tpu.wait_dma2 semaphore(%arg10 : memref<!tpu.dma_semaphore, #tpu.memory_space<semaphore_mem>>) src(%dma_wait3A_1495 : memref<50x64xf32, #tpu.memory_space<vmem>>) dst(%dma_wait3A_1492 : memref<50x64xf32, #tpu.memory_space<hbm>>)
        %mul3A_1496 = arith.constant 16 : i32
        %mul3A_1497 = arith.muli %mul3A_591, %mul3A_1496 : i32
        %add3A_1498 = arith.addi %mul3A_4, %mul3A_1497 : i32
        %add3A_1499 = arith.constant 14 : i32
        %add3A_1500 = arith.addi %add3A_1498, %add3A_1499 : i32
        %dma_wait3A_1501 = arith.constant 700 : i32
        %dma_wait3A_1502 = arith.constant 0 : i32
        %dma_wait3A_1503 = tpu.memref_slice %arg6[%dma_wait3A_1501, %dma_wait3A_1502] : memref<800x64xf32, #tpu.memory_space<vmem>> -> memref<50x64xf32, #tpu.memory_space<vmem>>
        %dma_wait3A_1504 = arith.constant 0 : i32
        %dma_wait3A_1505 = arith.constant 0 : i32
        %dma_wait3A_1506 = tpu.memref_slice %arg4[%add3A_1500, %dma_wait3A_1504, %dma_wait3A_1505] : memref<16384x56x128xf32, #tpu.memory_space<hbm>> -> memref<1x50x64xf32, #tpu.memory_space<hbm>>
        %dma_wait3A_1507 = tpu.memref_squeeze %dma_wait3A_1506 : memref<1x50x64xf32, #tpu.memory_space<hbm>> -> memref<50x64xf32, #tpu.memory_space<hbm>>
        %dma_wait3A_1508 = arith.constant 0 : i32
        %dma_wait3A_1509 = arith.constant 0 : i32
        %dma_wait3A_1510 = tpu.memref_slice %arg4[%add3A_1500, %dma_wait3A_1508, %dma_wait3A_1509] : memref<16384x56x128xf32, #tpu.memory_space<hbm>> -> memref<1x50x64xf32, #tpu.memory_space<hbm>>
        %dma_wait3A_1511 = tpu.memref_squeeze %dma_wait3A_1510 : memref<1x50x64xf32, #tpu.memory_space<hbm>> -> memref<50x64xf32, #tpu.memory_space<hbm>>
        %dma_wait3A_1512 = arith.constant 700 : i32
        %dma_wait3A_1513 = arith.constant 0 : i32
        %dma_wait3A_1514 = tpu.memref_slice %arg6[%dma_wait3A_1512, %dma_wait3A_1513] : memref<800x64xf32, #tpu.memory_space<vmem>> -> memref<50x64xf32, #tpu.memory_space<vmem>>
        tpu.wait_dma2 semaphore(%arg10 : memref<!tpu.dma_semaphore, #tpu.memory_space<semaphore_mem>>) src(%dma_wait3A_1514 : memref<50x64xf32, #tpu.memory_space<vmem>>) dst(%dma_wait3A_1511 : memref<50x64xf32, #tpu.memory_space<hbm>>)
        %mul3A_1515 = arith.constant 16 : i32
        %mul3A_1516 = arith.muli %mul3A_591, %mul3A_1515 : i32
        %add3A_1517 = arith.addi %mul3A_4, %mul3A_1516 : i32
        %add3A_1518 = arith.constant 15 : i32
        %add3A_1519 = arith.addi %add3A_1517, %add3A_1518 : i32
        %dma_wait3A_1520 = arith.constant 750 : i32
        %dma_wait3A_1521 = arith.constant 0 : i32
        %dma_wait3A_1522 = tpu.memref_slice %arg6[%dma_wait3A_1520, %dma_wait3A_1521] : memref<800x64xf32, #tpu.memory_space<vmem>> -> memref<50x64xf32, #tpu.memory_space<vmem>>
        %dma_wait3A_1523 = arith.constant 0 : i32
        %dma_wait3A_1524 = arith.constant 0 : i32
        %dma_wait3A_1525 = tpu.memref_slice %arg4[%add3A_1519, %dma_wait3A_1523, %dma_wait3A_1524] : memref<16384x56x128xf32, #tpu.memory_space<hbm>> -> memref<1x50x64xf32, #tpu.memory_space<hbm>>
        %dma_wait3A_1526 = tpu.memref_squeeze %dma_wait3A_1525 : memref<1x50x64xf32, #tpu.memory_space<hbm>> -> memref<50x64xf32, #tpu.memory_space<hbm>>
        %dma_wait3A_1527 = arith.constant 0 : i32
        %dma_wait3A_1528 = arith.constant 0 : i32
        %dma_wait3A_1529 = tpu.memref_slice %arg4[%add3A_1519, %dma_wait3A_1527, %dma_wait3A_1528] : memref<16384x56x128xf32, #tpu.memory_space<hbm>> -> memref<1x50x64xf32, #tpu.memory_space<hbm>>
        %dma_wait3A_1530 = tpu.memref_squeeze %dma_wait3A_1529 : memref<1x50x64xf32, #tpu.memory_space<hbm>> -> memref<50x64xf32, #tpu.memory_space<hbm>>
        %dma_wait3A_1531 = arith.constant 750 : i32
        %dma_wait3A_1532 = arith.constant 0 : i32
        %dma_wait3A_1533 = tpu.memref_slice %arg6[%dma_wait3A_1531, %dma_wait3A_1532] : memref<800x64xf32, #tpu.memory_space<vmem>> -> memref<50x64xf32, #tpu.memory_space<vmem>>
        tpu.wait_dma2 semaphore(%arg10 : memref<!tpu.dma_semaphore, #tpu.memory_space<semaphore_mem>>) src(%dma_wait3A_1533 : memref<50x64xf32, #tpu.memory_space<vmem>>) dst(%dma_wait3A_1530 : memref<50x64xf32, #tpu.memory_space<hbm>>)
        %add3A_1534 = arith.constant 2 : i32
        %add3A_1535 = arith.addi %mul3A_591, %add3A_1534 : i32
        %mul3A_1536 = arith.constant 800 : i32
        %mul3A_1537 = arith.muli %add3A_1535, %mul3A_1536 : i32
        %dma_start3A_1538 = tpu.memref_slice %arg5[%mul3A_1537] : memref<25600xi32, #tpu.memory_space<vmem>> -> memref<800xi32, #tpu.memory_space<vmem>>
        %dma_start3A_1539 = arith.constant 0 : i32
        %dma_start3A_1540 = arith.constant 0 : i32
        %dma_start3A_1541 = tpu.memref_slice %arg3[%dma_start3A_1539, %dma_start3A_1540] : memref<1000000x64xf32, #tpu.memory_space<hbm>> -> memref<1000000x64xf32, #tpu.memory_space<hbm>>
        tpu.enqueue_indirect_dma source(%dma_start3A_1541 : memref<1000000x64xf32, #tpu.memory_space<hbm>>) target(%arg6 : memref<800x64xf32, #tpu.memory_space<vmem>>) offsets(%dma_start3A_1538 : memref<800xi32, #tpu.memory_space<vmem>>) semaphore(%arg8 : memref<!tpu.dma_semaphore, #tpu.memory_space<semaphore_mem>>)
      } else {
      }
      %add3A_916 = arith.constant 1 : i32
      %add3A_917 = arith.addi %mul3A_591, %add3A_916 : i32
      %mul3A_918 = arith.constant 800 : i32
      %mul3A_919 = arith.muli %add3A_917, %mul3A_918 : i32
      %dma_wait3A_920 = tpu.memref_slice %arg5[%mul3A_919] : memref<25600xi32, #tpu.memory_space<vmem>> -> memref<800xi32, #tpu.memory_space<vmem>>
      %dma_wait3A_921 = arith.constant 0 : i32
      %dma_wait3A_922 = arith.constant 0 : i32
      %dma_wait3A_923 = tpu.memref_slice %arg3[%dma_wait3A_921, %dma_wait3A_922] : memref<1000000x64xf32, #tpu.memory_space<hbm>> -> memref<1000000x64xf32, #tpu.memory_space<hbm>>
      tpu.wait_indirect_dma semaphore(%arg9 : memref<!tpu.dma_semaphore, #tpu.memory_space<semaphore_mem>>) src(%dma_wait3A_923 : memref<1000000x64xf32, #tpu.memory_space<hbm>>) dst(%arg7 : memref<800x64xf32, #tpu.memory_space<vmem>>)
      %add3A_924 = arith.constant 1 : i32
      %add3A_925 = arith.addi %mul3A_591, %add3A_924 : i32
      %mul3A_926 = arith.constant 16 : i32
      %mul3A_927 = arith.muli %add3A_925, %mul3A_926 : i32
      %add3A_928 = arith.addi %mul3A_4, %mul3A_927 : i32
      %add3A_929 = arith.constant 0 : i32
      %add3A_930 = arith.addi %add3A_928, %add3A_929 : i32
      %dma_start3A_931 = arith.constant 0 : i32
      %dma_start3A_932 = arith.constant 0 : i32
      %dma_start3A_933 = tpu.memref_slice %arg7[%dma_start3A_931, %dma_start3A_932] : memref<800x64xf32, #tpu.memory_space<vmem>> -> memref<50x64xf32, #tpu.memory_space<vmem>>
      %dma_start3A_934 = arith.constant 0 : i32
      %dma_start3A_935 = arith.constant 0 : i32
      %dma_start3A_936 = tpu.memref_slice %arg4[%add3A_930, %dma_start3A_934, %dma_start3A_935] : memref<16384x56x128xf32, #tpu.memory_space<hbm>> -> memref<1x50x64xf32, #tpu.memory_space<hbm>>
      %dma_start3A_937 = tpu.memref_squeeze %dma_start3A_936 : memref<1x50x64xf32, #tpu.memory_space<hbm>> -> memref<50x64xf32, #tpu.memory_space<hbm>>
      %dma_start3A_938 = arith.constant 0 : i32
      %dma_start3A_939 = arith.constant 0 : i32
      %dma_start3A_940 = tpu.memref_slice %arg4[%add3A_930, %dma_start3A_938, %dma_start3A_939] : memref<16384x56x128xf32, #tpu.memory_space<hbm>> -> memref<1x50x64xf32, #tpu.memory_space<hbm>>
      %dma_start3A_941 = tpu.memref_squeeze %dma_start3A_940 : memref<1x50x64xf32, #tpu.memory_space<hbm>> -> memref<50x64xf32, #tpu.memory_space<hbm>>
      %dma_start3A_942 = arith.constant 0 : i32
      %dma_start3A_943 = arith.constant 0 : i32
      %dma_start3A_944 = tpu.memref_slice %arg7[%dma_start3A_942, %dma_start3A_943] : memref<800x64xf32, #tpu.memory_space<vmem>> -> memref<50x64xf32, #tpu.memory_space<vmem>>
      tpu.enqueue_dma source(%dma_start3A_944 : memref<50x64xf32, #tpu.memory_space<vmem>>) target(%dma_start3A_941 : memref<50x64xf32, #tpu.memory_space<hbm>>) target_semaphore(%arg11 : memref<!tpu.dma_semaphore, #tpu.memory_space<semaphore_mem>>)
      %mul3A_945 = arith.constant 16 : i32
      %mul3A_946 = arith.muli %add3A_925, %mul3A_945 : i32
      %add3A_947 = arith.addi %mul3A_4, %mul3A_946 : i32
      %add3A_948 = arith.constant 1 : i32
      %add3A_949 = arith.addi %add3A_947, %add3A_948 : i32
      %dma_start3A_950 = arith.constant 50 : i32
      %dma_start3A_951 = arith.constant 0 : i32
      %dma_start3A_952 = tpu.memref_slice %arg7[%dma_start3A_950, %dma_start3A_951] : memref<800x64xf32, #tpu.memory_space<vmem>> -> memref<50x64xf32, #tpu.memory_space<vmem>>
      %dma_start3A_953 = arith.constant 0 : i32
      %dma_start3A_954 = arith.constant 0 : i32
      %dma_start3A_955 = tpu.memref_slice %arg4[%add3A_949, %dma_start3A_953, %dma_start3A_954] : memref<16384x56x128xf32, #tpu.memory_space<hbm>> -> memref<1x50x64xf32, #tpu.memory_space<hbm>>
      %dma_start3A_956 = tpu.memref_squeeze %dma_start3A_955 : memref<1x50x64xf32, #tpu.memory_space<hbm>> -> memref<50x64xf32, #tpu.memory_space<hbm>>
      %dma_start3A_957 = arith.constant 0 : i32
      %dma_start3A_958 = arith.constant 0 : i32
      %dma_start3A_959 = tpu.memref_slice %arg4[%add3A_949, %dma_start3A_957, %dma_start3A_958] : memref<16384x56x128xf32, #tpu.memory_space<hbm>> -> memref<1x50x64xf32, #tpu.memory_space<hbm>>
      %dma_start3A_960 = tpu.memref_squeeze %dma_start3A_959 : memref<1x50x64xf32, #tpu.memory_space<hbm>> -> memref<50x64xf32, #tpu.memory_space<hbm>>
      %dma_start3A_961 = arith.constant 50 : i32
      %dma_start3A_962 = arith.constant 0 : i32
      %dma_start3A_963 = tpu.memref_slice %arg7[%dma_start3A_961, %dma_start3A_962] : memref<800x64xf32, #tpu.memory_space<vmem>> -> memref<50x64xf32, #tpu.memory_space<vmem>>
      tpu.enqueue_dma source(%dma_start3A_963 : memref<50x64xf32, #tpu.memory_space<vmem>>) target(%dma_start3A_960 : memref<50x64xf32, #tpu.memory_space<hbm>>) target_semaphore(%arg11 : memref<!tpu.dma_semaphore, #tpu.memory_space<semaphore_mem>>)
      %mul3A_964 = arith.constant 16 : i32
      %mul3A_965 = arith.muli %add3A_925, %mul3A_964 : i32
      %add3A_966 = arith.addi %mul3A_4, %mul3A_965 : i32
      %add3A_967 = arith.constant 2 : i32
      %add3A_968 = arith.addi %add3A_966, %add3A_967 : i32
      %dma_start3A_969 = arith.constant 100 : i32
      %dma_start3A_970 = arith.constant 0 : i32
      %dma_start3A_971 = tpu.memref_slice %arg7[%dma_start3A_969, %dma_start3A_970] : memref<800x64xf32, #tpu.memory_space<vmem>> -> memref<50x64xf32, #tpu.memory_space<vmem>>
      %dma_start3A_972 = arith.constant 0 : i32
      %dma_start3A_973 = arith.constant 0 : i32
      %dma_start3A_974 = tpu.memref_slice %arg4[%add3A_968, %dma_start3A_972, %dma_start3A_973] : memref<16384x56x128xf32, #tpu.memory_space<hbm>> -> memref<1x50x64xf32, #tpu.memory_space<hbm>>
      %dma_start3A_975 = tpu.memref_squeeze %dma_start3A_974 : memref<1x50x64xf32, #tpu.memory_space<hbm>> -> memref<50x64xf32, #tpu.memory_space<hbm>>
      %dma_start3A_976 = arith.constant 0 : i32
      %dma_start3A_977 = arith.constant 0 : i32
      %dma_start3A_978 = tpu.memref_slice %arg4[%add3A_968, %dma_start3A_976, %dma_start3A_977] : memref<16384x56x128xf32, #tpu.memory_space<hbm>> -> memref<1x50x64xf32, #tpu.memory_space<hbm>>
      %dma_start3A_979 = tpu.memref_squeeze %dma_start3A_978 : memref<1x50x64xf32, #tpu.memory_space<hbm>> -> memref<50x64xf32, #tpu.memory_space<hbm>>
      %dma_start3A_980 = arith.constant 100 : i32
      %dma_start3A_981 = arith.constant 0 : i32
      %dma_start3A_982 = tpu.memref_slice %arg7[%dma_start3A_980, %dma_start3A_981] : memref<800x64xf32, #tpu.memory_space<vmem>> -> memref<50x64xf32, #tpu.memory_space<vmem>>
      tpu.enqueue_dma source(%dma_start3A_982 : memref<50x64xf32, #tpu.memory_space<vmem>>) target(%dma_start3A_979 : memref<50x64xf32, #tpu.memory_space<hbm>>) target_semaphore(%arg11 : memref<!tpu.dma_semaphore, #tpu.memory_space<semaphore_mem>>)
      %mul3A_983 = arith.constant 16 : i32
      %mul3A_984 = arith.muli %add3A_925, %mul3A_983 : i32
      %add3A_985 = arith.addi %mul3A_4, %mul3A_984 : i32
      %add3A_986 = arith.constant 3 : i32
      %add3A_987 = arith.addi %add3A_985, %add3A_986 : i32
      %dma_start3A_988 = arith.constant 150 : i32
      %dma_start3A_989 = arith.constant 0 : i32
      %dma_start3A_990 = tpu.memref_slice %arg7[%dma_start3A_988, %dma_start3A_989] : memref<800x64xf32, #tpu.memory_space<vmem>> -> memref<50x64xf32, #tpu.memory_space<vmem>>
      %dma_start3A_991 = arith.constant 0 : i32
      %dma_start3A_992 = arith.constant 0 : i32
      %dma_start3A_993 = tpu.memref_slice %arg4[%add3A_987, %dma_start3A_991, %dma_start3A_992] : memref<16384x56x128xf32, #tpu.memory_space<hbm>> -> memref<1x50x64xf32, #tpu.memory_space<hbm>>
      %dma_start3A_994 = tpu.memref_squeeze %dma_start3A_993 : memref<1x50x64xf32, #tpu.memory_space<hbm>> -> memref<50x64xf32, #tpu.memory_space<hbm>>
      %dma_start3A_995 = arith.constant 0 : i32
      %dma_start3A_996 = arith.constant 0 : i32
      %dma_start3A_997 = tpu.memref_slice %arg4[%add3A_987, %dma_start3A_995, %dma_start3A_996] : memref<16384x56x128xf32, #tpu.memory_space<hbm>> -> memref<1x50x64xf32, #tpu.memory_space<hbm>>
      %dma_start3A_998 = tpu.memref_squeeze %dma_start3A_997 : memref<1x50x64xf32, #tpu.memory_space<hbm>> -> memref<50x64xf32, #tpu.memory_space<hbm>>
      %dma_start3A_999 = arith.constant 150 : i32
      %dma_start3A_1000 = arith.constant 0 : i32
      %dma_start3A_1001 = tpu.memref_slice %arg7[%dma_start3A_999, %dma_start3A_1000] : memref<800x64xf32, #tpu.memory_space<vmem>> -> memref<50x64xf32, #tpu.memory_space<vmem>>
      tpu.enqueue_dma source(%dma_start3A_1001 : memref<50x64xf32, #tpu.memory_space<vmem>>) target(%dma_start3A_998 : memref<50x64xf32, #tpu.memory_space<hbm>>) target_semaphore(%arg11 : memref<!tpu.dma_semaphore, #tpu.memory_space<semaphore_mem>>)
      %mul3A_1002 = arith.constant 16 : i32
      %mul3A_1003 = arith.muli %add3A_925, %mul3A_1002 : i32
      %add3A_1004 = arith.addi %mul3A_4, %mul3A_1003 : i32
      %add3A_1005 = arith.constant 4 : i32
      %add3A_1006 = arith.addi %add3A_1004, %add3A_1005 : i32
      %dma_start3A_1007 = arith.constant 200 : i32
      %dma_start3A_1008 = arith.constant 0 : i32
      %dma_start3A_1009 = tpu.memref_slice %arg7[%dma_start3A_1007, %dma_start3A_1008] : memref<800x64xf32, #tpu.memory_space<vmem>> -> memref<50x64xf32, #tpu.memory_space<vmem>>
      %dma_start3A_1010 = arith.constant 0 : i32
      %dma_start3A_1011 = arith.constant 0 : i32
      %dma_start3A_1012 = tpu.memref_slice %arg4[%add3A_1006, %dma_start3A_1010, %dma_start3A_1011] : memref<16384x56x128xf32, #tpu.memory_space<hbm>> -> memref<1x50x64xf32, #tpu.memory_space<hbm>>
      %dma_start3A_1013 = tpu.memref_squeeze %dma_start3A_1012 : memref<1x50x64xf32, #tpu.memory_space<hbm>> -> memref<50x64xf32, #tpu.memory_space<hbm>>
      %dma_start3A_1014 = arith.constant 0 : i32
      %dma_start3A_1015 = arith.constant 0 : i32
      %dma_start3A_1016 = tpu.memref_slice %arg4[%add3A_1006, %dma_start3A_1014, %dma_start3A_1015] : memref<16384x56x128xf32, #tpu.memory_space<hbm>> -> memref<1x50x64xf32, #tpu.memory_space<hbm>>
      %dma_start3A_1017 = tpu.memref_squeeze %dma_start3A_1016 : memref<1x50x64xf32, #tpu.memory_space<hbm>> -> memref<50x64xf32, #tpu.memory_space<hbm>>
      %dma_start3A_1018 = arith.constant 200 : i32
      %dma_start3A_1019 = arith.constant 0 : i32
      %dma_start3A_1020 = tpu.memref_slice %arg7[%dma_start3A_1018, %dma_start3A_1019] : memref<800x64xf32, #tpu.memory_space<vmem>> -> memref<50x64xf32, #tpu.memory_space<vmem>>
      tpu.enqueue_dma source(%dma_start3A_1020 : memref<50x64xf32, #tpu.memory_space<vmem>>) target(%dma_start3A_1017 : memref<50x64xf32, #tpu.memory_space<hbm>>) target_semaphore(%arg11 : memref<!tpu.dma_semaphore, #tpu.memory_space<semaphore_mem>>)
      %mul3A_1021 = arith.constant 16 : i32
      %mul3A_1022 = arith.muli %add3A_925, %mul3A_1021 : i32
      %add3A_1023 = arith.addi %mul3A_4, %mul3A_1022 : i32
      %add3A_1024 = arith.constant 5 : i32
      %add3A_1025 = arith.addi %add3A_1023, %add3A_1024 : i32
      %dma_start3A_1026 = arith.constant 250 : i32
      %dma_start3A_1027 = arith.constant 0 : i32
      %dma_start3A_1028 = tpu.memref_slice %arg7[%dma_start3A_1026, %dma_start3A_1027] : memref<800x64xf32, #tpu.memory_space<vmem>> -> memref<50x64xf32, #tpu.memory_space<vmem>>
      %dma_start3A_1029 = arith.constant 0 : i32
      %dma_start3A_1030 = arith.constant 0 : i32
      %dma_start3A_1031 = tpu.memref_slice %arg4[%add3A_1025, %dma_start3A_1029, %dma_start3A_1030] : memref<16384x56x128xf32, #tpu.memory_space<hbm>> -> memref<1x50x64xf32, #tpu.memory_space<hbm>>
      %dma_start3A_1032 = tpu.memref_squeeze %dma_start3A_1031 : memref<1x50x64xf32, #tpu.memory_space<hbm>> -> memref<50x64xf32, #tpu.memory_space<hbm>>
      %dma_start3A_1033 = arith.constant 0 : i32
      %dma_start3A_1034 = arith.constant 0 : i32
      %dma_start3A_1035 = tpu.memref_slice %arg4[%add3A_1025, %dma_start3A_1033, %dma_start3A_1034] : memref<16384x56x128xf32, #tpu.memory_space<hbm>> -> memref<1x50x64xf32, #tpu.memory_space<hbm>>
      %dma_start3A_1036 = tpu.memref_squeeze %dma_start3A_1035 : memref<1x50x64xf32, #tpu.memory_space<hbm>> -> memref<50x64xf32, #tpu.memory_space<hbm>>
      %dma_start3A_1037 = arith.constant 250 : i32
      %dma_start3A_1038 = arith.constant 0 : i32
      %dma_start3A_1039 = tpu.memref_slice %arg7[%dma_start3A_1037, %dma_start3A_1038] : memref<800x64xf32, #tpu.memory_space<vmem>> -> memref<50x64xf32, #tpu.memory_space<vmem>>
      tpu.enqueue_dma source(%dma_start3A_1039 : memref<50x64xf32, #tpu.memory_space<vmem>>) target(%dma_start3A_1036 : memref<50x64xf32, #tpu.memory_space<hbm>>) target_semaphore(%arg11 : memref<!tpu.dma_semaphore, #tpu.memory_space<semaphore_mem>>)
      %mul3A_1040 = arith.constant 16 : i32
      %mul3A_1041 = arith.muli %add3A_925, %mul3A_1040 : i32
      %add3A_1042 = arith.addi %mul3A_4, %mul3A_1041 : i32
      %add3A_1043 = arith.constant 6 : i32
      %add3A_1044 = arith.addi %add3A_1042, %add3A_1043 : i32
      %dma_start3A_1045 = arith.constant 300 : i32
      %dma_start3A_1046 = arith.constant 0 : i32
      %dma_start3A_1047 = tpu.memref_slice %arg7[%dma_start3A_1045, %dma_start3A_1046] : memref<800x64xf32, #tpu.memory_space<vmem>> -> memref<50x64xf32, #tpu.memory_space<vmem>>
      %dma_start3A_1048 = arith.constant 0 : i32
      %dma_start3A_1049 = arith.constant 0 : i32
      %dma_start3A_1050 = tpu.memref_slice %arg4[%add3A_1044, %dma_start3A_1048, %dma_start3A_1049] : memref<16384x56x128xf32, #tpu.memory_space<hbm>> -> memref<1x50x64xf32, #tpu.memory_space<hbm>>
      %dma_start3A_1051 = tpu.memref_squeeze %dma_start3A_1050 : memref<1x50x64xf32, #tpu.memory_space<hbm>> -> memref<50x64xf32, #tpu.memory_space<hbm>>
      %dma_start3A_1052 = arith.constant 0 : i32
      %dma_start3A_1053 = arith.constant 0 : i32
      %dma_start3A_1054 = tpu.memref_slice %arg4[%add3A_1044, %dma_start3A_1052, %dma_start3A_1053] : memref<16384x56x128xf32, #tpu.memory_space<hbm>> -> memref<1x50x64xf32, #tpu.memory_space<hbm>>
      %dma_start3A_1055 = tpu.memref_squeeze %dma_start3A_1054 : memref<1x50x64xf32, #tpu.memory_space<hbm>> -> memref<50x64xf32, #tpu.memory_space<hbm>>
      %dma_start3A_1056 = arith.constant 300 : i32
      %dma_start3A_1057 = arith.constant 0 : i32
      %dma_start3A_1058 = tpu.memref_slice %arg7[%dma_start3A_1056, %dma_start3A_1057] : memref<800x64xf32, #tpu.memory_space<vmem>> -> memref<50x64xf32, #tpu.memory_space<vmem>>
      tpu.enqueue_dma source(%dma_start3A_1058 : memref<50x64xf32, #tpu.memory_space<vmem>>) target(%dma_start3A_1055 : memref<50x64xf32, #tpu.memory_space<hbm>>) target_semaphore(%arg11 : memref<!tpu.dma_semaphore, #tpu.memory_space<semaphore_mem>>)
      %mul3A_1059 = arith.constant 16 : i32
      %mul3A_1060 = arith.muli %add3A_925, %mul3A_1059 : i32
      %add3A_1061 = arith.addi %mul3A_4, %mul3A_1060 : i32
      %add3A_1062 = arith.constant 7 : i32
      %add3A_1063 = arith.addi %add3A_1061, %add3A_1062 : i32
      %dma_start3A_1064 = arith.constant 350 : i32
      %dma_start3A_1065 = arith.constant 0 : i32
      %dma_start3A_1066 = tpu.memref_slice %arg7[%dma_start3A_1064, %dma_start3A_1065] : memref<800x64xf32, #tpu.memory_space<vmem>> -> memref<50x64xf32, #tpu.memory_space<vmem>>
      %dma_start3A_1067 = arith.constant 0 : i32
      %dma_start3A_1068 = arith.constant 0 : i32
      %dma_start3A_1069 = tpu.memref_slice %arg4[%add3A_1063, %dma_start3A_1067, %dma_start3A_1068] : memref<16384x56x128xf32, #tpu.memory_space<hbm>> -> memref<1x50x64xf32, #tpu.memory_space<hbm>>
      %dma_start3A_1070 = tpu.memref_squeeze %dma_start3A_1069 : memref<1x50x64xf32, #tpu.memory_space<hbm>> -> memref<50x64xf32, #tpu.memory_space<hbm>>
      %dma_start3A_1071 = arith.constant 0 : i32
      %dma_start3A_1072 = arith.constant 0 : i32
      %dma_start3A_1073 = tpu.memref_slice %arg4[%add3A_1063, %dma_start3A_1071, %dma_start3A_1072] : memref<16384x56x128xf32, #tpu.memory_space<hbm>> -> memref<1x50x64xf32, #tpu.memory_space<hbm>>
      %dma_start3A_1074 = tpu.memref_squeeze %dma_start3A_1073 : memref<1x50x64xf32, #tpu.memory_space<hbm>> -> memref<50x64xf32, #tpu.memory_space<hbm>>
      %dma_start3A_1075 = arith.constant 350 : i32
      %dma_start3A_1076 = arith.constant 0 : i32
      %dma_start3A_1077 = tpu.memref_slice %arg7[%dma_start3A_1075, %dma_start3A_1076] : memref<800x64xf32, #tpu.memory_space<vmem>> -> memref<50x64xf32, #tpu.memory_space<vmem>>
      tpu.enqueue_dma source(%dma_start3A_1077 : memref<50x64xf32, #tpu.memory_space<vmem>>) target(%dma_start3A_1074 : memref<50x64xf32, #tpu.memory_space<hbm>>) target_semaphore(%arg11 : memref<!tpu.dma_semaphore, #tpu.memory_space<semaphore_mem>>)
      %mul3A_1078 = arith.constant 16 : i32
      %mul3A_1079 = arith.muli %add3A_925, %mul3A_1078 : i32
      %add3A_1080 = arith.addi %mul3A_4, %mul3A_1079 : i32
      %add3A_1081 = arith.constant 8 : i32
      %add3A_1082 = arith.addi %add3A_1080, %add3A_1081 : i32
      %dma_start3A_1083 = arith.constant 400 : i32
      %dma_start3A_1084 = arith.constant 0 : i32
      %dma_start3A_1085 = tpu.memref_slice %arg7[%dma_start3A_1083, %dma_start3A_1084] : memref<800x64xf32, #tpu.memory_space<vmem>> -> memref<50x64xf32, #tpu.memory_space<vmem>>
      %dma_start3A_1086 = arith.constant 0 : i32
      %dma_start3A_1087 = arith.constant 0 : i32
      %dma_start3A_1088 = tpu.memref_slice %arg4[%add3A_1082, %dma_start3A_1086, %dma_start3A_1087] : memref<16384x56x128xf32, #tpu.memory_space<hbm>> -> memref<1x50x64xf32, #tpu.memory_space<hbm>>
      %dma_start3A_1089 = tpu.memref_squeeze %dma_start3A_1088 : memref<1x50x64xf32, #tpu.memory_space<hbm>> -> memref<50x64xf32, #tpu.memory_space<hbm>>
      %dma_start3A_1090 = arith.constant 0 : i32
      %dma_start3A_1091 = arith.constant 0 : i32
      %dma_start3A_1092 = tpu.memref_slice %arg4[%add3A_1082, %dma_start3A_1090, %dma_start3A_1091] : memref<16384x56x128xf32, #tpu.memory_space<hbm>> -> memref<1x50x64xf32, #tpu.memory_space<hbm>>
      %dma_start3A_1093 = tpu.memref_squeeze %dma_start3A_1092 : memref<1x50x64xf32, #tpu.memory_space<hbm>> -> memref<50x64xf32, #tpu.memory_space<hbm>>
      %dma_start3A_1094 = arith.constant 400 : i32
      %dma_start3A_1095 = arith.constant 0 : i32
      %dma_start3A_1096 = tpu.memref_slice %arg7[%dma_start3A_1094, %dma_start3A_1095] : memref<800x64xf32, #tpu.memory_space<vmem>> -> memref<50x64xf32, #tpu.memory_space<vmem>>
      tpu.enqueue_dma source(%dma_start3A_1096 : memref<50x64xf32, #tpu.memory_space<vmem>>) target(%dma_start3A_1093 : memref<50x64xf32, #tpu.memory_space<hbm>>) target_semaphore(%arg11 : memref<!tpu.dma_semaphore, #tpu.memory_space<semaphore_mem>>)
      %mul3A_1097 = arith.constant 16 : i32
      %mul3A_1098 = arith.muli %add3A_925, %mul3A_1097 : i32
      %add3A_1099 = arith.addi %mul3A_4, %mul3A_1098 : i32
      %add3A_1100 = arith.constant 9 : i32
      %add3A_1101 = arith.addi %add3A_1099, %add3A_1100 : i32
      %dma_start3A_1102 = arith.constant 450 : i32
      %dma_start3A_1103 = arith.constant 0 : i32
      %dma_start3A_1104 = tpu.memref_slice %arg7[%dma_start3A_1102, %dma_start3A_1103] : memref<800x64xf32, #tpu.memory_space<vmem>> -> memref<50x64xf32, #tpu.memory_space<vmem>>
      %dma_start3A_1105 = arith.constant 0 : i32
      %dma_start3A_1106 = arith.constant 0 : i32
      %dma_start3A_1107 = tpu.memref_slice %arg4[%add3A_1101, %dma_start3A_1105, %dma_start3A_1106] : memref<16384x56x128xf32, #tpu.memory_space<hbm>> -> memref<1x50x64xf32, #tpu.memory_space<hbm>>
      %dma_start3A_1108 = tpu.memref_squeeze %dma_start3A_1107 : memref<1x50x64xf32, #tpu.memory_space<hbm>> -> memref<50x64xf32, #tpu.memory_space<hbm>>
      %dma_start3A_1109 = arith.constant 0 : i32
      %dma_start3A_1110 = arith.constant 0 : i32
      %dma_start3A_1111 = tpu.memref_slice %arg4[%add3A_1101, %dma_start3A_1109, %dma_start3A_1110] : memref<16384x56x128xf32, #tpu.memory_space<hbm>> -> memref<1x50x64xf32, #tpu.memory_space<hbm>>
      %dma_start3A_1112 = tpu.memref_squeeze %dma_start3A_1111 : memref<1x50x64xf32, #tpu.memory_space<hbm>> -> memref<50x64xf32, #tpu.memory_space<hbm>>
      %dma_start3A_1113 = arith.constant 450 : i32
      %dma_start3A_1114 = arith.constant 0 : i32
      %dma_start3A_1115 = tpu.memref_slice %arg7[%dma_start3A_1113, %dma_start3A_1114] : memref<800x64xf32, #tpu.memory_space<vmem>> -> memref<50x64xf32, #tpu.memory_space<vmem>>
      tpu.enqueue_dma source(%dma_start3A_1115 : memref<50x64xf32, #tpu.memory_space<vmem>>) target(%dma_start3A_1112 : memref<50x64xf32, #tpu.memory_space<hbm>>) target_semaphore(%arg11 : memref<!tpu.dma_semaphore, #tpu.memory_space<semaphore_mem>>)
      %mul3A_1116 = arith.constant 16 : i32
      %mul3A_1117 = arith.muli %add3A_925, %mul3A_1116 : i32
      %add3A_1118 = arith.addi %mul3A_4, %mul3A_1117 : i32
      %add3A_1119 = arith.constant 10 : i32
      %add3A_1120 = arith.addi %add3A_1118, %add3A_1119 : i32
      %dma_start3A_1121 = arith.constant 500 : i32
      %dma_start3A_1122 = arith.constant 0 : i32
      %dma_start3A_1123 = tpu.memref_slice %arg7[%dma_start3A_1121, %dma_start3A_1122] : memref<800x64xf32, #tpu.memory_space<vmem>> -> memref<50x64xf32, #tpu.memory_space<vmem>>
      %dma_start3A_1124 = arith.constant 0 : i32
      %dma_start3A_1125 = arith.constant 0 : i32
      %dma_start3A_1126 = tpu.memref_slice %arg4[%add3A_1120, %dma_start3A_1124, %dma_start3A_1125] : memref<16384x56x128xf32, #tpu.memory_space<hbm>> -> memref<1x50x64xf32, #tpu.memory_space<hbm>>
      %dma_start3A_1127 = tpu.memref_squeeze %dma_start3A_1126 : memref<1x50x64xf32, #tpu.memory_space<hbm>> -> memref<50x64xf32, #tpu.memory_space<hbm>>
      %dma_start3A_1128 = arith.constant 0 : i32
      %dma_start3A_1129 = arith.constant 0 : i32
      %dma_start3A_1130 = tpu.memref_slice %arg4[%add3A_1120, %dma_start3A_1128, %dma_start3A_1129] : memref<16384x56x128xf32, #tpu.memory_space<hbm>> -> memref<1x50x64xf32, #tpu.memory_space<hbm>>
      %dma_start3A_1131 = tpu.memref_squeeze %dma_start3A_1130 : memref<1x50x64xf32, #tpu.memory_space<hbm>> -> memref<50x64xf32, #tpu.memory_space<hbm>>
      %dma_start3A_1132 = arith.constant 500 : i32
      %dma_start3A_1133 = arith.constant 0 : i32
      %dma_start3A_1134 = tpu.memref_slice %arg7[%dma_start3A_1132, %dma_start3A_1133] : memref<800x64xf32, #tpu.memory_space<vmem>> -> memref<50x64xf32, #tpu.memory_space<vmem>>
      tpu.enqueue_dma source(%dma_start3A_1134 : memref<50x64xf32, #tpu.memory_space<vmem>>) target(%dma_start3A_1131 : memref<50x64xf32, #tpu.memory_space<hbm>>) target_semaphore(%arg11 : memref<!tpu.dma_semaphore, #tpu.memory_space<semaphore_mem>>)
      %mul3A_1135 = arith.constant 16 : i32
      %mul3A_1136 = arith.muli %add3A_925, %mul3A_1135 : i32
      %add3A_1137 = arith.addi %mul3A_4, %mul3A_1136 : i32
      %add3A_1138 = arith.constant 11 : i32
      %add3A_1139 = arith.addi %add3A_1137, %add3A_1138 : i32
      %dma_start3A_1140 = arith.constant 550 : i32
      %dma_start3A_1141 = arith.constant 0 : i32
      %dma_start3A_1142 = tpu.memref_slice %arg7[%dma_start3A_1140, %dma_start3A_1141] : memref<800x64xf32, #tpu.memory_space<vmem>> -> memref<50x64xf32, #tpu.memory_space<vmem>>
      %dma_start3A_1143 = arith.constant 0 : i32
      %dma_start3A_1144 = arith.constant 0 : i32
      %dma_start3A_1145 = tpu.memref_slice %arg4[%add3A_1139, %dma_start3A_1143, %dma_start3A_1144] : memref<16384x56x128xf32, #tpu.memory_space<hbm>> -> memref<1x50x64xf32, #tpu.memory_space<hbm>>
      %dma_start3A_1146 = tpu.memref_squeeze %dma_start3A_1145 : memref<1x50x64xf32, #tpu.memory_space<hbm>> -> memref<50x64xf32, #tpu.memory_space<hbm>>
      %dma_start3A_1147 = arith.constant 0 : i32
      %dma_start3A_1148 = arith.constant 0 : i32
      %dma_start3A_1149 = tpu.memref_slice %arg4[%add3A_1139, %dma_start3A_1147, %dma_start3A_1148] : memref<16384x56x128xf32, #tpu.memory_space<hbm>> -> memref<1x50x64xf32, #tpu.memory_space<hbm>>
      %dma_start3A_1150 = tpu.memref_squeeze %dma_start3A_1149 : memref<1x50x64xf32, #tpu.memory_space<hbm>> -> memref<50x64xf32, #tpu.memory_space<hbm>>
      %dma_start3A_1151 = arith.constant 550 : i32
      %dma_start3A_1152 = arith.constant 0 : i32
      %dma_start3A_1153 = tpu.memref_slice %arg7[%dma_start3A_1151, %dma_start3A_1152] : memref<800x64xf32, #tpu.memory_space<vmem>> -> memref<50x64xf32, #tpu.memory_space<vmem>>
      tpu.enqueue_dma source(%dma_start3A_1153 : memref<50x64xf32, #tpu.memory_space<vmem>>) target(%dma_start3A_1150 : memref<50x64xf32, #tpu.memory_space<hbm>>) target_semaphore(%arg11 : memref<!tpu.dma_semaphore, #tpu.memory_space<semaphore_mem>>)
      %mul3A_1154 = arith.constant 16 : i32
      %mul3A_1155 = arith.muli %add3A_925, %mul3A_1154 : i32
      %add3A_1156 = arith.addi %mul3A_4, %mul3A_1155 : i32
      %add3A_1157 = arith.constant 12 : i32
      %add3A_1158 = arith.addi %add3A_1156, %add3A_1157 : i32
      %dma_start3A_1159 = arith.constant 600 : i32
      %dma_start3A_1160 = arith.constant 0 : i32
      %dma_start3A_1161 = tpu.memref_slice %arg7[%dma_start3A_1159, %dma_start3A_1160] : memref<800x64xf32, #tpu.memory_space<vmem>> -> memref<50x64xf32, #tpu.memory_space<vmem>>
      %dma_start3A_1162 = arith.constant 0 : i32
      %dma_start3A_1163 = arith.constant 0 : i32
      %dma_start3A_1164 = tpu.memref_slice %arg4[%add3A_1158, %dma_start3A_1162, %dma_start3A_1163] : memref<16384x56x128xf32, #tpu.memory_space<hbm>> -> memref<1x50x64xf32, #tpu.memory_space<hbm>>
      %dma_start3A_1165 = tpu.memref_squeeze %dma_start3A_1164 : memref<1x50x64xf32, #tpu.memory_space<hbm>> -> memref<50x64xf32, #tpu.memory_space<hbm>>
      %dma_start3A_1166 = arith.constant 0 : i32
      %dma_start3A_1167 = arith.constant 0 : i32
      %dma_start3A_1168 = tpu.memref_slice %arg4[%add3A_1158, %dma_start3A_1166, %dma_start3A_1167] : memref<16384x56x128xf32, #tpu.memory_space<hbm>> -> memref<1x50x64xf32, #tpu.memory_space<hbm>>
      %dma_start3A_1169 = tpu.memref_squeeze %dma_start3A_1168 : memref<1x50x64xf32, #tpu.memory_space<hbm>> -> memref<50x64xf32, #tpu.memory_space<hbm>>
      %dma_start3A_1170 = arith.constant 600 : i32
      %dma_start3A_1171 = arith.constant 0 : i32
      %dma_start3A_1172 = tpu.memref_slice %arg7[%dma_start3A_1170, %dma_start3A_1171] : memref<800x64xf32, #tpu.memory_space<vmem>> -> memref<50x64xf32, #tpu.memory_space<vmem>>
      tpu.enqueue_dma source(%dma_start3A_1172 : memref<50x64xf32, #tpu.memory_space<vmem>>) target(%dma_start3A_1169 : memref<50x64xf32, #tpu.memory_space<hbm>>) target_semaphore(%arg11 : memref<!tpu.dma_semaphore, #tpu.memory_space<semaphore_mem>>)
      %mul3A_1173 = arith.constant 16 : i32
      %mul3A_1174 = arith.muli %add3A_925, %mul3A_1173 : i32
      %add3A_1175 = arith.addi %mul3A_4, %mul3A_1174 : i32
      %add3A_1176 = arith.constant 13 : i32
      %add3A_1177 = arith.addi %add3A_1175, %add3A_1176 : i32
      %dma_start3A_1178 = arith.constant 650 : i32
      %dma_start3A_1179 = arith.constant 0 : i32
      %dma_start3A_1180 = tpu.memref_slice %arg7[%dma_start3A_1178, %dma_start3A_1179] : memref<800x64xf32, #tpu.memory_space<vmem>> -> memref<50x64xf32, #tpu.memory_space<vmem>>
      %dma_start3A_1181 = arith.constant 0 : i32
      %dma_start3A_1182 = arith.constant 0 : i32
      %dma_start3A_1183 = tpu.memref_slice %arg4[%add3A_1177, %dma_start3A_1181, %dma_start3A_1182] : memref<16384x56x128xf32, #tpu.memory_space<hbm>> -> memref<1x50x64xf32, #tpu.memory_space<hbm>>
      %dma_start3A_1184 = tpu.memref_squeeze %dma_start3A_1183 : memref<1x50x64xf32, #tpu.memory_space<hbm>> -> memref<50x64xf32, #tpu.memory_space<hbm>>
      %dma_start3A_1185 = arith.constant 0 : i32
      %dma_start3A_1186 = arith.constant 0 : i32
      %dma_start3A_1187 = tpu.memref_slice %arg4[%add3A_1177, %dma_start3A_1185, %dma_start3A_1186] : memref<16384x56x128xf32, #tpu.memory_space<hbm>> -> memref<1x50x64xf32, #tpu.memory_space<hbm>>
      %dma_start3A_1188 = tpu.memref_squeeze %dma_start3A_1187 : memref<1x50x64xf32, #tpu.memory_space<hbm>> -> memref<50x64xf32, #tpu.memory_space<hbm>>
      %dma_start3A_1189 = arith.constant 650 : i32
      %dma_start3A_1190 = arith.constant 0 : i32
      %dma_start3A_1191 = tpu.memref_slice %arg7[%dma_start3A_1189, %dma_start3A_1190] : memref<800x64xf32, #tpu.memory_space<vmem>> -> memref<50x64xf32, #tpu.memory_space<vmem>>
      tpu.enqueue_dma source(%dma_start3A_1191 : memref<50x64xf32, #tpu.memory_space<vmem>>) target(%dma_start3A_1188 : memref<50x64xf32, #tpu.memory_space<hbm>>) target_semaphore(%arg11 : memref<!tpu.dma_semaphore, #tpu.memory_space<semaphore_mem>>)
      %mul3A_1192 = arith.constant 16 : i32
      %mul3A_1193 = arith.muli %add3A_925, %mul3A_1192 : i32
      %add3A_1194 = arith.addi %mul3A_4, %mul3A_1193 : i32
      %add3A_1195 = arith.constant 14 : i32
      %add3A_1196 = arith.addi %add3A_1194, %add3A_1195 : i32
      %dma_start3A_1197 = arith.constant 700 : i32
      %dma_start3A_1198 = arith.constant 0 : i32
      %dma_start3A_1199 = tpu.memref_slice %arg7[%dma_start3A_1197, %dma_start3A_1198] : memref<800x64xf32, #tpu.memory_space<vmem>> -> memref<50x64xf32, #tpu.memory_space<vmem>>
      %dma_start3A_1200 = arith.constant 0 : i32
      %dma_start3A_1201 = arith.constant 0 : i32
      %dma_start3A_1202 = tpu.memref_slice %arg4[%add3A_1196, %dma_start3A_1200, %dma_start3A_1201] : memref<16384x56x128xf32, #tpu.memory_space<hbm>> -> memref<1x50x64xf32, #tpu.memory_space<hbm>>
      %dma_start3A_1203 = tpu.memref_squeeze %dma_start3A_1202 : memref<1x50x64xf32, #tpu.memory_space<hbm>> -> memref<50x64xf32, #tpu.memory_space<hbm>>
      %dma_start3A_1204 = arith.constant 0 : i32
      %dma_start3A_1205 = arith.constant 0 : i32
      %dma_start3A_1206 = tpu.memref_slice %arg4[%add3A_1196, %dma_start3A_1204, %dma_start3A_1205] : memref<16384x56x128xf32, #tpu.memory_space<hbm>> -> memref<1x50x64xf32, #tpu.memory_space<hbm>>
      %dma_start3A_1207 = tpu.memref_squeeze %dma_start3A_1206 : memref<1x50x64xf32, #tpu.memory_space<hbm>> -> memref<50x64xf32, #tpu.memory_space<hbm>>
      %dma_start3A_1208 = arith.constant 700 : i32
      %dma_start3A_1209 = arith.constant 0 : i32
      %dma_start3A_1210 = tpu.memref_slice %arg7[%dma_start3A_1208, %dma_start3A_1209] : memref<800x64xf32, #tpu.memory_space<vmem>> -> memref<50x64xf32, #tpu.memory_space<vmem>>
      tpu.enqueue_dma source(%dma_start3A_1210 : memref<50x64xf32, #tpu.memory_space<vmem>>) target(%dma_start3A_1207 : memref<50x64xf32, #tpu.memory_space<hbm>>) target_semaphore(%arg11 : memref<!tpu.dma_semaphore, #tpu.memory_space<semaphore_mem>>)
      %mul3A_1211 = arith.constant 16 : i32
      %mul3A_1212 = arith.muli %add3A_925, %mul3A_1211 : i32
      %add3A_1213 = arith.addi %mul3A_4, %mul3A_1212 : i32
      %add3A_1214 = arith.constant 15 : i32
      %add3A_1215 = arith.addi %add3A_1213, %add3A_1214 : i32
      %dma_start3A_1216 = arith.constant 750 : i32
      %dma_start3A_1217 = arith.constant 0 : i32
      %dma_start3A_1218 = tpu.memref_slice %arg7[%dma_start3A_1216, %dma_start3A_1217] : memref<800x64xf32, #tpu.memory_space<vmem>> -> memref<50x64xf32, #tpu.memory_space<vmem>>
      %dma_start3A_1219 = arith.constant 0 : i32
      %dma_start3A_1220 = arith.constant 0 : i32
      %dma_start3A_1221 = tpu.memref_slice %arg4[%add3A_1215, %dma_start3A_1219, %dma_start3A_1220] : memref<16384x56x128xf32, #tpu.memory_space<hbm>> -> memref<1x50x64xf32, #tpu.memory_space<hbm>>
      %dma_start3A_1222 = tpu.memref_squeeze %dma_start3A_1221 : memref<1x50x64xf32, #tpu.memory_space<hbm>> -> memref<50x64xf32, #tpu.memory_space<hbm>>
      %dma_start3A_1223 = arith.constant 0 : i32
      %dma_start3A_1224 = arith.constant 0 : i32
      %dma_start3A_1225 = tpu.memref_slice %arg4[%add3A_1215, %dma_start3A_1223, %dma_start3A_1224] : memref<16384x56x128xf32, #tpu.memory_space<hbm>> -> memref<1x50x64xf32, #tpu.memory_space<hbm>>
      %dma_start3A_1226 = tpu.memref_squeeze %dma_start3A_1225 : memref<1x50x64xf32, #tpu.memory_space<hbm>> -> memref<50x64xf32, #tpu.memory_space<hbm>>
      %dma_start3A_1227 = arith.constant 750 : i32
      %dma_start3A_1228 = arith.constant 0 : i32
      %dma_start3A_1229 = tpu.memref_slice %arg7[%dma_start3A_1227, %dma_start3A_1228] : memref<800x64xf32, #tpu.memory_space<vmem>> -> memref<50x64xf32, #tpu.memory_space<vmem>>
      tpu.enqueue_dma source(%dma_start3A_1229 : memref<50x64xf32, #tpu.memory_space<vmem>>) target(%dma_start3A_1226 : memref<50x64xf32, #tpu.memory_space<hbm>>) target_semaphore(%arg11 : memref<!tpu.dma_semaphore, #tpu.memory_space<semaphore_mem>>)
    }
    %scan3A_13 = arith.constant 16 : i32
    %add3A_14 = arith.constant 480 : i32
    %add3A_15 = arith.addi %mul3A_4, %add3A_14 : i32
    %add3A_16 = arith.constant 0 : i32
    %add3A_17 = arith.addi %add3A_15, %add3A_16 : i32
    %dma_wait3A = arith.constant 0 : i32
    %dma_wait3A_18 = arith.constant 0 : i32
    %dma_wait3A_19 = tpu.memref_slice %arg6[%dma_wait3A, %dma_wait3A_18] : memref<800x64xf32, #tpu.memory_space<vmem>> -> memref<50x64xf32, #tpu.memory_space<vmem>>
    %dma_wait3A_20 = arith.constant 0 : i32
    %dma_wait3A_21 = arith.constant 0 : i32
    %dma_wait3A_22 = tpu.memref_slice %arg4[%add3A_17, %dma_wait3A_20, %dma_wait3A_21] : memref<16384x56x128xf32, #tpu.memory_space<hbm>> -> memref<1x50x64xf32, #tpu.memory_space<hbm>>
    %dma_wait3A_23 = tpu.memref_squeeze %dma_wait3A_22 : memref<1x50x64xf32, #tpu.memory_space<hbm>> -> memref<50x64xf32, #tpu.memory_space<hbm>>
    %dma_wait3A_24 = arith.constant 0 : i32
    %dma_wait3A_25 = arith.constant 0 : i32
    %dma_wait3A_26 = tpu.memref_slice %arg4[%add3A_17, %dma_wait3A_24, %dma_wait3A_25] : memref<16384x56x128xf32, #tpu.memory_space<hbm>> -> memref<1x50x64xf32, #tpu.memory_space<hbm>>
    %dma_wait3A_27 = tpu.memref_squeeze %dma_wait3A_26 : memref<1x50x64xf32, #tpu.memory_space<hbm>> -> memref<50x64xf32, #tpu.memory_space<hbm>>
    %dma_wait3A_28 = arith.constant 0 : i32
    %dma_wait3A_29 = arith.constant 0 : i32
    %dma_wait3A_30 = tpu.memref_slice %arg6[%dma_wait3A_28, %dma_wait3A_29] : memref<800x64xf32, #tpu.memory_space<vmem>> -> memref<50x64xf32, #tpu.memory_space<vmem>>
    tpu.wait_dma2 semaphore(%arg10 : memref<!tpu.dma_semaphore, #tpu.memory_space<semaphore_mem>>) src(%dma_wait3A_30 : memref<50x64xf32, #tpu.memory_space<vmem>>) dst(%dma_wait3A_27 : memref<50x64xf32, #tpu.memory_space<hbm>>)
    %add3A_31 = arith.constant 480 : i32
    %add3A_32 = arith.addi %mul3A_4, %add3A_31 : i32
    %add3A_33 = arith.constant 1 : i32
    %add3A_34 = arith.addi %add3A_32, %add3A_33 : i32
    %dma_wait3A_35 = arith.constant 50 : i32
    %dma_wait3A_36 = arith.constant 0 : i32
    %dma_wait3A_37 = tpu.memref_slice %arg6[%dma_wait3A_35, %dma_wait3A_36] : memref<800x64xf32, #tpu.memory_space<vmem>> -> memref<50x64xf32, #tpu.memory_space<vmem>>
    %dma_wait3A_38 = arith.constant 0 : i32
    %dma_wait3A_39 = arith.constant 0 : i32
    %dma_wait3A_40 = tpu.memref_slice %arg4[%add3A_34, %dma_wait3A_38, %dma_wait3A_39] : memref<16384x56x128xf32, #tpu.memory_space<hbm>> -> memref<1x50x64xf32, #tpu.memory_space<hbm>>
    %dma_wait3A_41 = tpu.memref_squeeze %dma_wait3A_40 : memref<1x50x64xf32, #tpu.memory_space<hbm>> -> memref<50x64xf32, #tpu.memory_space<hbm>>
    %dma_wait3A_42 = arith.constant 0 : i32
    %dma_wait3A_43 = arith.constant 0 : i32
    %dma_wait3A_44 = tpu.memref_slice %arg4[%add3A_34, %dma_wait3A_42, %dma_wait3A_43] : memref<16384x56x128xf32, #tpu.memory_space<hbm>> -> memref<1x50x64xf32, #tpu.memory_space<hbm>>
    %dma_wait3A_45 = tpu.memref_squeeze %dma_wait3A_44 : memref<1x50x64xf32, #tpu.memory_space<hbm>> -> memref<50x64xf32, #tpu.memory_space<hbm>>
    %dma_wait3A_46 = arith.constant 50 : i32
    %dma_wait3A_47 = arith.constant 0 : i32
    %dma_wait3A_48 = tpu.memref_slice %arg6[%dma_wait3A_46, %dma_wait3A_47] : memref<800x64xf32, #tpu.memory_space<vmem>> -> memref<50x64xf32, #tpu.memory_space<vmem>>
    tpu.wait_dma2 semaphore(%arg10 : memref<!tpu.dma_semaphore, #tpu.memory_space<semaphore_mem>>) src(%dma_wait3A_48 : memref<50x64xf32, #tpu.memory_space<vmem>>) dst(%dma_wait3A_45 : memref<50x64xf32, #tpu.memory_space<hbm>>)
    %add3A_49 = arith.constant 480 : i32
    %add3A_50 = arith.addi %mul3A_4, %add3A_49 : i32
    %add3A_51 = arith.constant 2 : i32
    %add3A_52 = arith.addi %add3A_50, %add3A_51 : i32
    %dma_wait3A_53 = arith.constant 100 : i32
    %dma_wait3A_54 = arith.constant 0 : i32
    %dma_wait3A_55 = tpu.memref_slice %arg6[%dma_wait3A_53, %dma_wait3A_54] : memref<800x64xf32, #tpu.memory_space<vmem>> -> memref<50x64xf32, #tpu.memory_space<vmem>>
    %dma_wait3A_56 = arith.constant 0 : i32
    %dma_wait3A_57 = arith.constant 0 : i32
    %dma_wait3A_58 = tpu.memref_slice %arg4[%add3A_52, %dma_wait3A_56, %dma_wait3A_57] : memref<16384x56x128xf32, #tpu.memory_space<hbm>> -> memref<1x50x64xf32, #tpu.memory_space<hbm>>
    %dma_wait3A_59 = tpu.memref_squeeze %dma_wait3A_58 : memref<1x50x64xf32, #tpu.memory_space<hbm>> -> memref<50x64xf32, #tpu.memory_space<hbm>>
    %dma_wait3A_60 = arith.constant 0 : i32
    %dma_wait3A_61 = arith.constant 0 : i32
    %dma_wait3A_62 = tpu.memref_slice %arg4[%add3A_52, %dma_wait3A_60, %dma_wait3A_61] : memref<16384x56x128xf32, #tpu.memory_space<hbm>> -> memref<1x50x64xf32, #tpu.memory_space<hbm>>
    %dma_wait3A_63 = tpu.memref_squeeze %dma_wait3A_62 : memref<1x50x64xf32, #tpu.memory_space<hbm>> -> memref<50x64xf32, #tpu.memory_space<hbm>>
    %dma_wait3A_64 = arith.constant 100 : i32
    %dma_wait3A_65 = arith.constant 0 : i32
    %dma_wait3A_66 = tpu.memref_slice %arg6[%dma_wait3A_64, %dma_wait3A_65] : memref<800x64xf32, #tpu.memory_space<vmem>> -> memref<50x64xf32, #tpu.memory_space<vmem>>
    tpu.wait_dma2 semaphore(%arg10 : memref<!tpu.dma_semaphore, #tpu.memory_space<semaphore_mem>>) src(%dma_wait3A_66 : memref<50x64xf32, #tpu.memory_space<vmem>>) dst(%dma_wait3A_63 : memref<50x64xf32, #tpu.memory_space<hbm>>)
    %add3A_67 = arith.constant 480 : i32
    %add3A_68 = arith.addi %mul3A_4, %add3A_67 : i32
    %add3A_69 = arith.constant 3 : i32
    %add3A_70 = arith.addi %add3A_68, %add3A_69 : i32
    %dma_wait3A_71 = arith.constant 150 : i32
    %dma_wait3A_72 = arith.constant 0 : i32
    %dma_wait3A_73 = tpu.memref_slice %arg6[%dma_wait3A_71, %dma_wait3A_72] : memref<800x64xf32, #tpu.memory_space<vmem>> -> memref<50x64xf32, #tpu.memory_space<vmem>>
    %dma_wait3A_74 = arith.constant 0 : i32
    %dma_wait3A_75 = arith.constant 0 : i32
    %dma_wait3A_76 = tpu.memref_slice %arg4[%add3A_70, %dma_wait3A_74, %dma_wait3A_75] : memref<16384x56x128xf32, #tpu.memory_space<hbm>> -> memref<1x50x64xf32, #tpu.memory_space<hbm>>
    %dma_wait3A_77 = tpu.memref_squeeze %dma_wait3A_76 : memref<1x50x64xf32, #tpu.memory_space<hbm>> -> memref<50x64xf32, #tpu.memory_space<hbm>>
    %dma_wait3A_78 = arith.constant 0 : i32
    %dma_wait3A_79 = arith.constant 0 : i32
    %dma_wait3A_80 = tpu.memref_slice %arg4[%add3A_70, %dma_wait3A_78, %dma_wait3A_79] : memref<16384x56x128xf32, #tpu.memory_space<hbm>> -> memref<1x50x64xf32, #tpu.memory_space<hbm>>
    %dma_wait3A_81 = tpu.memref_squeeze %dma_wait3A_80 : memref<1x50x64xf32, #tpu.memory_space<hbm>> -> memref<50x64xf32, #tpu.memory_space<hbm>>
    %dma_wait3A_82 = arith.constant 150 : i32
    %dma_wait3A_83 = arith.constant 0 : i32
    %dma_wait3A_84 = tpu.memref_slice %arg6[%dma_wait3A_82, %dma_wait3A_83] : memref<800x64xf32, #tpu.memory_space<vmem>> -> memref<50x64xf32, #tpu.memory_space<vmem>>
    tpu.wait_dma2 semaphore(%arg10 : memref<!tpu.dma_semaphore, #tpu.memory_space<semaphore_mem>>) src(%dma_wait3A_84 : memref<50x64xf32, #tpu.memory_space<vmem>>) dst(%dma_wait3A_81 : memref<50x64xf32, #tpu.memory_space<hbm>>)
    %add3A_85 = arith.constant 480 : i32
    %add3A_86 = arith.addi %mul3A_4, %add3A_85 : i32
    %add3A_87 = arith.constant 4 : i32
    %add3A_88 = arith.addi %add3A_86, %add3A_87 : i32
    %dma_wait3A_89 = arith.constant 200 : i32
    %dma_wait3A_90 = arith.constant 0 : i32
    %dma_wait3A_91 = tpu.memref_slice %arg6[%dma_wait3A_89, %dma_wait3A_90] : memref<800x64xf32, #tpu.memory_space<vmem>> -> memref<50x64xf32, #tpu.memory_space<vmem>>
    %dma_wait3A_92 = arith.constant 0 : i32
    %dma_wait3A_93 = arith.constant 0 : i32
    %dma_wait3A_94 = tpu.memref_slice %arg4[%add3A_88, %dma_wait3A_92, %dma_wait3A_93] : memref<16384x56x128xf32, #tpu.memory_space<hbm>> -> memref<1x50x64xf32, #tpu.memory_space<hbm>>
    %dma_wait3A_95 = tpu.memref_squeeze %dma_wait3A_94 : memref<1x50x64xf32, #tpu.memory_space<hbm>> -> memref<50x64xf32, #tpu.memory_space<hbm>>
    %dma_wait3A_96 = arith.constant 0 : i32
    %dma_wait3A_97 = arith.constant 0 : i32
    %dma_wait3A_98 = tpu.memref_slice %arg4[%add3A_88, %dma_wait3A_96, %dma_wait3A_97] : memref<16384x56x128xf32, #tpu.memory_space<hbm>> -> memref<1x50x64xf32, #tpu.memory_space<hbm>>
    %dma_wait3A_99 = tpu.memref_squeeze %dma_wait3A_98 : memref<1x50x64xf32, #tpu.memory_space<hbm>> -> memref<50x64xf32, #tpu.memory_space<hbm>>
    %dma_wait3A_100 = arith.constant 200 : i32
    %dma_wait3A_101 = arith.constant 0 : i32
    %dma_wait3A_102 = tpu.memref_slice %arg6[%dma_wait3A_100, %dma_wait3A_101] : memref<800x64xf32, #tpu.memory_space<vmem>> -> memref<50x64xf32, #tpu.memory_space<vmem>>
    tpu.wait_dma2 semaphore(%arg10 : memref<!tpu.dma_semaphore, #tpu.memory_space<semaphore_mem>>) src(%dma_wait3A_102 : memref<50x64xf32, #tpu.memory_space<vmem>>) dst(%dma_wait3A_99 : memref<50x64xf32, #tpu.memory_space<hbm>>)
    %add3A_103 = arith.constant 480 : i32
    %add3A_104 = arith.addi %mul3A_4, %add3A_103 : i32
    %add3A_105 = arith.constant 5 : i32
    %add3A_106 = arith.addi %add3A_104, %add3A_105 : i32
    %dma_wait3A_107 = arith.constant 250 : i32
    %dma_wait3A_108 = arith.constant 0 : i32
    %dma_wait3A_109 = tpu.memref_slice %arg6[%dma_wait3A_107, %dma_wait3A_108] : memref<800x64xf32, #tpu.memory_space<vmem>> -> memref<50x64xf32, #tpu.memory_space<vmem>>
    %dma_wait3A_110 = arith.constant 0 : i32
    %dma_wait3A_111 = arith.constant 0 : i32
    %dma_wait3A_112 = tpu.memref_slice %arg4[%add3A_106, %dma_wait3A_110, %dma_wait3A_111] : memref<16384x56x128xf32, #tpu.memory_space<hbm>> -> memref<1x50x64xf32, #tpu.memory_space<hbm>>
    %dma_wait3A_113 = tpu.memref_squeeze %dma_wait3A_112 : memref<1x50x64xf32, #tpu.memory_space<hbm>> -> memref<50x64xf32, #tpu.memory_space<hbm>>
    %dma_wait3A_114 = arith.constant 0 : i32
    %dma_wait3A_115 = arith.constant 0 : i32
    %dma_wait3A_116 = tpu.memref_slice %arg4[%add3A_106, %dma_wait3A_114, %dma_wait3A_115] : memref<16384x56x128xf32, #tpu.memory_space<hbm>> -> memref<1x50x64xf32, #tpu.memory_space<hbm>>
    %dma_wait3A_117 = tpu.memref_squeeze %dma_wait3A_116 : memref<1x50x64xf32, #tpu.memory_space<hbm>> -> memref<50x64xf32, #tpu.memory_space<hbm>>
    %dma_wait3A_118 = arith.constant 250 : i32
    %dma_wait3A_119 = arith.constant 0 : i32
    %dma_wait3A_120 = tpu.memref_slice %arg6[%dma_wait3A_118, %dma_wait3A_119] : memref<800x64xf32, #tpu.memory_space<vmem>> -> memref<50x64xf32, #tpu.memory_space<vmem>>
    tpu.wait_dma2 semaphore(%arg10 : memref<!tpu.dma_semaphore, #tpu.memory_space<semaphore_mem>>) src(%dma_wait3A_120 : memref<50x64xf32, #tpu.memory_space<vmem>>) dst(%dma_wait3A_117 : memref<50x64xf32, #tpu.memory_space<hbm>>)
    %add3A_121 = arith.constant 480 : i32
    %add3A_122 = arith.addi %mul3A_4, %add3A_121 : i32
    %add3A_123 = arith.constant 6 : i32
    %add3A_124 = arith.addi %add3A_122, %add3A_123 : i32
    %dma_wait3A_125 = arith.constant 300 : i32
    %dma_wait3A_126 = arith.constant 0 : i32
    %dma_wait3A_127 = tpu.memref_slice %arg6[%dma_wait3A_125, %dma_wait3A_126] : memref<800x64xf32, #tpu.memory_space<vmem>> -> memref<50x64xf32, #tpu.memory_space<vmem>>
    %dma_wait3A_128 = arith.constant 0 : i32
    %dma_wait3A_129 = arith.constant 0 : i32
    %dma_wait3A_130 = tpu.memref_slice %arg4[%add3A_124, %dma_wait3A_128, %dma_wait3A_129] : memref<16384x56x128xf32, #tpu.memory_space<hbm>> -> memref<1x50x64xf32, #tpu.memory_space<hbm>>
    %dma_wait3A_131 = tpu.memref_squeeze %dma_wait3A_130 : memref<1x50x64xf32, #tpu.memory_space<hbm>> -> memref<50x64xf32, #tpu.memory_space<hbm>>
    %dma_wait3A_132 = arith.constant 0 : i32
    %dma_wait3A_133 = arith.constant 0 : i32
    %dma_wait3A_134 = tpu.memref_slice %arg4[%add3A_124, %dma_wait3A_132, %dma_wait3A_133] : memref<16384x56x128xf32, #tpu.memory_space<hbm>> -> memref<1x50x64xf32, #tpu.memory_space<hbm>>
    %dma_wait3A_135 = tpu.memref_squeeze %dma_wait3A_134 : memref<1x50x64xf32, #tpu.memory_space<hbm>> -> memref<50x64xf32, #tpu.memory_space<hbm>>
    %dma_wait3A_136 = arith.constant 300 : i32
    %dma_wait3A_137 = arith.constant 0 : i32
    %dma_wait3A_138 = tpu.memref_slice %arg6[%dma_wait3A_136, %dma_wait3A_137] : memref<800x64xf32, #tpu.memory_space<vmem>> -> memref<50x64xf32, #tpu.memory_space<vmem>>
    tpu.wait_dma2 semaphore(%arg10 : memref<!tpu.dma_semaphore, #tpu.memory_space<semaphore_mem>>) src(%dma_wait3A_138 : memref<50x64xf32, #tpu.memory_space<vmem>>) dst(%dma_wait3A_135 : memref<50x64xf32, #tpu.memory_space<hbm>>)
    %add3A_139 = arith.constant 480 : i32
    %add3A_140 = arith.addi %mul3A_4, %add3A_139 : i32
    %add3A_141 = arith.constant 7 : i32
    %add3A_142 = arith.addi %add3A_140, %add3A_141 : i32
    %dma_wait3A_143 = arith.constant 350 : i32
    %dma_wait3A_144 = arith.constant 0 : i32
    %dma_wait3A_145 = tpu.memref_slice %arg6[%dma_wait3A_143, %dma_wait3A_144] : memref<800x64xf32, #tpu.memory_space<vmem>> -> memref<50x64xf32, #tpu.memory_space<vmem>>
    %dma_wait3A_146 = arith.constant 0 : i32
    %dma_wait3A_147 = arith.constant 0 : i32
    %dma_wait3A_148 = tpu.memref_slice %arg4[%add3A_142, %dma_wait3A_146, %dma_wait3A_147] : memref<16384x56x128xf32, #tpu.memory_space<hbm>> -> memref<1x50x64xf32, #tpu.memory_space<hbm>>
    %dma_wait3A_149 = tpu.memref_squeeze %dma_wait3A_148 : memref<1x50x64xf32, #tpu.memory_space<hbm>> -> memref<50x64xf32, #tpu.memory_space<hbm>>
    %dma_wait3A_150 = arith.constant 0 : i32
    %dma_wait3A_151 = arith.constant 0 : i32
    %dma_wait3A_152 = tpu.memref_slice %arg4[%add3A_142, %dma_wait3A_150, %dma_wait3A_151] : memref<16384x56x128xf32, #tpu.memory_space<hbm>> -> memref<1x50x64xf32, #tpu.memory_space<hbm>>
    %dma_wait3A_153 = tpu.memref_squeeze %dma_wait3A_152 : memref<1x50x64xf32, #tpu.memory_space<hbm>> -> memref<50x64xf32, #tpu.memory_space<hbm>>
    %dma_wait3A_154 = arith.constant 350 : i32
    %dma_wait3A_155 = arith.constant 0 : i32
    %dma_wait3A_156 = tpu.memref_slice %arg6[%dma_wait3A_154, %dma_wait3A_155] : memref<800x64xf32, #tpu.memory_space<vmem>> -> memref<50x64xf32, #tpu.memory_space<vmem>>
    tpu.wait_dma2 semaphore(%arg10 : memref<!tpu.dma_semaphore, #tpu.memory_space<semaphore_mem>>) src(%dma_wait3A_156 : memref<50x64xf32, #tpu.memory_space<vmem>>) dst(%dma_wait3A_153 : memref<50x64xf32, #tpu.memory_space<hbm>>)
    %add3A_157 = arith.constant 480 : i32
    %add3A_158 = arith.addi %mul3A_4, %add3A_157 : i32
    %add3A_159 = arith.constant 8 : i32
    %add3A_160 = arith.addi %add3A_158, %add3A_159 : i32
    %dma_wait3A_161 = arith.constant 400 : i32
    %dma_wait3A_162 = arith.constant 0 : i32
    %dma_wait3A_163 = tpu.memref_slice %arg6[%dma_wait3A_161, %dma_wait3A_162] : memref<800x64xf32, #tpu.memory_space<vmem>> -> memref<50x64xf32, #tpu.memory_space<vmem>>
    %dma_wait3A_164 = arith.constant 0 : i32
    %dma_wait3A_165 = arith.constant 0 : i32
    %dma_wait3A_166 = tpu.memref_slice %arg4[%add3A_160, %dma_wait3A_164, %dma_wait3A_165] : memref<16384x56x128xf32, #tpu.memory_space<hbm>> -> memref<1x50x64xf32, #tpu.memory_space<hbm>>
    %dma_wait3A_167 = tpu.memref_squeeze %dma_wait3A_166 : memref<1x50x64xf32, #tpu.memory_space<hbm>> -> memref<50x64xf32, #tpu.memory_space<hbm>>
    %dma_wait3A_168 = arith.constant 0 : i32
    %dma_wait3A_169 = arith.constant 0 : i32
    %dma_wait3A_170 = tpu.memref_slice %arg4[%add3A_160, %dma_wait3A_168, %dma_wait3A_169] : memref<16384x56x128xf32, #tpu.memory_space<hbm>> -> memref<1x50x64xf32, #tpu.memory_space<hbm>>
    %dma_wait3A_171 = tpu.memref_squeeze %dma_wait3A_170 : memref<1x50x64xf32, #tpu.memory_space<hbm>> -> memref<50x64xf32, #tpu.memory_space<hbm>>
    %dma_wait3A_172 = arith.constant 400 : i32
    %dma_wait3A_173 = arith.constant 0 : i32
    %dma_wait3A_174 = tpu.memref_slice %arg6[%dma_wait3A_172, %dma_wait3A_173] : memref<800x64xf32, #tpu.memory_space<vmem>> -> memref<50x64xf32, #tpu.memory_space<vmem>>
    tpu.wait_dma2 semaphore(%arg10 : memref<!tpu.dma_semaphore, #tpu.memory_space<semaphore_mem>>) src(%dma_wait3A_174 : memref<50x64xf32, #tpu.memory_space<vmem>>) dst(%dma_wait3A_171 : memref<50x64xf32, #tpu.memory_space<hbm>>)
    %add3A_175 = arith.constant 480 : i32
    %add3A_176 = arith.addi %mul3A_4, %add3A_175 : i32
    %add3A_177 = arith.constant 9 : i32
    %add3A_178 = arith.addi %add3A_176, %add3A_177 : i32
    %dma_wait3A_179 = arith.constant 450 : i32
    %dma_wait3A_180 = arith.constant 0 : i32
    %dma_wait3A_181 = tpu.memref_slice %arg6[%dma_wait3A_179, %dma_wait3A_180] : memref<800x64xf32, #tpu.memory_space<vmem>> -> memref<50x64xf32, #tpu.memory_space<vmem>>
    %dma_wait3A_182 = arith.constant 0 : i32
    %dma_wait3A_183 = arith.constant 0 : i32
    %dma_wait3A_184 = tpu.memref_slice %arg4[%add3A_178, %dma_wait3A_182, %dma_wait3A_183] : memref<16384x56x128xf32, #tpu.memory_space<hbm>> -> memref<1x50x64xf32, #tpu.memory_space<hbm>>
    %dma_wait3A_185 = tpu.memref_squeeze %dma_wait3A_184 : memref<1x50x64xf32, #tpu.memory_space<hbm>> -> memref<50x64xf32, #tpu.memory_space<hbm>>
    %dma_wait3A_186 = arith.constant 0 : i32
    %dma_wait3A_187 = arith.constant 0 : i32
    %dma_wait3A_188 = tpu.memref_slice %arg4[%add3A_178, %dma_wait3A_186, %dma_wait3A_187] : memref<16384x56x128xf32, #tpu.memory_space<hbm>> -> memref<1x50x64xf32, #tpu.memory_space<hbm>>
    %dma_wait3A_189 = tpu.memref_squeeze %dma_wait3A_188 : memref<1x50x64xf32, #tpu.memory_space<hbm>> -> memref<50x64xf32, #tpu.memory_space<hbm>>
    %dma_wait3A_190 = arith.constant 450 : i32
    %dma_wait3A_191 = arith.constant 0 : i32
    %dma_wait3A_192 = tpu.memref_slice %arg6[%dma_wait3A_190, %dma_wait3A_191] : memref<800x64xf32, #tpu.memory_space<vmem>> -> memref<50x64xf32, #tpu.memory_space<vmem>>
    tpu.wait_dma2 semaphore(%arg10 : memref<!tpu.dma_semaphore, #tpu.memory_space<semaphore_mem>>) src(%dma_wait3A_192 : memref<50x64xf32, #tpu.memory_space<vmem>>) dst(%dma_wait3A_189 : memref<50x64xf32, #tpu.memory_space<hbm>>)
    %add3A_193 = arith.constant 480 : i32
    %add3A_194 = arith.addi %mul3A_4, %add3A_193 : i32
    %add3A_195 = arith.constant 10 : i32
    %add3A_196 = arith.addi %add3A_194, %add3A_195 : i32
    %dma_wait3A_197 = arith.constant 500 : i32
    %dma_wait3A_198 = arith.constant 0 : i32
    %dma_wait3A_199 = tpu.memref_slice %arg6[%dma_wait3A_197, %dma_wait3A_198] : memref<800x64xf32, #tpu.memory_space<vmem>> -> memref<50x64xf32, #tpu.memory_space<vmem>>
    %dma_wait3A_200 = arith.constant 0 : i32
    %dma_wait3A_201 = arith.constant 0 : i32
    %dma_wait3A_202 = tpu.memref_slice %arg4[%add3A_196, %dma_wait3A_200, %dma_wait3A_201] : memref<16384x56x128xf32, #tpu.memory_space<hbm>> -> memref<1x50x64xf32, #tpu.memory_space<hbm>>
    %dma_wait3A_203 = tpu.memref_squeeze %dma_wait3A_202 : memref<1x50x64xf32, #tpu.memory_space<hbm>> -> memref<50x64xf32, #tpu.memory_space<hbm>>
    %dma_wait3A_204 = arith.constant 0 : i32
    %dma_wait3A_205 = arith.constant 0 : i32
    %dma_wait3A_206 = tpu.memref_slice %arg4[%add3A_196, %dma_wait3A_204, %dma_wait3A_205] : memref<16384x56x128xf32, #tpu.memory_space<hbm>> -> memref<1x50x64xf32, #tpu.memory_space<hbm>>
    %dma_wait3A_207 = tpu.memref_squeeze %dma_wait3A_206 : memref<1x50x64xf32, #tpu.memory_space<hbm>> -> memref<50x64xf32, #tpu.memory_space<hbm>>
    %dma_wait3A_208 = arith.constant 500 : i32
    %dma_wait3A_209 = arith.constant 0 : i32
    %dma_wait3A_210 = tpu.memref_slice %arg6[%dma_wait3A_208, %dma_wait3A_209] : memref<800x64xf32, #tpu.memory_space<vmem>> -> memref<50x64xf32, #tpu.memory_space<vmem>>
    tpu.wait_dma2 semaphore(%arg10 : memref<!tpu.dma_semaphore, #tpu.memory_space<semaphore_mem>>) src(%dma_wait3A_210 : memref<50x64xf32, #tpu.memory_space<vmem>>) dst(%dma_wait3A_207 : memref<50x64xf32, #tpu.memory_space<hbm>>)
    %add3A_211 = arith.constant 480 : i32
    %add3A_212 = arith.addi %mul3A_4, %add3A_211 : i32
    %add3A_213 = arith.constant 11 : i32
    %add3A_214 = arith.addi %add3A_212, %add3A_213 : i32
    %dma_wait3A_215 = arith.constant 550 : i32
    %dma_wait3A_216 = arith.constant 0 : i32
    %dma_wait3A_217 = tpu.memref_slice %arg6[%dma_wait3A_215, %dma_wait3A_216] : memref<800x64xf32, #tpu.memory_space<vmem>> -> memref<50x64xf32, #tpu.memory_space<vmem>>
    %dma_wait3A_218 = arith.constant 0 : i32
    %dma_wait3A_219 = arith.constant 0 : i32
    %dma_wait3A_220 = tpu.memref_slice %arg4[%add3A_214, %dma_wait3A_218, %dma_wait3A_219] : memref<16384x56x128xf32, #tpu.memory_space<hbm>> -> memref<1x50x64xf32, #tpu.memory_space<hbm>>
    %dma_wait3A_221 = tpu.memref_squeeze %dma_wait3A_220 : memref<1x50x64xf32, #tpu.memory_space<hbm>> -> memref<50x64xf32, #tpu.memory_space<hbm>>
    %dma_wait3A_222 = arith.constant 0 : i32
    %dma_wait3A_223 = arith.constant 0 : i32
    %dma_wait3A_224 = tpu.memref_slice %arg4[%add3A_214, %dma_wait3A_222, %dma_wait3A_223] : memref<16384x56x128xf32, #tpu.memory_space<hbm>> -> memref<1x50x64xf32, #tpu.memory_space<hbm>>
    %dma_wait3A_225 = tpu.memref_squeeze %dma_wait3A_224 : memref<1x50x64xf32, #tpu.memory_space<hbm>> -> memref<50x64xf32, #tpu.memory_space<hbm>>
    %dma_wait3A_226 = arith.constant 550 : i32
    %dma_wait3A_227 = arith.constant 0 : i32
    %dma_wait3A_228 = tpu.memref_slice %arg6[%dma_wait3A_226, %dma_wait3A_227] : memref<800x64xf32, #tpu.memory_space<vmem>> -> memref<50x64xf32, #tpu.memory_space<vmem>>
    tpu.wait_dma2 semaphore(%arg10 : memref<!tpu.dma_semaphore, #tpu.memory_space<semaphore_mem>>) src(%dma_wait3A_228 : memref<50x64xf32, #tpu.memory_space<vmem>>) dst(%dma_wait3A_225 : memref<50x64xf32, #tpu.memory_space<hbm>>)
    %add3A_229 = arith.constant 480 : i32
    %add3A_230 = arith.addi %mul3A_4, %add3A_229 : i32
    %add3A_231 = arith.constant 12 : i32
    %add3A_232 = arith.addi %add3A_230, %add3A_231 : i32
    %dma_wait3A_233 = arith.constant 600 : i32
    %dma_wait3A_234 = arith.constant 0 : i32
    %dma_wait3A_235 = tpu.memref_slice %arg6[%dma_wait3A_233, %dma_wait3A_234] : memref<800x64xf32, #tpu.memory_space<vmem>> -> memref<50x64xf32, #tpu.memory_space<vmem>>
    %dma_wait3A_236 = arith.constant 0 : i32
    %dma_wait3A_237 = arith.constant 0 : i32
    %dma_wait3A_238 = tpu.memref_slice %arg4[%add3A_232, %dma_wait3A_236, %dma_wait3A_237] : memref<16384x56x128xf32, #tpu.memory_space<hbm>> -> memref<1x50x64xf32, #tpu.memory_space<hbm>>
    %dma_wait3A_239 = tpu.memref_squeeze %dma_wait3A_238 : memref<1x50x64xf32, #tpu.memory_space<hbm>> -> memref<50x64xf32, #tpu.memory_space<hbm>>
    %dma_wait3A_240 = arith.constant 0 : i32
    %dma_wait3A_241 = arith.constant 0 : i32
    %dma_wait3A_242 = tpu.memref_slice %arg4[%add3A_232, %dma_wait3A_240, %dma_wait3A_241] : memref<16384x56x128xf32, #tpu.memory_space<hbm>> -> memref<1x50x64xf32, #tpu.memory_space<hbm>>
    %dma_wait3A_243 = tpu.memref_squeeze %dma_wait3A_242 : memref<1x50x64xf32, #tpu.memory_space<hbm>> -> memref<50x64xf32, #tpu.memory_space<hbm>>
    %dma_wait3A_244 = arith.constant 600 : i32
    %dma_wait3A_245 = arith.constant 0 : i32
    %dma_wait3A_246 = tpu.memref_slice %arg6[%dma_wait3A_244, %dma_wait3A_245] : memref<800x64xf32, #tpu.memory_space<vmem>> -> memref<50x64xf32, #tpu.memory_space<vmem>>
    tpu.wait_dma2 semaphore(%arg10 : memref<!tpu.dma_semaphore, #tpu.memory_space<semaphore_mem>>) src(%dma_wait3A_246 : memref<50x64xf32, #tpu.memory_space<vmem>>) dst(%dma_wait3A_243 : memref<50x64xf32, #tpu.memory_space<hbm>>)
    %add3A_247 = arith.constant 480 : i32
    %add3A_248 = arith.addi %mul3A_4, %add3A_247 : i32
    %add3A_249 = arith.constant 13 : i32
    %add3A_250 = arith.addi %add3A_248, %add3A_249 : i32
    %dma_wait3A_251 = arith.constant 650 : i32
    %dma_wait3A_252 = arith.constant 0 : i32
    %dma_wait3A_253 = tpu.memref_slice %arg6[%dma_wait3A_251, %dma_wait3A_252] : memref<800x64xf32, #tpu.memory_space<vmem>> -> memref<50x64xf32, #tpu.memory_space<vmem>>
    %dma_wait3A_254 = arith.constant 0 : i32
    %dma_wait3A_255 = arith.constant 0 : i32
    %dma_wait3A_256 = tpu.memref_slice %arg4[%add3A_250, %dma_wait3A_254, %dma_wait3A_255] : memref<16384x56x128xf32, #tpu.memory_space<hbm>> -> memref<1x50x64xf32, #tpu.memory_space<hbm>>
    %dma_wait3A_257 = tpu.memref_squeeze %dma_wait3A_256 : memref<1x50x64xf32, #tpu.memory_space<hbm>> -> memref<50x64xf32, #tpu.memory_space<hbm>>
    %dma_wait3A_258 = arith.constant 0 : i32
    %dma_wait3A_259 = arith.constant 0 : i32
    %dma_wait3A_260 = tpu.memref_slice %arg4[%add3A_250, %dma_wait3A_258, %dma_wait3A_259] : memref<16384x56x128xf32, #tpu.memory_space<hbm>> -> memref<1x50x64xf32, #tpu.memory_space<hbm>>
    %dma_wait3A_261 = tpu.memref_squeeze %dma_wait3A_260 : memref<1x50x64xf32, #tpu.memory_space<hbm>> -> memref<50x64xf32, #tpu.memory_space<hbm>>
    %dma_wait3A_262 = arith.constant 650 : i32
    %dma_wait3A_263 = arith.constant 0 : i32
    %dma_wait3A_264 = tpu.memref_slice %arg6[%dma_wait3A_262, %dma_wait3A_263] : memref<800x64xf32, #tpu.memory_space<vmem>> -> memref<50x64xf32, #tpu.memory_space<vmem>>
    tpu.wait_dma2 semaphore(%arg10 : memref<!tpu.dma_semaphore, #tpu.memory_space<semaphore_mem>>) src(%dma_wait3A_264 : memref<50x64xf32, #tpu.memory_space<vmem>>) dst(%dma_wait3A_261 : memref<50x64xf32, #tpu.memory_space<hbm>>)
    %add3A_265 = arith.constant 480 : i32
    %add3A_266 = arith.addi %mul3A_4, %add3A_265 : i32
    %add3A_267 = arith.constant 14 : i32
    %add3A_268 = arith.addi %add3A_266, %add3A_267 : i32
    %dma_wait3A_269 = arith.constant 700 : i32
    %dma_wait3A_270 = arith.constant 0 : i32
    %dma_wait3A_271 = tpu.memref_slice %arg6[%dma_wait3A_269, %dma_wait3A_270] : memref<800x64xf32, #tpu.memory_space<vmem>> -> memref<50x64xf32, #tpu.memory_space<vmem>>
    %dma_wait3A_272 = arith.constant 0 : i32
    %dma_wait3A_273 = arith.constant 0 : i32
    %dma_wait3A_274 = tpu.memref_slice %arg4[%add3A_268, %dma_wait3A_272, %dma_wait3A_273] : memref<16384x56x128xf32, #tpu.memory_space<hbm>> -> memref<1x50x64xf32, #tpu.memory_space<hbm>>
    %dma_wait3A_275 = tpu.memref_squeeze %dma_wait3A_274 : memref<1x50x64xf32, #tpu.memory_space<hbm>> -> memref<50x64xf32, #tpu.memory_space<hbm>>
    %dma_wait3A_276 = arith.constant 0 : i32
    %dma_wait3A_277 = arith.constant 0 : i32
    %dma_wait3A_278 = tpu.memref_slice %arg4[%add3A_268, %dma_wait3A_276, %dma_wait3A_277] : memref<16384x56x128xf32, #tpu.memory_space<hbm>> -> memref<1x50x64xf32, #tpu.memory_space<hbm>>
    %dma_wait3A_279 = tpu.memref_squeeze %dma_wait3A_278 : memref<1x50x64xf32, #tpu.memory_space<hbm>> -> memref<50x64xf32, #tpu.memory_space<hbm>>
    %dma_wait3A_280 = arith.constant 700 : i32
    %dma_wait3A_281 = arith.constant 0 : i32
    %dma_wait3A_282 = tpu.memref_slice %arg6[%dma_wait3A_280, %dma_wait3A_281] : memref<800x64xf32, #tpu.memory_space<vmem>> -> memref<50x64xf32, #tpu.memory_space<vmem>>
    tpu.wait_dma2 semaphore(%arg10 : memref<!tpu.dma_semaphore, #tpu.memory_space<semaphore_mem>>) src(%dma_wait3A_282 : memref<50x64xf32, #tpu.memory_space<vmem>>) dst(%dma_wait3A_279 : memref<50x64xf32, #tpu.memory_space<hbm>>)
    %add3A_283 = arith.constant 480 : i32
    %add3A_284 = arith.addi %mul3A_4, %add3A_283 : i32
    %add3A_285 = arith.constant 15 : i32
    %add3A_286 = arith.addi %add3A_284, %add3A_285 : i32
    %dma_wait3A_287 = arith.constant 750 : i32
    %dma_wait3A_288 = arith.constant 0 : i32
    %dma_wait3A_289 = tpu.memref_slice %arg6[%dma_wait3A_287, %dma_wait3A_288] : memref<800x64xf32, #tpu.memory_space<vmem>> -> memref<50x64xf32, #tpu.memory_space<vmem>>
    %dma_wait3A_290 = arith.constant 0 : i32
    %dma_wait3A_291 = arith.constant 0 : i32
    %dma_wait3A_292 = tpu.memref_slice %arg4[%add3A_286, %dma_wait3A_290, %dma_wait3A_291] : memref<16384x56x128xf32, #tpu.memory_space<hbm>> -> memref<1x50x64xf32, #tpu.memory_space<hbm>>
    %dma_wait3A_293 = tpu.memref_squeeze %dma_wait3A_292 : memref<1x50x64xf32, #tpu.memory_space<hbm>> -> memref<50x64xf32, #tpu.memory_space<hbm>>
    %dma_wait3A_294 = arith.constant 0 : i32
    %dma_wait3A_295 = arith.constant 0 : i32
    %dma_wait3A_296 = tpu.memref_slice %arg4[%add3A_286, %dma_wait3A_294, %dma_wait3A_295] : memref<16384x56x128xf32, #tpu.memory_space<hbm>> -> memref<1x50x64xf32, #tpu.memory_space<hbm>>
    %dma_wait3A_297 = tpu.memref_squeeze %dma_wait3A_296 : memref<1x50x64xf32, #tpu.memory_space<hbm>> -> memref<50x64xf32, #tpu.memory_space<hbm>>
    %dma_wait3A_298 = arith.constant 750 : i32
    %dma_wait3A_299 = arith.constant 0 : i32
    %dma_wait3A_300 = tpu.memref_slice %arg6[%dma_wait3A_298, %dma_wait3A_299] : memref<800x64xf32, #tpu.memory_space<vmem>> -> memref<50x64xf32, #tpu.memory_space<vmem>>
    tpu.wait_dma2 semaphore(%arg10 : memref<!tpu.dma_semaphore, #tpu.memory_space<semaphore_mem>>) src(%dma_wait3A_300 : memref<50x64xf32, #tpu.memory_space<vmem>>) dst(%dma_wait3A_297 : memref<50x64xf32, #tpu.memory_space<hbm>>)
    %add3A_301 = arith.constant 496 : i32
    %add3A_302 = arith.addi %mul3A_4, %add3A_301 : i32
    %add3A_303 = arith.constant 0 : i32
    %add3A_304 = arith.addi %add3A_302, %add3A_303 : i32
    %dma_wait3A_305 = arith.constant 0 : i32
    %dma_wait3A_306 = arith.constant 0 : i32
    %dma_wait3A_307 = tpu.memref_slice %arg7[%dma_wait3A_305, %dma_wait3A_306] : memref<800x64xf32, #tpu.memory_space<vmem>> -> memref<50x64xf32, #tpu.memory_space<vmem>>
    %dma_wait3A_308 = arith.constant 0 : i32
    %dma_wait3A_309 = arith.constant 0 : i32
    %dma_wait3A_310 = tpu.memref_slice %arg4[%add3A_304, %dma_wait3A_308, %dma_wait3A_309] : memref<16384x56x128xf32, #tpu.memory_space<hbm>> -> memref<1x50x64xf32, #tpu.memory_space<hbm>>
    %dma_wait3A_311 = tpu.memref_squeeze %dma_wait3A_310 : memref<1x50x64xf32, #tpu.memory_space<hbm>> -> memref<50x64xf32, #tpu.memory_space<hbm>>
    %dma_wait3A_312 = arith.constant 0 : i32
    %dma_wait3A_313 = arith.constant 0 : i32
    %dma_wait3A_314 = tpu.memref_slice %arg4[%add3A_304, %dma_wait3A_312, %dma_wait3A_313] : memref<16384x56x128xf32, #tpu.memory_space<hbm>> -> memref<1x50x64xf32, #tpu.memory_space<hbm>>
    %dma_wait3A_315 = tpu.memref_squeeze %dma_wait3A_314 : memref<1x50x64xf32, #tpu.memory_space<hbm>> -> memref<50x64xf32, #tpu.memory_space<hbm>>
    %dma_wait3A_316 = arith.constant 0 : i32
    %dma_wait3A_317 = arith.constant 0 : i32
    %dma_wait3A_318 = tpu.memref_slice %arg7[%dma_wait3A_316, %dma_wait3A_317] : memref<800x64xf32, #tpu.memory_space<vmem>> -> memref<50x64xf32, #tpu.memory_space<vmem>>
    tpu.wait_dma2 semaphore(%arg11 : memref<!tpu.dma_semaphore, #tpu.memory_space<semaphore_mem>>) src(%dma_wait3A_318 : memref<50x64xf32, #tpu.memory_space<vmem>>) dst(%dma_wait3A_315 : memref<50x64xf32, #tpu.memory_space<hbm>>)
    %add3A_319 = arith.constant 496 : i32
    %add3A_320 = arith.addi %mul3A_4, %add3A_319 : i32
    %add3A_321 = arith.constant 1 : i32
    %add3A_322 = arith.addi %add3A_320, %add3A_321 : i32
    %dma_wait3A_323 = arith.constant 50 : i32
    %dma_wait3A_324 = arith.constant 0 : i32
    %dma_wait3A_325 = tpu.memref_slice %arg7[%dma_wait3A_323, %dma_wait3A_324] : memref<800x64xf32, #tpu.memory_space<vmem>> -> memref<50x64xf32, #tpu.memory_space<vmem>>
    %dma_wait3A_326 = arith.constant 0 : i32
    %dma_wait3A_327 = arith.constant 0 : i32
    %dma_wait3A_328 = tpu.memref_slice %arg4[%add3A_322, %dma_wait3A_326, %dma_wait3A_327] : memref<16384x56x128xf32, #tpu.memory_space<hbm>> -> memref<1x50x64xf32, #tpu.memory_space<hbm>>
    %dma_wait3A_329 = tpu.memref_squeeze %dma_wait3A_328 : memref<1x50x64xf32, #tpu.memory_space<hbm>> -> memref<50x64xf32, #tpu.memory_space<hbm>>
    %dma_wait3A_330 = arith.constant 0 : i32
    %dma_wait3A_331 = arith.constant 0 : i32
    %dma_wait3A_332 = tpu.memref_slice %arg4[%add3A_322, %dma_wait3A_330, %dma_wait3A_331] : memref<16384x56x128xf32, #tpu.memory_space<hbm>> -> memref<1x50x64xf32, #tpu.memory_space<hbm>>
    %dma_wait3A_333 = tpu.memref_squeeze %dma_wait3A_332 : memref<1x50x64xf32, #tpu.memory_space<hbm>> -> memref<50x64xf32, #tpu.memory_space<hbm>>
    %dma_wait3A_334 = arith.constant 50 : i32
    %dma_wait3A_335 = arith.constant 0 : i32
    %dma_wait3A_336 = tpu.memref_slice %arg7[%dma_wait3A_334, %dma_wait3A_335] : memref<800x64xf32, #tpu.memory_space<vmem>> -> memref<50x64xf32, #tpu.memory_space<vmem>>
    tpu.wait_dma2 semaphore(%arg11 : memref<!tpu.dma_semaphore, #tpu.memory_space<semaphore_mem>>) src(%dma_wait3A_336 : memref<50x64xf32, #tpu.memory_space<vmem>>) dst(%dma_wait3A_333 : memref<50x64xf32, #tpu.memory_space<hbm>>)
    %add3A_337 = arith.constant 496 : i32
    %add3A_338 = arith.addi %mul3A_4, %add3A_337 : i32
    %add3A_339 = arith.constant 2 : i32
    %add3A_340 = arith.addi %add3A_338, %add3A_339 : i32
    %dma_wait3A_341 = arith.constant 100 : i32
    %dma_wait3A_342 = arith.constant 0 : i32
    %dma_wait3A_343 = tpu.memref_slice %arg7[%dma_wait3A_341, %dma_wait3A_342] : memref<800x64xf32, #tpu.memory_space<vmem>> -> memref<50x64xf32, #tpu.memory_space<vmem>>
    %dma_wait3A_344 = arith.constant 0 : i32
    %dma_wait3A_345 = arith.constant 0 : i32
    %dma_wait3A_346 = tpu.memref_slice %arg4[%add3A_340, %dma_wait3A_344, %dma_wait3A_345] : memref<16384x56x128xf32, #tpu.memory_space<hbm>> -> memref<1x50x64xf32, #tpu.memory_space<hbm>>
    %dma_wait3A_347 = tpu.memref_squeeze %dma_wait3A_346 : memref<1x50x64xf32, #tpu.memory_space<hbm>> -> memref<50x64xf32, #tpu.memory_space<hbm>>
    %dma_wait3A_348 = arith.constant 0 : i32
    %dma_wait3A_349 = arith.constant 0 : i32
    %dma_wait3A_350 = tpu.memref_slice %arg4[%add3A_340, %dma_wait3A_348, %dma_wait3A_349] : memref<16384x56x128xf32, #tpu.memory_space<hbm>> -> memref<1x50x64xf32, #tpu.memory_space<hbm>>
    %dma_wait3A_351 = tpu.memref_squeeze %dma_wait3A_350 : memref<1x50x64xf32, #tpu.memory_space<hbm>> -> memref<50x64xf32, #tpu.memory_space<hbm>>
    %dma_wait3A_352 = arith.constant 100 : i32
    %dma_wait3A_353 = arith.constant 0 : i32
    %dma_wait3A_354 = tpu.memref_slice %arg7[%dma_wait3A_352, %dma_wait3A_353] : memref<800x64xf32, #tpu.memory_space<vmem>> -> memref<50x64xf32, #tpu.memory_space<vmem>>
    tpu.wait_dma2 semaphore(%arg11 : memref<!tpu.dma_semaphore, #tpu.memory_space<semaphore_mem>>) src(%dma_wait3A_354 : memref<50x64xf32, #tpu.memory_space<vmem>>) dst(%dma_wait3A_351 : memref<50x64xf32, #tpu.memory_space<hbm>>)
    %add3A_355 = arith.constant 496 : i32
    %add3A_356 = arith.addi %mul3A_4, %add3A_355 : i32
    %add3A_357 = arith.constant 3 : i32
    %add3A_358 = arith.addi %add3A_356, %add3A_357 : i32
    %dma_wait3A_359 = arith.constant 150 : i32
    %dma_wait3A_360 = arith.constant 0 : i32
    %dma_wait3A_361 = tpu.memref_slice %arg7[%dma_wait3A_359, %dma_wait3A_360] : memref<800x64xf32, #tpu.memory_space<vmem>> -> memref<50x64xf32, #tpu.memory_space<vmem>>
    %dma_wait3A_362 = arith.constant 0 : i32
    %dma_wait3A_363 = arith.constant 0 : i32
    %dma_wait3A_364 = tpu.memref_slice %arg4[%add3A_358, %dma_wait3A_362, %dma_wait3A_363] : memref<16384x56x128xf32, #tpu.memory_space<hbm>> -> memref<1x50x64xf32, #tpu.memory_space<hbm>>
    %dma_wait3A_365 = tpu.memref_squeeze %dma_wait3A_364 : memref<1x50x64xf32, #tpu.memory_space<hbm>> -> memref<50x64xf32, #tpu.memory_space<hbm>>
    %dma_wait3A_366 = arith.constant 0 : i32
    %dma_wait3A_367 = arith.constant 0 : i32
    %dma_wait3A_368 = tpu.memref_slice %arg4[%add3A_358, %dma_wait3A_366, %dma_wait3A_367] : memref<16384x56x128xf32, #tpu.memory_space<hbm>> -> memref<1x50x64xf32, #tpu.memory_space<hbm>>
    %dma_wait3A_369 = tpu.memref_squeeze %dma_wait3A_368 : memref<1x50x64xf32, #tpu.memory_space<hbm>> -> memref<50x64xf32, #tpu.memory_space<hbm>>
    %dma_wait3A_370 = arith.constant 150 : i32
    %dma_wait3A_371 = arith.constant 0 : i32
    %dma_wait3A_372 = tpu.memref_slice %arg7[%dma_wait3A_370, %dma_wait3A_371] : memref<800x64xf32, #tpu.memory_space<vmem>> -> memref<50x64xf32, #tpu.memory_space<vmem>>
    tpu.wait_dma2 semaphore(%arg11 : memref<!tpu.dma_semaphore, #tpu.memory_space<semaphore_mem>>) src(%dma_wait3A_372 : memref<50x64xf32, #tpu.memory_space<vmem>>) dst(%dma_wait3A_369 : memref<50x64xf32, #tpu.memory_space<hbm>>)
    %add3A_373 = arith.constant 496 : i32
    %add3A_374 = arith.addi %mul3A_4, %add3A_373 : i32
    %add3A_375 = arith.constant 4 : i32
    %add3A_376 = arith.addi %add3A_374, %add3A_375 : i32
    %dma_wait3A_377 = arith.constant 200 : i32
    %dma_wait3A_378 = arith.constant 0 : i32
    %dma_wait3A_379 = tpu.memref_slice %arg7[%dma_wait3A_377, %dma_wait3A_378] : memref<800x64xf32, #tpu.memory_space<vmem>> -> memref<50x64xf32, #tpu.memory_space<vmem>>
    %dma_wait3A_380 = arith.constant 0 : i32
    %dma_wait3A_381 = arith.constant 0 : i32
    %dma_wait3A_382 = tpu.memref_slice %arg4[%add3A_376, %dma_wait3A_380, %dma_wait3A_381] : memref<16384x56x128xf32, #tpu.memory_space<hbm>> -> memref<1x50x64xf32, #tpu.memory_space<hbm>>
    %dma_wait3A_383 = tpu.memref_squeeze %dma_wait3A_382 : memref<1x50x64xf32, #tpu.memory_space<hbm>> -> memref<50x64xf32, #tpu.memory_space<hbm>>
    %dma_wait3A_384 = arith.constant 0 : i32
    %dma_wait3A_385 = arith.constant 0 : i32
    %dma_wait3A_386 = tpu.memref_slice %arg4[%add3A_376, %dma_wait3A_384, %dma_wait3A_385] : memref<16384x56x128xf32, #tpu.memory_space<hbm>> -> memref<1x50x64xf32, #tpu.memory_space<hbm>>
    %dma_wait3A_387 = tpu.memref_squeeze %dma_wait3A_386 : memref<1x50x64xf32, #tpu.memory_space<hbm>> -> memref<50x64xf32, #tpu.memory_space<hbm>>
    %dma_wait3A_388 = arith.constant 200 : i32
    %dma_wait3A_389 = arith.constant 0 : i32
    %dma_wait3A_390 = tpu.memref_slice %arg7[%dma_wait3A_388, %dma_wait3A_389] : memref<800x64xf32, #tpu.memory_space<vmem>> -> memref<50x64xf32, #tpu.memory_space<vmem>>
    tpu.wait_dma2 semaphore(%arg11 : memref<!tpu.dma_semaphore, #tpu.memory_space<semaphore_mem>>) src(%dma_wait3A_390 : memref<50x64xf32, #tpu.memory_space<vmem>>) dst(%dma_wait3A_387 : memref<50x64xf32, #tpu.memory_space<hbm>>)
    %add3A_391 = arith.constant 496 : i32
    %add3A_392 = arith.addi %mul3A_4, %add3A_391 : i32
    %add3A_393 = arith.constant 5 : i32
    %add3A_394 = arith.addi %add3A_392, %add3A_393 : i32
    %dma_wait3A_395 = arith.constant 250 : i32
    %dma_wait3A_396 = arith.constant 0 : i32
    %dma_wait3A_397 = tpu.memref_slice %arg7[%dma_wait3A_395, %dma_wait3A_396] : memref<800x64xf32, #tpu.memory_space<vmem>> -> memref<50x64xf32, #tpu.memory_space<vmem>>
    %dma_wait3A_398 = arith.constant 0 : i32
    %dma_wait3A_399 = arith.constant 0 : i32
    %dma_wait3A_400 = tpu.memref_slice %arg4[%add3A_394, %dma_wait3A_398, %dma_wait3A_399] : memref<16384x56x128xf32, #tpu.memory_space<hbm>> -> memref<1x50x64xf32, #tpu.memory_space<hbm>>
    %dma_wait3A_401 = tpu.memref_squeeze %dma_wait3A_400 : memref<1x50x64xf32, #tpu.memory_space<hbm>> -> memref<50x64xf32, #tpu.memory_space<hbm>>
    %dma_wait3A_402 = arith.constant 0 : i32
    %dma_wait3A_403 = arith.constant 0 : i32
    %dma_wait3A_404 = tpu.memref_slice %arg4[%add3A_394, %dma_wait3A_402, %dma_wait3A_403] : memref<16384x56x128xf32, #tpu.memory_space<hbm>> -> memref<1x50x64xf32, #tpu.memory_space<hbm>>
    %dma_wait3A_405 = tpu.memref_squeeze %dma_wait3A_404 : memref<1x50x64xf32, #tpu.memory_space<hbm>> -> memref<50x64xf32, #tpu.memory_space<hbm>>
    %dma_wait3A_406 = arith.constant 250 : i32
    %dma_wait3A_407 = arith.constant 0 : i32
    %dma_wait3A_408 = tpu.memref_slice %arg7[%dma_wait3A_406, %dma_wait3A_407] : memref<800x64xf32, #tpu.memory_space<vmem>> -> memref<50x64xf32, #tpu.memory_space<vmem>>
    tpu.wait_dma2 semaphore(%arg11 : memref<!tpu.dma_semaphore, #tpu.memory_space<semaphore_mem>>) src(%dma_wait3A_408 : memref<50x64xf32, #tpu.memory_space<vmem>>) dst(%dma_wait3A_405 : memref<50x64xf32, #tpu.memory_space<hbm>>)
    %add3A_409 = arith.constant 496 : i32
    %add3A_410 = arith.addi %mul3A_4, %add3A_409 : i32
    %add3A_411 = arith.constant 6 : i32
    %add3A_412 = arith.addi %add3A_410, %add3A_411 : i32
    %dma_wait3A_413 = arith.constant 300 : i32
    %dma_wait3A_414 = arith.constant 0 : i32
    %dma_wait3A_415 = tpu.memref_slice %arg7[%dma_wait3A_413, %dma_wait3A_414] : memref<800x64xf32, #tpu.memory_space<vmem>> -> memref<50x64xf32, #tpu.memory_space<vmem>>
    %dma_wait3A_416 = arith.constant 0 : i32
    %dma_wait3A_417 = arith.constant 0 : i32
    %dma_wait3A_418 = tpu.memref_slice %arg4[%add3A_412, %dma_wait3A_416, %dma_wait3A_417] : memref<16384x56x128xf32, #tpu.memory_space<hbm>> -> memref<1x50x64xf32, #tpu.memory_space<hbm>>
    %dma_wait3A_419 = tpu.memref_squeeze %dma_wait3A_418 : memref<1x50x64xf32, #tpu.memory_space<hbm>> -> memref<50x64xf32, #tpu.memory_space<hbm>>
    %dma_wait3A_420 = arith.constant 0 : i32
    %dma_wait3A_421 = arith.constant 0 : i32
    %dma_wait3A_422 = tpu.memref_slice %arg4[%add3A_412, %dma_wait3A_420, %dma_wait3A_421] : memref<16384x56x128xf32, #tpu.memory_space<hbm>> -> memref<1x50x64xf32, #tpu.memory_space<hbm>>
    %dma_wait3A_423 = tpu.memref_squeeze %dma_wait3A_422 : memref<1x50x64xf32, #tpu.memory_space<hbm>> -> memref<50x64xf32, #tpu.memory_space<hbm>>
    %dma_wait3A_424 = arith.constant 300 : i32
    %dma_wait3A_425 = arith.constant 0 : i32
    %dma_wait3A_426 = tpu.memref_slice %arg7[%dma_wait3A_424, %dma_wait3A_425] : memref<800x64xf32, #tpu.memory_space<vmem>> -> memref<50x64xf32, #tpu.memory_space<vmem>>
    tpu.wait_dma2 semaphore(%arg11 : memref<!tpu.dma_semaphore, #tpu.memory_space<semaphore_mem>>) src(%dma_wait3A_426 : memref<50x64xf32, #tpu.memory_space<vmem>>) dst(%dma_wait3A_423 : memref<50x64xf32, #tpu.memory_space<hbm>>)
    %add3A_427 = arith.constant 496 : i32
    %add3A_428 = arith.addi %mul3A_4, %add3A_427 : i32
    %add3A_429 = arith.constant 7 : i32
    %add3A_430 = arith.addi %add3A_428, %add3A_429 : i32
    %dma_wait3A_431 = arith.constant 350 : i32
    %dma_wait3A_432 = arith.constant 0 : i32
    %dma_wait3A_433 = tpu.memref_slice %arg7[%dma_wait3A_431, %dma_wait3A_432] : memref<800x64xf32, #tpu.memory_space<vmem>> -> memref<50x64xf32, #tpu.memory_space<vmem>>
    %dma_wait3A_434 = arith.constant 0 : i32
    %dma_wait3A_435 = arith.constant 0 : i32
    %dma_wait3A_436 = tpu.memref_slice %arg4[%add3A_430, %dma_wait3A_434, %dma_wait3A_435] : memref<16384x56x128xf32, #tpu.memory_space<hbm>> -> memref<1x50x64xf32, #tpu.memory_space<hbm>>
    %dma_wait3A_437 = tpu.memref_squeeze %dma_wait3A_436 : memref<1x50x64xf32, #tpu.memory_space<hbm>> -> memref<50x64xf32, #tpu.memory_space<hbm>>
    %dma_wait3A_438 = arith.constant 0 : i32
    %dma_wait3A_439 = arith.constant 0 : i32
    %dma_wait3A_440 = tpu.memref_slice %arg4[%add3A_430, %dma_wait3A_438, %dma_wait3A_439] : memref<16384x56x128xf32, #tpu.memory_space<hbm>> -> memref<1x50x64xf32, #tpu.memory_space<hbm>>
    %dma_wait3A_441 = tpu.memref_squeeze %dma_wait3A_440 : memref<1x50x64xf32, #tpu.memory_space<hbm>> -> memref<50x64xf32, #tpu.memory_space<hbm>>
    %dma_wait3A_442 = arith.constant 350 : i32
    %dma_wait3A_443 = arith.constant 0 : i32
    %dma_wait3A_444 = tpu.memref_slice %arg7[%dma_wait3A_442, %dma_wait3A_443] : memref<800x64xf32, #tpu.memory_space<vmem>> -> memref<50x64xf32, #tpu.memory_space<vmem>>
    tpu.wait_dma2 semaphore(%arg11 : memref<!tpu.dma_semaphore, #tpu.memory_space<semaphore_mem>>) src(%dma_wait3A_444 : memref<50x64xf32, #tpu.memory_space<vmem>>) dst(%dma_wait3A_441 : memref<50x64xf32, #tpu.memory_space<hbm>>)
    %add3A_445 = arith.constant 496 : i32
    %add3A_446 = arith.addi %mul3A_4, %add3A_445 : i32
    %add3A_447 = arith.constant 8 : i32
    %add3A_448 = arith.addi %add3A_446, %add3A_447 : i32
    %dma_wait3A_449 = arith.constant 400 : i32
    %dma_wait3A_450 = arith.constant 0 : i32
    %dma_wait3A_451 = tpu.memref_slice %arg7[%dma_wait3A_449, %dma_wait3A_450] : memref<800x64xf32, #tpu.memory_space<vmem>> -> memref<50x64xf32, #tpu.memory_space<vmem>>
    %dma_wait3A_452 = arith.constant 0 : i32
    %dma_wait3A_453 = arith.constant 0 : i32
    %dma_wait3A_454 = tpu.memref_slice %arg4[%add3A_448, %dma_wait3A_452, %dma_wait3A_453] : memref<16384x56x128xf32, #tpu.memory_space<hbm>> -> memref<1x50x64xf32, #tpu.memory_space<hbm>>
    %dma_wait3A_455 = tpu.memref_squeeze %dma_wait3A_454 : memref<1x50x64xf32, #tpu.memory_space<hbm>> -> memref<50x64xf32, #tpu.memory_space<hbm>>
    %dma_wait3A_456 = arith.constant 0 : i32
    %dma_wait3A_457 = arith.constant 0 : i32
    %dma_wait3A_458 = tpu.memref_slice %arg4[%add3A_448, %dma_wait3A_456, %dma_wait3A_457] : memref<16384x56x128xf32, #tpu.memory_space<hbm>> -> memref<1x50x64xf32, #tpu.memory_space<hbm>>
    %dma_wait3A_459 = tpu.memref_squeeze %dma_wait3A_458 : memref<1x50x64xf32, #tpu.memory_space<hbm>> -> memref<50x64xf32, #tpu.memory_space<hbm>>
    %dma_wait3A_460 = arith.constant 400 : i32
    %dma_wait3A_461 = arith.constant 0 : i32
    %dma_wait3A_462 = tpu.memref_slice %arg7[%dma_wait3A_460, %dma_wait3A_461] : memref<800x64xf32, #tpu.memory_space<vmem>> -> memref<50x64xf32, #tpu.memory_space<vmem>>
    tpu.wait_dma2 semaphore(%arg11 : memref<!tpu.dma_semaphore, #tpu.memory_space<semaphore_mem>>) src(%dma_wait3A_462 : memref<50x64xf32, #tpu.memory_space<vmem>>) dst(%dma_wait3A_459 : memref<50x64xf32, #tpu.memory_space<hbm>>)
    %add3A_463 = arith.constant 496 : i32
    %add3A_464 = arith.addi %mul3A_4, %add3A_463 : i32
    %add3A_465 = arith.constant 9 : i32
    %add3A_466 = arith.addi %add3A_464, %add3A_465 : i32
    %dma_wait3A_467 = arith.constant 450 : i32
    %dma_wait3A_468 = arith.constant 0 : i32
    %dma_wait3A_469 = tpu.memref_slice %arg7[%dma_wait3A_467, %dma_wait3A_468] : memref<800x64xf32, #tpu.memory_space<vmem>> -> memref<50x64xf32, #tpu.memory_space<vmem>>
    %dma_wait3A_470 = arith.constant 0 : i32
    %dma_wait3A_471 = arith.constant 0 : i32
    %dma_wait3A_472 = tpu.memref_slice %arg4[%add3A_466, %dma_wait3A_470, %dma_wait3A_471] : memref<16384x56x128xf32, #tpu.memory_space<hbm>> -> memref<1x50x64xf32, #tpu.memory_space<hbm>>
    %dma_wait3A_473 = tpu.memref_squeeze %dma_wait3A_472 : memref<1x50x64xf32, #tpu.memory_space<hbm>> -> memref<50x64xf32, #tpu.memory_space<hbm>>
    %dma_wait3A_474 = arith.constant 0 : i32
    %dma_wait3A_475 = arith.constant 0 : i32
    %dma_wait3A_476 = tpu.memref_slice %arg4[%add3A_466, %dma_wait3A_474, %dma_wait3A_475] : memref<16384x56x128xf32, #tpu.memory_space<hbm>> -> memref<1x50x64xf32, #tpu.memory_space<hbm>>
    %dma_wait3A_477 = tpu.memref_squeeze %dma_wait3A_476 : memref<1x50x64xf32, #tpu.memory_space<hbm>> -> memref<50x64xf32, #tpu.memory_space<hbm>>
    %dma_wait3A_478 = arith.constant 450 : i32
    %dma_wait3A_479 = arith.constant 0 : i32
    %dma_wait3A_480 = tpu.memref_slice %arg7[%dma_wait3A_478, %dma_wait3A_479] : memref<800x64xf32, #tpu.memory_space<vmem>> -> memref<50x64xf32, #tpu.memory_space<vmem>>
    tpu.wait_dma2 semaphore(%arg11 : memref<!tpu.dma_semaphore, #tpu.memory_space<semaphore_mem>>) src(%dma_wait3A_480 : memref<50x64xf32, #tpu.memory_space<vmem>>) dst(%dma_wait3A_477 : memref<50x64xf32, #tpu.memory_space<hbm>>)
    %add3A_481 = arith.constant 496 : i32
    %add3A_482 = arith.addi %mul3A_4, %add3A_481 : i32
    %add3A_483 = arith.constant 10 : i32
    %add3A_484 = arith.addi %add3A_482, %add3A_483 : i32
    %dma_wait3A_485 = arith.constant 500 : i32
    %dma_wait3A_486 = arith.constant 0 : i32
    %dma_wait3A_487 = tpu.memref_slice %arg7[%dma_wait3A_485, %dma_wait3A_486] : memref<800x64xf32, #tpu.memory_space<vmem>> -> memref<50x64xf32, #tpu.memory_space<vmem>>
    %dma_wait3A_488 = arith.constant 0 : i32
    %dma_wait3A_489 = arith.constant 0 : i32
    %dma_wait3A_490 = tpu.memref_slice %arg4[%add3A_484, %dma_wait3A_488, %dma_wait3A_489] : memref<16384x56x128xf32, #tpu.memory_space<hbm>> -> memref<1x50x64xf32, #tpu.memory_space<hbm>>
    %dma_wait3A_491 = tpu.memref_squeeze %dma_wait3A_490 : memref<1x50x64xf32, #tpu.memory_space<hbm>> -> memref<50x64xf32, #tpu.memory_space<hbm>>
    %dma_wait3A_492 = arith.constant 0 : i32
    %dma_wait3A_493 = arith.constant 0 : i32
    %dma_wait3A_494 = tpu.memref_slice %arg4[%add3A_484, %dma_wait3A_492, %dma_wait3A_493] : memref<16384x56x128xf32, #tpu.memory_space<hbm>> -> memref<1x50x64xf32, #tpu.memory_space<hbm>>
    %dma_wait3A_495 = tpu.memref_squeeze %dma_wait3A_494 : memref<1x50x64xf32, #tpu.memory_space<hbm>> -> memref<50x64xf32, #tpu.memory_space<hbm>>
    %dma_wait3A_496 = arith.constant 500 : i32
    %dma_wait3A_497 = arith.constant 0 : i32
    %dma_wait3A_498 = tpu.memref_slice %arg7[%dma_wait3A_496, %dma_wait3A_497] : memref<800x64xf32, #tpu.memory_space<vmem>> -> memref<50x64xf32, #tpu.memory_space<vmem>>
    tpu.wait_dma2 semaphore(%arg11 : memref<!tpu.dma_semaphore, #tpu.memory_space<semaphore_mem>>) src(%dma_wait3A_498 : memref<50x64xf32, #tpu.memory_space<vmem>>) dst(%dma_wait3A_495 : memref<50x64xf32, #tpu.memory_space<hbm>>)
    %add3A_499 = arith.constant 496 : i32
    %add3A_500 = arith.addi %mul3A_4, %add3A_499 : i32
    %add3A_501 = arith.constant 11 : i32
    %add3A_502 = arith.addi %add3A_500, %add3A_501 : i32
    %dma_wait3A_503 = arith.constant 550 : i32
    %dma_wait3A_504 = arith.constant 0 : i32
    %dma_wait3A_505 = tpu.memref_slice %arg7[%dma_wait3A_503, %dma_wait3A_504] : memref<800x64xf32, #tpu.memory_space<vmem>> -> memref<50x64xf32, #tpu.memory_space<vmem>>
    %dma_wait3A_506 = arith.constant 0 : i32
    %dma_wait3A_507 = arith.constant 0 : i32
    %dma_wait3A_508 = tpu.memref_slice %arg4[%add3A_502, %dma_wait3A_506, %dma_wait3A_507] : memref<16384x56x128xf32, #tpu.memory_space<hbm>> -> memref<1x50x64xf32, #tpu.memory_space<hbm>>
    %dma_wait3A_509 = tpu.memref_squeeze %dma_wait3A_508 : memref<1x50x64xf32, #tpu.memory_space<hbm>> -> memref<50x64xf32, #tpu.memory_space<hbm>>
    %dma_wait3A_510 = arith.constant 0 : i32
    %dma_wait3A_511 = arith.constant 0 : i32
    %dma_wait3A_512 = tpu.memref_slice %arg4[%add3A_502, %dma_wait3A_510, %dma_wait3A_511] : memref<16384x56x128xf32, #tpu.memory_space<hbm>> -> memref<1x50x64xf32, #tpu.memory_space<hbm>>
    %dma_wait3A_513 = tpu.memref_squeeze %dma_wait3A_512 : memref<1x50x64xf32, #tpu.memory_space<hbm>> -> memref<50x64xf32, #tpu.memory_space<hbm>>
    %dma_wait3A_514 = arith.constant 550 : i32
    %dma_wait3A_515 = arith.constant 0 : i32
    %dma_wait3A_516 = tpu.memref_slice %arg7[%dma_wait3A_514, %dma_wait3A_515] : memref<800x64xf32, #tpu.memory_space<vmem>> -> memref<50x64xf32, #tpu.memory_space<vmem>>
    tpu.wait_dma2 semaphore(%arg11 : memref<!tpu.dma_semaphore, #tpu.memory_space<semaphore_mem>>) src(%dma_wait3A_516 : memref<50x64xf32, #tpu.memory_space<vmem>>) dst(%dma_wait3A_513 : memref<50x64xf32, #tpu.memory_space<hbm>>)
    %add3A_517 = arith.constant 496 : i32
    %add3A_518 = arith.addi %mul3A_4, %add3A_517 : i32
    %add3A_519 = arith.constant 12 : i32
    %add3A_520 = arith.addi %add3A_518, %add3A_519 : i32
    %dma_wait3A_521 = arith.constant 600 : i32
    %dma_wait3A_522 = arith.constant 0 : i32
    %dma_wait3A_523 = tpu.memref_slice %arg7[%dma_wait3A_521, %dma_wait3A_522] : memref<800x64xf32, #tpu.memory_space<vmem>> -> memref<50x64xf32, #tpu.memory_space<vmem>>
    %dma_wait3A_524 = arith.constant 0 : i32
    %dma_wait3A_525 = arith.constant 0 : i32
    %dma_wait3A_526 = tpu.memref_slice %arg4[%add3A_520, %dma_wait3A_524, %dma_wait3A_525] : memref<16384x56x128xf32, #tpu.memory_space<hbm>> -> memref<1x50x64xf32, #tpu.memory_space<hbm>>
    %dma_wait3A_527 = tpu.memref_squeeze %dma_wait3A_526 : memref<1x50x64xf32, #tpu.memory_space<hbm>> -> memref<50x64xf32, #tpu.memory_space<hbm>>
    %dma_wait3A_528 = arith.constant 0 : i32
    %dma_wait3A_529 = arith.constant 0 : i32
    %dma_wait3A_530 = tpu.memref_slice %arg4[%add3A_520, %dma_wait3A_528, %dma_wait3A_529] : memref<16384x56x128xf32, #tpu.memory_space<hbm>> -> memref<1x50x64xf32, #tpu.memory_space<hbm>>
    %dma_wait3A_531 = tpu.memref_squeeze %dma_wait3A_530 : memref<1x50x64xf32, #tpu.memory_space<hbm>> -> memref<50x64xf32, #tpu.memory_space<hbm>>
    %dma_wait3A_532 = arith.constant 600 : i32
    %dma_wait3A_533 = arith.constant 0 : i32
    %dma_wait3A_534 = tpu.memref_slice %arg7[%dma_wait3A_532, %dma_wait3A_533] : memref<800x64xf32, #tpu.memory_space<vmem>> -> memref<50x64xf32, #tpu.memory_space<vmem>>
    tpu.wait_dma2 semaphore(%arg11 : memref<!tpu.dma_semaphore, #tpu.memory_space<semaphore_mem>>) src(%dma_wait3A_534 : memref<50x64xf32, #tpu.memory_space<vmem>>) dst(%dma_wait3A_531 : memref<50x64xf32, #tpu.memory_space<hbm>>)
    %add3A_535 = arith.constant 496 : i32
    %add3A_536 = arith.addi %mul3A_4, %add3A_535 : i32
    %add3A_537 = arith.constant 13 : i32
    %add3A_538 = arith.addi %add3A_536, %add3A_537 : i32
    %dma_wait3A_539 = arith.constant 650 : i32
    %dma_wait3A_540 = arith.constant 0 : i32
    %dma_wait3A_541 = tpu.memref_slice %arg7[%dma_wait3A_539, %dma_wait3A_540] : memref<800x64xf32, #tpu.memory_space<vmem>> -> memref<50x64xf32, #tpu.memory_space<vmem>>
    %dma_wait3A_542 = arith.constant 0 : i32
    %dma_wait3A_543 = arith.constant 0 : i32
    %dma_wait3A_544 = tpu.memref_slice %arg4[%add3A_538, %dma_wait3A_542, %dma_wait3A_543] : memref<16384x56x128xf32, #tpu.memory_space<hbm>> -> memref<1x50x64xf32, #tpu.memory_space<hbm>>
    %dma_wait3A_545 = tpu.memref_squeeze %dma_wait3A_544 : memref<1x50x64xf32, #tpu.memory_space<hbm>> -> memref<50x64xf32, #tpu.memory_space<hbm>>
    %dma_wait3A_546 = arith.constant 0 : i32
    %dma_wait3A_547 = arith.constant 0 : i32
    %dma_wait3A_548 = tpu.memref_slice %arg4[%add3A_538, %dma_wait3A_546, %dma_wait3A_547] : memref<16384x56x128xf32, #tpu.memory_space<hbm>> -> memref<1x50x64xf32, #tpu.memory_space<hbm>>
    %dma_wait3A_549 = tpu.memref_squeeze %dma_wait3A_548 : memref<1x50x64xf32, #tpu.memory_space<hbm>> -> memref<50x64xf32, #tpu.memory_space<hbm>>
    %dma_wait3A_550 = arith.constant 650 : i32
    %dma_wait3A_551 = arith.constant 0 : i32
    %dma_wait3A_552 = tpu.memref_slice %arg7[%dma_wait3A_550, %dma_wait3A_551] : memref<800x64xf32, #tpu.memory_space<vmem>> -> memref<50x64xf32, #tpu.memory_space<vmem>>
    tpu.wait_dma2 semaphore(%arg11 : memref<!tpu.dma_semaphore, #tpu.memory_space<semaphore_mem>>) src(%dma_wait3A_552 : memref<50x64xf32, #tpu.memory_space<vmem>>) dst(%dma_wait3A_549 : memref<50x64xf32, #tpu.memory_space<hbm>>)
    %add3A_553 = arith.constant 496 : i32
    %add3A_554 = arith.addi %mul3A_4, %add3A_553 : i32
    %add3A_555 = arith.constant 14 : i32
    %add3A_556 = arith.addi %add3A_554, %add3A_555 : i32
    %dma_wait3A_557 = arith.constant 700 : i32
    %dma_wait3A_558 = arith.constant 0 : i32
    %dma_wait3A_559 = tpu.memref_slice %arg7[%dma_wait3A_557, %dma_wait3A_558] : memref<800x64xf32, #tpu.memory_space<vmem>> -> memref<50x64xf32, #tpu.memory_space<vmem>>
    %dma_wait3A_560 = arith.constant 0 : i32
    %dma_wait3A_561 = arith.constant 0 : i32
    %dma_wait3A_562 = tpu.memref_slice %arg4[%add3A_556, %dma_wait3A_560, %dma_wait3A_561] : memref<16384x56x128xf32, #tpu.memory_space<hbm>> -> memref<1x50x64xf32, #tpu.memory_space<hbm>>
    %dma_wait3A_563 = tpu.memref_squeeze %dma_wait3A_562 : memref<1x50x64xf32, #tpu.memory_space<hbm>> -> memref<50x64xf32, #tpu.memory_space<hbm>>
    %dma_wait3A_564 = arith.constant 0 : i32
    %dma_wait3A_565 = arith.constant 0 : i32
    %dma_wait3A_566 = tpu.memref_slice %arg4[%add3A_556, %dma_wait3A_564, %dma_wait3A_565] : memref<16384x56x128xf32, #tpu.memory_space<hbm>> -> memref<1x50x64xf32, #tpu.memory_space<hbm>>
    %dma_wait3A_567 = tpu.memref_squeeze %dma_wait3A_566 : memref<1x50x64xf32, #tpu.memory_space<hbm>> -> memref<50x64xf32, #tpu.memory_space<hbm>>
    %dma_wait3A_568 = arith.constant 700 : i32
    %dma_wait3A_569 = arith.constant 0 : i32
    %dma_wait3A_570 = tpu.memref_slice %arg7[%dma_wait3A_568, %dma_wait3A_569] : memref<800x64xf32, #tpu.memory_space<vmem>> -> memref<50x64xf32, #tpu.memory_space<vmem>>
    tpu.wait_dma2 semaphore(%arg11 : memref<!tpu.dma_semaphore, #tpu.memory_space<semaphore_mem>>) src(%dma_wait3A_570 : memref<50x64xf32, #tpu.memory_space<vmem>>) dst(%dma_wait3A_567 : memref<50x64xf32, #tpu.memory_space<hbm>>)
    %add3A_571 = arith.constant 496 : i32
    %add3A_572 = arith.addi %mul3A_4, %add3A_571 : i32
    %add3A_573 = arith.constant 15 : i32
    %add3A_574 = arith.addi %add3A_572, %add3A_573 : i32
    %dma_wait3A_575 = arith.constant 750 : i32
    %dma_wait3A_576 = arith.constant 0 : i32
    %dma_wait3A_577 = tpu.memref_slice %arg7[%dma_wait3A_575, %dma_wait3A_576] : memref<800x64xf32, #tpu.memory_space<vmem>> -> memref<50x64xf32, #tpu.memory_space<vmem>>
    %dma_wait3A_578 = arith.constant 0 : i32
    %dma_wait3A_579 = arith.constant 0 : i32
    %dma_wait3A_580 = tpu.memref_slice %arg4[%add3A_574, %dma_wait3A_578, %dma_wait3A_579] : memref<16384x56x128xf32, #tpu.memory_space<hbm>> -> memref<1x50x64xf32, #tpu.memory_space<hbm>>
    %dma_wait3A_581 = tpu.memref_squeeze %dma_wait3A_580 : memref<1x50x64xf32, #tpu.memory_space<hbm>> -> memref<50x64xf32, #tpu.memory_space<hbm>>
    %dma_wait3A_582 = arith.constant 0 : i32
    %dma_wait3A_583 = arith.constant 0 : i32
    %dma_wait3A_584 = tpu.memref_slice %arg4[%add3A_574, %dma_wait3A_582, %dma_wait3A_583] : memref<16384x56x128xf32, #tpu.memory_space<hbm>> -> memref<1x50x64xf32, #tpu.memory_space<hbm>>
    %dma_wait3A_585 = tpu.memref_squeeze %dma_wait3A_584 : memref<1x50x64xf32, #tpu.memory_space<hbm>> -> memref<50x64xf32, #tpu.memory_space<hbm>>
    %dma_wait3A_586 = arith.constant 750 : i32
    %dma_wait3A_587 = arith.constant 0 : i32
    %dma_wait3A_588 = tpu.memref_slice %arg7[%dma_wait3A_586, %dma_wait3A_587] : memref<800x64xf32, #tpu.memory_space<vmem>> -> memref<50x64xf32, #tpu.memory_space<vmem>>
    tpu.wait_dma2 semaphore(%arg11 : memref<!tpu.dma_semaphore, #tpu.memory_space<semaphore_mem>>) src(%dma_wait3A_588 : memref<50x64xf32, #tpu.memory_space<vmem>>) dst(%dma_wait3A_585 : memref<50x64xf32, #tpu.memory_space<hbm>>)
    return
  }
}

</mosaic_0001>

<sc_bundles>
// kernel: kernel.3.cloned.1.call-start
scs
__scs_entry_jumppad:
0x0: {  	(pc) =	sbr.rel $0x88, $3  }
0x1: {  	(tag) =	ssettag $0x0;
	lr =	simm.s32 $0x1  }
0x2: {  	[smem:$0x3F9F] =	sst lr;
	_ =	strace $0xD0000000  }
0x3: {  	_ = 	snop  }
0x4: {  	_ = 	snop  }
0x5: {  	_ = 	snop  }
0x6: {  	_ = 	snop  }
0x7: {  	_ = 	snop  }
__scs_overlays_trampoline_lowered:
0x8: {  	[smem:$0x3FAE] =	sst s0  }
0x9: {  	[smem:$0x3FAF] =	sst s1  }
0xa: {  	[smem:$0x3FB0] =	sst s2  }
0xb: {  	[smem:$0x3FB1] =	sst s3  }
0xc: {  	[smem:$0x3FB2] =	sst s4  }
0xd: {  	[smem:$0x3FB3] =	sst s5  }
0xe: {  	[smem:$0x3FB4] =	sst s6  }
0xf: {  	[smem:$0x3FB5] =	sst s7  }
0x10: {  	[smem:$0x3FB6] =	sst s8  }
0x11: {  	[smem:$0x3FB7] =	sst s9;
	s0 =	simm.s32 @!p0 $0x0  }
0x12: {  	s1 =	sld [smem:$0x3F9D];
	s0 =	simm.s32 @p0 $0x1  }
0x13: {  	[smem:$0x3FB8] =	sst s0;
	s0 =	simm.s32 @!p1 $0x0  }
0x14: {  	s2 =	sld [smem:$0x3F9C];
	s0 =	simm.s32 @p1 $0x1  }
0x15: {  	[smem:$0x3FB9] =	sst s0;
	s0 =	simm.s32 @!p2 $0x0  }
0x16: {  	s3 =	sld [smem:$0x3FDB];
	s0 =	simm.s32 @p2 $0x1  }
0x17: {  	s4 =	simm.s32 $0x1BF5;
	[smem:$0x3FBB] =	sst s0  }
0x18: {  	s0 =	sld [smem:$0x3F9E];
	_ =	swait.ge [sflag:s4], $0x0  }
0x19: {  	s7 =	sld [smem:$0x3F9F]  }
0x1a: {  	s8 =	sadd.s32 $0xFFFFE003, lr  }
0x1b: {  	s9 =	sadd.s32 $0xFFFFFEF7, lr;
	s5 =	simm.s32 $0xFFFFFFFF;
	p2 =	slt.u32 s8, $0xFFFFF086  }
0x1c: {  	p1 =	slt.u32 s9, $0xF7A;
	s5 =	simm.s32 @!p2 $0x0  }
0x1d: {  	s5 =	simm.s32 @p1 $0x1;
	p0 =	seq.s32 s7, s2  }
0x1e: {  	s7 =	smul.u32 @!p0 $0xF7A, s2;
	p2 =	seq.s32 @!p0 s5, $0x0  }
0x1f: {  	s9 =	smul.u32 $0xF7A, s1;
	s8 =	simm.s32 @!p0 $0x1BF5;
	p2 =	por !p2, p0  }
0x20: {  	[sflag:s8] =	ssyncset.s32 @!p0 $0xFFFFF086;
	s6 =	sadd.s32 @!p0 s3, s7;
	s7 =	simm.s32 @!p0 $0x108  }
0x21: {  	s3 =	sadd.s32 s3, s9;
	s6 =	sadd.s32 @!p0 $0x88, s6;
	s7 =	simm.s32 @p2 $0x1082  }
0x22: {  	[simem:s7], [sflag:s8] =	dma.local @!p0 [hbm:s6], $0xF7A  }
0x23: {  	s9 =	sor.u32 $0xD0000000, s2;
	s6 =	simm.s32 $0x108;
	_ =	swait.ge @!p0 [sflag:s8], $0x0  }
0x24: {  	s3 =	sadd.s32 $0x88, s3;
	s6 =	simm.s32 @!p1 $0x1082;
	[sflag:s4] =	ssyncset.s32 $0xFFFFF086  }
0x25: {  	[simem:s6], [sflag:s4] =	dma.local [hbm:s3], $0xF7A  }
0x26: {  	[smem:$0x3F9F] =	sst s1;
	(tag) =	ssettag s2;
	_ =	strace s9  }
0x27: {  	s1 =	sld [smem:$0x3FAF]  }
0x28: {  	s2 =	sld [smem:$0x3FB0]  }
0x29: {  	s4 =	sld [smem:$0x3FB2]  }
0x2a: {  	p0 =	seq.s32 s5, $0x0;
	s5 =	sld [smem:$0x3FB3]  }
0x2b: {  	s6 =	sld [smem:$0x3FB4]  }
0x2c: {  	s7 =	sld [smem:$0x3FB5]  }
0x2d: {  	s3 =	simm.s32 $0x108;
	s8 =	sld [smem:$0x3FB6]  }
0x2e: {  	s3 =	simm.s32 @!p0 $0x1082;
	s9 =	sld [smem:$0x3FB7]  }
0x2f: {  	lr =	sadd.s32 s0, s3;
	s0 =	sld [smem:$0x3FAE]  }
0x30: {  	s3 =	sld [smem:$0x3FB1]  }
0x31: {  	[smem:$0x3FBA] =	sst s10  }
0x32: {  	s10 =	sld [smem:$0x3FB8];
	_ =	sdelay $0x3  }
0x33: {  	p0 =	seq.s32 s10, $0x1;
	s10 =	sld [smem:$0x3FBA];
	_ =	sdelay $0x3  }
0x34: {  	[smem:$0x3FBA] =	sst s10  }
0x35: {  	s10 =	sld [smem:$0x3FB9];
	_ =	sdelay $0x3  }
0x36: {  	p1 =	seq.s32 s10, $0x1;
	s10 =	sld [smem:$0x3FBA];
	_ =	sdelay $0x3  }
0x37: {  	[smem:$0x3FBA] =	sst s10  }
0x38: {  	s10 =	sld [smem:$0x3FBB]  }
0x39: {  	_ = 	snop;
	(pc) =	sbr.ind lr, $3  }
0x3a: {  	_ = 	snop  }
0x3b: {  	_ = 	snop  }
0x3c: {  	p2 =	seq.s32 s10, $0x1;
	s10 =	sld [smem:$0x3FBA]  }
0x3d: {  	_ =	shalt  }
0x3e: {  	_ =	shalt  }
0x3f: {  	_ =	shalt  }
0x40: {  	_ =	shalt  }
0x41: {  	_ =	shalt  }
0x42: {  	_ =	shalt  }
0x43: {  	_ =	shalt  }
0x44: {  	_ =	shalt  }
0x45: {  	_ =	shalt  }
0x46: {  	_ =	shalt  }
0x47: {  	_ =	shalt  }
0x48: {  	_ =	shalt  }
0x49: {  	_ =	shalt  }
0x4a: {  	_ =	shalt  }
0x4b: {  	_ =	shalt  }
0x4c: {  	_ =	shalt  }
0x4d: {  	_ =	shalt  }
0x4e: {  	_ =	shalt  }
0x4f: {  	_ =	shalt  }
0x50: {  	_ =	shalt  }
0x51: {  	_ =	shalt  }
0x52: {  	_ =	shalt  }
0x53: {  	_ =	shalt  }
0x54: {  	_ =	shalt  }
0x55: {  	_ =	shalt  }
0x56: {  	_ =	shalt  }
0x57: {  	_ =	shalt  }
0x58: {  	_ =	shalt  }
0x59: {  	_ =	shalt  }
0x5a: {  	_ =	shalt  }
0x5b: {  	_ =	shalt  }
0x5c: {  	_ =	shalt  }
0x5d: {  	_ =	shalt  }
0x5e: {  	_ =	shalt  }
0x5f: {  	_ =	shalt  }
0x60: {  	_ =	shalt  }
0x61: {  	_ =	shalt  }
0x62: {  	_ =	shalt  }
0x63: {  	_ =	shalt  }
0x64: {  	_ =	shalt  }
0x65: {  	_ =	shalt  }
0x66: {  	_ =	shalt  }
0x67: {  	_ =	shalt  }
0x68: {  	_ =	shalt  }
0x69: {  	_ =	shalt  }
0x6a: {  	_ =	shalt  }
0x6b: {  	_ =	shalt  }
0x6c: {  	_ =	shalt  }
0x6d: {  	_ =	shalt  }
0x6e: {  	_ =	shalt  }
0x6f: {  	_ =	shalt  }
0x70: {  	_ =	shalt  }
0x71: {  	_ =	shalt  }
0x72: {  	_ =	shalt  }
0x73: {  	_ =	shalt  }
0x74: {  	_ =	shalt  }
0x75: {  	_ =	shalt  }
0x76: {  	_ =	shalt  }
0x77: {  	_ =	shalt  }
0x78: {  	_ =	shalt  }
0x79: {  	_ =	shalt  }
0x7a: {  	_ =	shalt  }
0x7b: {  	_ =	shalt  }
0x7c: {  	_ =	shalt  }
0x7d: {  	_ =	shalt  }
0x7e: {  	_ =	shalt  }
0x7f: {  	_ =	shalt  }
0x80: {  	_ =	shalt  }
0x81: {  	_ =	shalt  }
0x82: {  	_ =	shalt  }
0x83: {  	_ =	shalt  }
0x84: {  	_ =	shalt  }
0x85: {  	_ =	shalt  }
0x86: {  	_ =	shalt  }
0x87: {  	_ =	shalt  }
.Lfunc_end0:
.L_simem_size_0:
called_computation.1_lowered:
.L_overlay_start_0:
0x88: {  	s2 =	sld [smem:$0x3FD9]  }
0x89: {  	s3 =	sld [smem:$0x3FFE];
	_ =	sdelay $0x1  }
0x8a: {  	s1 =	srdreg.scid  }
0x8b: {  	s0 =	sand.u32 $0x1, s1  }
0x8c: {  	s17 =	sshll.u32 s0, $0xA;
	s2 =	sadd.s32 s3, s2  }
0x8d: {  	s2 =	sadd.s32 s2, s17  }
0x8e: {  	[smem:$0x3FC6] =	sst s2  }
0x8f: {  	_ = 	snop  }
0x90: {  	s2 =	sld [smem:$0x3FD0];
	(tm) =	ssettm $0x1  }
0x91: {  	s18 =	sld [smem:$0x3FFB];
	_ =	sdelay $0x3  }
0x92: {  	_ =	strace s18  }
0x93: {  	s3 =	sld [smem:$0x3FFC];
	_ =	sdelay $0x3  }
0x94: {  	_ =	strace s3  }
0x95: {  	s3 =	sld [smem:$0x3FFD];
	_ =	sdelay $0x3  }
0x96: {  	_ =	strace s3  }
0x97: {  	_ =	strace $0x8FFFFFFF  }
0x98: {  	s19 =	sld [smem:$0x3FDB];
	_ =	sdelay $0x1  }
0x99: {  	s4 =	simm.s32 $_scs_section_size  }
0x9a: {  	s5 =	simm.s32 $_size__tile_overlayer_lowered;
	s6 =	simm.s32 $_tile_overlayer_lowered  }
0x9b: {  	s22 =	simm.s32 $0x1BFF;
	s21 =	sshll.u32 s6, $0x1;
	s3 =	sadd.s32 s4, s19  }
0x9c: {  	s7 =	simm.s32 $0x0;
	s20 =	sshll.u32 s5, $0x1;
	s5 =	sadd.s32 s21, s3  }
0x9d: {  	[timem:s7], [sflag:s22] =	dma.local [hbm:s5], s20  }
0x9e: {  	_ =	swait.ge [sflag:s22], s20  }
0x9f: {  	s4 =	ssub.s32 $0x0, s20;
	[sflag:s22] =	ssyncset.done $0x0  }
0xa0: {  	[sflag:s22] =	ssyncadd.s32 s4;
	_ =	sdelay $0x1  }
0xa1: {  	s23 =	simm.s32 $0x1B8B  }
0xa2: {  	_ =	swait.ge [sflag:s23], $0x1  }
0xa3: {  	[sflag:s23] =	ssyncset.done $0x0  }
0xa4: {  	s25 =	simm.s32 $0x1B8E;
	s24 =	sld [smem:$0x3FFE];
	[sflag:s23] =	ssyncadd.s32 $0xFFFFFFFF  }
0xa5: {  	s26 =	simm.s32 $execute0_lowered;
	[smem:$0x3FD2] =	sst s25  }
0xa6: {  	s5 =	sshll.u32 s26, $0x1;
	_ =	strace $0x80000046;
	[dreg:$0x1] =	wrdreg $0xFFFFFFFF  }
0xa7: {  	s28 =	simm.s32 $_size_execute0_lowered;
	s3 =	sadd.s32 s3, s5;
	[dreg:$0x0] =	wrdreg $0x0  }
0xa8: {  	s5 =	sshll.u32 s28, $0x1;
	[dreg:$0x2] =	wrdreg s3  }
0xa9: {  	[dreg:$0x3] =	wrdreg s5  }
0xaa: {  	[dreg:$0x4] =	wrdreg $0xC0  }
0xab: {  	_ =	task [dreg:s7], $0x5FFFF  }
0xac: {  	[dreg:$0x1] =	wrdreg $0xFFFFFFFF  }
0xad: {  	[dreg:$0x0] =	wrdreg $0x60  }
0xae: {  	[dreg:$0x2] =	wrdreg s2  }
0xaf: {  	[dreg:$0x3] =	wrdreg s24  }
0xb0: {  	[dreg:$0x4] =	wrdreg $0x9  }
0xb1: {  	_ =	task.clear_ibuf [dreg:s7], $0x5FFFF;
	_ =	strace $0x90000046  }
0xb2: {  	s29 =	simm.s32 $0x9;
	_ =	strace $0x80000048  }
0xb3: {  	_ =	swait.ge [sflag:s29], $0x1  }
0xb4: {  	[sflag:s29] =	ssyncadd.s32 $0xFFFFFFFF  }
0xb5: {  	_ =	strace $0x90000048  }
0xb6: {  	_ =	sfence  }
0xb7: {  	s30 =	sld [smem:$0x0];
	_ =	sdelay $0x2  }
0xb8: {  	s31 =	sshll.u32 s1, $0xD;
	s1 =	sshrl.u32 s1, $0x2  }
0xb9: {  	s3 =	sand.u32 $0x4000, s31;
	s1 =	sadd.s32 s1, s30  }
0xba: {  	s0 =	sor.u32 s3, s0;
	s1 =	sshll.u32 s1, $0x11  }
0xbb: {  	s0 =	sor.u32 s1, s0  }
0xbc: {  	s0 =	sadd.s32 $0x8F2B, s0  }
0xbd: {  	[sflag:s0] =	ssyncadd.remote.s32 $0x1  }
0xbe: {  	_ =	sfence.sel $0xFFFF  }
0xbf: {  	[dreg:$0x0] =	wrdreg $0xFFFFFFFF;
	(pc) =	sbr.abs _section_cstart, $3  }
0xc0: {  	[dreg:$0x1] =	wrdreg $0xFFFFFFFF  }
0xc1: {  	_ =	task.clear_ibuf [dreg:s7], $0x2FFFF;
	_ =	strace $0x9FFFFFFF  }
0xc2: {  	(tm) =	ssettm $0x7FFFFFFF  }
0xc3: {  	_ =	shalt  }
tec
execute0_lowered:
.L_overlay_start_1:
0x0: {  	(tag) =	ssettag $0x1  }
0x1: {  	s1 =	srdreg.scid  }
0x2: {  	s0 =	stileid.u32;
	s4 =	rddreg [dreg:$0x0]  }
0x3: {  	s18 =	simm.s32 $0x0;
	s5 =	sand.u32 $0x1, s1;
	s6 =	smul.u32 $0x700000, s0  }
0x4: {  	[smem:$0x7FF] =	sst s18;
	s7 =	smul.u32 $0x380000, s5  }
0x5: {  	s3 =	rddreg [dreg:$0x1];
	s16 =	smul.u32 $0xE0000, s0;
	_ =	strace $0x80000047  }
0x6: {  	s18 =	smul.u32 $0x70000, s5;
	s7 =	sadd.s32 s7, s6;
	s6 =	sadd.s32 $0xA00, s3  }
0x7: {  	s3 =	sadd.s32 $0xF42E00, s3;
	s8 =	sor.u32 $0x1A400, s7;
	s9 =	sor.u32 $0x18800, s7  }
0x8: {  	s10 =	sor.u32 $0x16C00, s7;
	s22 =	sor.u32 $0x15000, s7;
	s24 =	sor.u32 $0x13400, s7  }
0x9: {  	s25 =	sor.u32 $0x11800, s7;
	s2 =	sor.u32 $0xC400, s7;
	s8 =	sshrl.u32 s8, $0x3  }
0xa: {  	s9 =	sshrl.u32 s9, $0x3;
	s20 =	sshrl.u32 s10, $0x3;
	s8 =	sadd.s32 s8, s6  }
0xb: {  	s23 =	sshrl.u32 s22, $0x3;
	s19 =	sadd.s32 s9, s6;
	[dreg:$0x3] =	wrdreg s8  }
0xc: {  	s28 =	sshrl.u32 s25, $0x3;
	s21 =	sadd.s32 s20, s6;
	[dreg:$0x4] =	wrdreg s19  }
0xd: {  	s11 =	sshrl.u32 s2, $0x3;
	s29 =	sadd.s32 s28, s6;
	[dreg:$0x5] =	wrdreg s21  }
0xe: {  	s25 =	sor.u32 $0x31000, s7;
	s12 =	sadd.s32 s11, s6;
	[dreg:$0x8] =	wrdreg s29  }
0xf: {  	s28 =	sshrl.u32 s25, $0x3;
	s25 =	simm.s32 $0x7080;
	[dreg:$0xb] =	wrdreg s12  }
0x10: {  	s9 =	sshrl.u32 s24, $0x3;
	s8 =	sadd.s32 s23, s6;
	[dreg:$0x1c] =	wrdreg s25  }
0x11: {  	s10 =	sadd.s32 s16, s6;
	s26 =	sadd.s32 s9, s6;
	[dreg:$0x6] =	wrdreg s8  }
0x12: {  	s30 =	sor.u32 $0xFC00, s7;
	s19 =	sadd.s32 s18, s10;
	[dreg:$0x7] =	wrdreg s26  }
0x13: {  	s1 =	sor.u32 $0xE000, s7;
	s29 =	sadd.s32 s28, s6;
	[dreg:$0xe] =	wrdreg s19  }
0x14: {  	s2 =	sor.u32 $0x2BC00, s7;
	s28 =	simm.s32 $0x8980;
	[dreg:$0x12] =	wrdreg s29  }
0x15: {  	s12 =	sshrl.u32 s2, $0x3;
	s2 =	simm.s32 $0xC800;
	[dreg:$0x1e] =	wrdreg s28  }
0x16: {  	s31 =	sshrl.u32 s30, $0x3;
	s10 =	simm.s32 $0xFA00;
	[smem:$0x7E6] =	sst s2  }
0x17: {  	s11 =	sor.u32 $0x36400, s7;
	s25 =	simm.s32 $0x19000;
	[smem:$0x7EA] =	sst s10  }
0x18: {  	s9 =	sshrl.u32 s1, $0x3;
	s8 =	sadd.s32 s31, s6;
	[smem:$0x7F6] =	sst s25  }
0x19: {  	s20 =	sshrl.u32 s11, $0x3;
	s9 =	sadd.s32 s9, s6;
	[dreg:$0x9] =	wrdreg s8  }
0x1a: {  	s13 =	sor.u32 $0xA800, s7;
	s21 =	sadd.s32 s20, s6;
	[dreg:$0xa] =	wrdreg s9  }
0x1b: {  	s14 =	sshrl.u32 s13, $0x3;
	s13 =	sadd.s32 s12, s6;
	[dreg:$0xf] =	wrdreg s21  }
0x1c: {  	s30 =	sor.u32 $0x2F400, s7;
	s29 =	simm.s32 $0x9600;
	[dreg:$0x15] =	wrdreg s13  }
0x1d: {  	s31 =	sshrl.u32 s30, $0x3;
	s30 =	simm.s32 $0xA280;
	[dreg:$0x1f] =	wrdreg s29  }
0x1e: {  	s15 =	sor.u32 $0x8C00, s7;
	s12 =	simm.s32 $0x11300;
	[smem:$0x7E3] =	sst s30  }
0x1f: {  	s17 =	sshrl.u32 s15, $0x3;
	s28 =	simm.s32 $0x1A900;
	[smem:$0x7EC] =	sst s12  }
0x20: {  	s22 =	sor.u32 $0x34800, s7;
	s8 =	sadd.s32 s14, s6;
	[smem:$0x7F8] =	sst s28  }
0x21: {  	s24 =	sor.u32 $0x32C00, s7;
	s13 =	simm.s32 $0x11F80;
	[dreg:$0xc] =	wrdreg s8  }
0x22: {  	s23 =	sshrl.u32 s22, $0x3;
	s29 =	simm.s32 $0x1B580;
	[smem:$0x7ED] =	sst s13  }
0x23: {  	s1 =	sor.u32 $0x2D800, s7;
	s30 =	simm.s32 $0x1C200;
	[smem:$0x7F9] =	sst s29  }
0x24: {  	s9 =	sshrl.u32 s24, $0x3;
	s12 =	simm.s32 $0x1DB00;
	[smem:$0x7FA] =	sst s30  }
0x25: {  	s14 =	sor.u32 $0x2A000, s7;
	s8 =	sadd.s32 s17, s6;
	[smem:$0x7FC] =	sst s12  }
0x26: {  	s21 =	sor.u32 $0x24C00, s7;
	s26 =	sadd.s32 s9, s6;
	[dreg:$0xd] =	wrdreg s8  }
0x27: {  	s9 =	sshrl.u32 s1, $0x3;
	s1 =	simm.s32 $0xBB80;
	[dreg:$0x11] =	wrdreg s26  }
0x28: {  	s15 =	sshrl.u32 s14, $0x3;
	s14 =	simm.s32 $0x13880;
	[smem:$0x7E5] =	sst s1  }
0x29: {  	s22 =	sshrl.u32 s21, $0x3;
	s21 =	simm.s32 $0x16A80;
	[smem:$0x7EE] =	sst s14  }
0x2a: {  	s16 =	sor.u32 $0x28400, s7;
	s8 =	sadd.s32 s23, s6;
	[smem:$0x7F2] =	sst s21  }
0x2b: {  	s10 =	simm.s32 $0x1;
	s11 =	sadd.s32 s9, s6;
	[dreg:$0x10] =	wrdreg s8  }
0x2c: {  	s17 =	sor.u32 $0x26800, s7;
	s26 =	simm.s32 $0x7D00;
	[dreg:$0x14] =	wrdreg s11  }
0x2d: {  	s9 =	sshrl.u32 s16, $0x3;
	s16 =	simm.s32 $0x14500;
	[dreg:$0x1d] =	wrdreg s26  }
0x2e: {  	s12 =	simm.s32 $0x80;
	s14 =	simm.s32 $0x1E780;
	[smem:$0x7EF] =	sst s16  }
0x2f: {  	s13 =	simm.s32 $0x2;
	s8 =	sadd.s32 s31, s6;
	[smem:$0x7FD] =	sst s14  }
0x30: {  	s19 =	sshrl.u32 s17, $0x3;
	s18 =	sadd.s32 s9, s6;
	[dreg:$0x13] =	wrdreg s8  }
0x31: {  	s23 =	sor.u32 $0x23000, s7;
	s20 =	sadd.s32 s19, s6;
	[dreg:$0x17] =	wrdreg s18  }
0x32: {  	s7 =	sor.u32 $0x21400, s7;
	s31 =	simm.s32 $0xAF00;
	[dreg:$0x18] =	wrdreg s20  }
0x33: {  	s9 =	sshrl.u32 s23, $0x3;
	s11 =	simm.s32 $0x10680;
	[smem:$0x7E4] =	sst s31  }
0x34: {  	s7 =	sshrl.u32 s7, $0x3;
	s23 =	simm.s32 $0x18380;
	[smem:$0x7EB] =	sst s11  }
0x35: {  	s19 =	sshll.u32 s0, $0x1;
	s26 =	simm.s32 $0x19C80;
	[smem:$0x7F5] =	sst s23  }
0x36: {  	s14 =	simm.s32 $0x3;
	s8 =	sadd.s32 s15, s6;
	[smem:$0x7F7] =	sst s26  }
0x37: {  	s16 =	simm.s32 $0x0;
	s24 =	sadd.s32 s9, s6;
	[dreg:$0x16] =	wrdreg s8  }
0x38: {  	s9 =	simm.s32 $0xED80;
	s15 =	ssub.s32 $0x2, s5;
	[dreg:$0x1a] =	wrdreg s24  }
0x39: {  	s18 =	simm.s32 $0x15180;
	s20 =	simm.s32 $0x15E00;
	[smem:$0x7E9] =	sst s9  }
0x3a: {  	s5 =	sor.u32 s5, s19;
	s31 =	simm.s32 $0x1CE80;
	[smem:$0x7F0] =	sst s18  }
0x3b: {  	s11 =	simm.s32 $0x40;
	s8 =	sadd.s32 s22, s6;
	[smem:$0x7F1] =	sst s20  }
0x3c: {  	s6 =	sadd.s32 s7, s6;
	s7 =	simm.s32 $0xD480;
	[smem:$0x7FB] =	sst s31  }
0x3d: {  	s17 =	sshrl.u32 s15, $0x1;
	s5 =	smul.u32 $0xC80, s5;
	[dreg:$0x19] =	wrdreg s8  }
0x3e: {  	s22 =	simm.s32 $0x17700;
	s9 =	simm.s32 $0x12C00;
	[dreg:$0x1b] =	wrdreg s6  }
0x3f: {  	[smem:$0x7E7] =	sst s7;
	s8 =	simm.s32 $0xE100;
	s7 =	ssub.s32 s15, s17  }
0x40: {  	[smem:$0x7F3] =	sst s22;
	s6 =	simm.s32 $0x5;
	s15 =	simm.s32 $0x4  }
0x41: {  	[smem:$0x7E8] =	sst s8;
	s24 =	sadd.s32 s4, s5;
	s5 =	smax.u32 s7, $0x1  }
0x42: {  	s7 =	simm.s32 $0x320;
	s8 =	simm.s32 $0x6400;
	[smem:$0x7F4] =	sst s24  }
.LBB2_1:
0x43: {  	s1 =	sld [smem:$0x7F4];
	_ =	sdelay $0x1  }
0x44: {  	s0 =	simm.s32 $0x0  }
0x45: {  	[tilespmem:s0], [sflag:$0x5] =	stream.linear.gather [hbm4b:s1+s0], $0x6400, $0x38;
	[tilespmem:$0x1F400] =	vst v63  }
0x46: {  	_ =	swait.ge [sflag:s6], $0x6400  }
0x47: {  	p0 =	por $0x1, $0x1;
	[sflag:s6] =	ssyncset.done $0x0  }
0x48: {  	s17 =	simm.s32 @!p0 $0x4;
	[sflag:s6] =	ssyncadd.s32 $0xFFFF9C00  }
0x49: {  	[tilespmem:s8], [sflag:$0x1] =	stream.indirect.gather [hbm4b:s3+s7], $0x40, s0, s7, $0xb8;
	[tilespmem:$0x1F400] =	vst v63  }
0x4a: {  	_ =	swait.ge @!p0 [sflag:s17], $0xC80  }
0x4b: {  	[sflag:s17] =	ssyncset.done @!p0 $0x0  }
0x4c: {  	[sflag:s17] =	ssyncadd.s32 @!p0 $0xFFFFF380  }
0x4d: {  	_ =	swait.ge @!p0 [sflag:s17], $0xC80  }
0x4e: {  	[sflag:s17] =	ssyncset.done @!p0 $0x0  }
0x4f: {  	[sflag:s17] =	ssyncadd.s32 @!p0 $0xFFFFF380  }
0x50: {  	_ =	swait.ge @!p0 [sflag:s17], $0xC80  }
0x51: {  	[sflag:s17] =	ssyncset.done @!p0 $0x0  }
0x52: {  	[sflag:s17] =	ssyncadd.s32 @!p0 $0xFFFFF380  }
0x53: {  	_ =	swait.ge @!p0 [sflag:s17], $0xC80  }
0x54: {  	[sflag:s17] =	ssyncset.done @!p0 $0x0  }
0x55: {  	[sflag:s17] =	ssyncadd.s32 @!p0 $0xFFFFF380  }
0x56: {  	_ =	swait.ge @!p0 [sflag:s17], $0xC80  }
0x57: {  	[sflag:s17] =	ssyncset.done @!p0 $0x0  }
0x58: {  	[sflag:s17] =	ssyncadd.s32 @!p0 $0xFFFFF380  }
0x59: {  	_ =	swait.ge @!p0 [sflag:s17], $0xC80  }
0x5a: {  	[sflag:s17] =	ssyncset.done @!p0 $0x0  }
0x5b: {  	[sflag:s17] =	ssyncadd.s32 @!p0 $0xFFFFF380  }
0x5c: {  	_ =	swait.ge @!p0 [sflag:s17], $0xC80  }
0x5d: {  	[sflag:s17] =	ssyncset.done @!p0 $0x0  }
0x5e: {  	[sflag:s17] =	ssyncadd.s32 @!p0 $0xFFFFF380  }
0x5f: {  	_ =	swait.ge @!p0 [sflag:s17], $0xC80  }
0x60: {  	[sflag:s17] =	ssyncset.done @!p0 $0x0  }
0x61: {  	[sflag:s17] =	ssyncadd.s32 @!p0 $0xFFFFF380  }
0x62: {  	_ =	swait.ge @!p0 [sflag:s17], $0xC80  }
0x63: {  	[sflag:s17] =	ssyncset.done @!p0 $0x0  }
0x64: {  	[sflag:s17] =	ssyncadd.s32 @!p0 $0xFFFFF380  }
0x65: {  	_ =	swait.ge @!p0 [sflag:s17], $0xC80  }
0x66: {  	[sflag:s17] =	ssyncset.done @!p0 $0x0  }
0x67: {  	[sflag:s17] =	ssyncadd.s32 @!p0 $0xFFFFF380  }
0x68: {  	_ =	swait.ge @!p0 [sflag:s17], $0xC80  }
0x69: {  	[sflag:s17] =	ssyncset.done @!p0 $0x0  }
0x6a: {  	[sflag:s17] =	ssyncadd.s32 @!p0 $0xFFFFF380  }
0x6b: {  	_ =	swait.ge @!p0 [sflag:s17], $0xC80  }
0x6c: {  	[sflag:s17] =	ssyncset.done @!p0 $0x0  }
0x6d: {  	[sflag:s17] =	ssyncadd.s32 @!p0 $0xFFFFF380  }
0x6e: {  	_ =	swait.ge @!p0 [sflag:s17], $0xC80  }
0x6f: {  	[sflag:s17] =	ssyncset.done @!p0 $0x0  }
0x70: {  	[sflag:s17] =	ssyncadd.s32 @!p0 $0xFFFFF380  }
0x71: {  	_ =	swait.ge @!p0 [sflag:s17], $0xC80  }
0x72: {  	[sflag:s17] =	ssyncset.done @!p0 $0x0  }
0x73: {  	[sflag:s17] =	ssyncadd.s32 @!p0 $0xFFFFF380  }
0x74: {  	_ =	swait.ge @!p0 [sflag:s17], $0xC80  }
0x75: {  	[sflag:s17] =	ssyncset.done @!p0 $0x0  }
0x76: {  	[sflag:s17] =	ssyncadd.s32 @!p0 $0xFFFFF380  }
0x77: {  	_ =	swait.ge @!p0 [sflag:s17], $0xC80  }
0x78: {  	[sflag:s17] =	ssyncset.done @!p0 $0x0  }
0x79: {  	s2 =	simm.s32 $0x320;
	[sflag:s17] =	ssyncadd.s32 @!p0 $0xFFFFF380  }
0x7a: {  	[tilespmem:s9], [sflag:$0x2] =	stream.indirect.gather [hbm4b:s3+s7], $0x40, s2, s7, $0xb8;
	[tilespmem:$0x1F400] =	vst v63  }
0x7b: {  	_ =	swait.ge [sflag:s10], $0xC800  }
0x7c: {  	s4 =	rddreg [dreg:$0x1d]  }
0x7d: {  	s19 =	rddreg [dreg:$0x1c]  }
0x7e: {  	s20 =	rddreg [dreg:$0x5]  }
0x7f: {  	s21 =	rddreg [dreg:$0xa]  }
0x80: {  	s18 =	rddreg [dreg:$0xe]  }
0x81: {  	s22 =	rddreg [dreg:$0x7]  }
0x82: {  	s23 =	rddreg [dreg:$0xd]  }
0x83: {  	s24 =	rddreg [dreg:$0x9]  }
0x84: {  	s25 =	rddreg [dreg:$0xc]  }
0x85: {  	[sflag:s10] =	ssyncset.done $0x0;
	s28 =	rddreg [dreg:$0x1e]  }
0x86: {  	s30 =	rddreg [dreg:$0x1f];
	[sflag:s10] =	ssyncadd.s32 $0xFFFF3800;
	s18 =	sadd.s32 $0x0, s18  }
0x87: {  	[hbm4b:s18+s11] =	stream.strided.scatter [tilespmem:s8], [sflag:$0x3], $0xC80, s12, s11, $0x38;
	[tilespmem:$0x1F400] =	vst v63  }
0x88: {  	s0 =	sld [smem:$0x7E3];
	s26 =	sadd.s32 $0x380, s18  }
0x89: {  	[hbm4b:s26+s11] =	stream.strided.scatter [tilespmem:s19], [sflag:$0x3], $0xC80, s12, s11, $0x38;
	[tilespmem:$0x1F400] =	vst v63  }
0x8a: {  	s2 =	sld [smem:$0x7E4];
	s29 =	sadd.s32 $0x700, s18  }
0x8b: {  	[hbm4b:s29+s11] =	stream.strided.scatter [tilespmem:s4], [sflag:$0x3], $0xC80, s12, s11, $0x38;
	[tilespmem:$0x1F400] =	vst v63  }
0x8c: {  	s4 =	rddreg [dreg:$0xb]  }
0x8d: {  	s31 =	sadd.s32 $0xA80, s18;
	s29 =	sadd.s32 $0x0, s25;
	s25 =	sld [smem:$0x7E9]  }
0x8e: {  	[hbm4b:s31+s11] =	stream.strided.scatter [tilespmem:s28], [sflag:$0x3], $0xC80, s12, s11, $0x38;
	[tilespmem:$0x1F400] =	vst v63  }
0x8f: {  	s28 =	sld [smem:$0x7E5]  }
0x90: {  	s1 =	sadd.s32 $0xE00, s18;
	s31 =	rddreg [dreg:$0x8]  }
0x91: {  	[hbm4b:s1+s11] =	stream.strided.scatter [tilespmem:s30], [sflag:$0x3], $0xC80, s12, s11, $0x38;
	[tilespmem:$0x1F400] =	vst v63  }
0x92: {  	s23 =	sadd.s32 $0x0, s23;
	s17 =	sadd.s32 $0x0, s31;
	s31 =	sld [smem:$0x7EB]  }
0x93: {  	[hbm4b:s23+s11] =	stream.strided.scatter [tilespmem:s0], [sflag:$0x3], $0xC80, s12, s11, $0x38;
	[tilespmem:$0x1F400] =	vst v63  }
0x94: {  	s30 =	sld [smem:$0x7E6]  }
0x95: {  	[hbm4b:s29+s11] =	stream.strided.scatter [tilespmem:s2], [sflag:$0x3], $0xC80, s12, s11, $0x38;
	[tilespmem:$0x1F400] =	vst v63  }
0x96: {  	s1 =	sld [smem:$0x7E7];
	s0 =	sadd.s32 $0x0, s4  }
0x97: {  	[hbm4b:s0+s11] =	stream.strided.scatter [tilespmem:s28], [sflag:$0x3], $0xC80, s12, s11, $0x38;
	[tilespmem:$0x1F400] =	vst v63  }
0x98: {  	s21 =	sadd.s32 $0x0, s21;
	s4 =	rddreg [dreg:$0x6]  }
0x99: {  	[hbm4b:s21+s11] =	stream.strided.scatter [tilespmem:s30], [sflag:$0x3], $0xC80, s12, s11, $0x38;
	[tilespmem:$0x1F400] =	vst v63  }
0x9a: {  	s24 =	sadd.s32 $0x0, s24;
	s2 =	sld [smem:$0x7E8]  }
0x9b: {  	[hbm4b:s24+s11] =	stream.strided.scatter [tilespmem:s1], [sflag:$0x3], $0xC80, s12, s11, $0x38;
	[tilespmem:$0x1F400] =	vst v63  }
0x9c: {  	s23 =	sld [smem:$0x7ED]  }
0x9d: {  	[hbm4b:s17+s11] =	stream.strided.scatter [tilespmem:s2], [sflag:$0x3], $0xC80, s12, s11, $0x38;
	[tilespmem:$0x1F400] =	vst v63  }
0x9e: {  	s28 =	sld [smem:$0x7EA];
	s30 =	sadd.s32 $0x0, s22  }
0x9f: {  	[hbm4b:s30+s11] =	stream.strided.scatter [tilespmem:s25], [sflag:$0x3], $0xC80, s12, s11, $0x38;
	[tilespmem:$0x1F400] =	vst v63  }
0xa0: {  	s29 =	rddreg [dreg:$0x4];
	s0 =	sadd.s32 $0x0, s4  }
0xa1: {  	[hbm4b:s0+s11] =	stream.strided.scatter [tilespmem:s28], [sflag:$0x3], $0xC80, s12, s11, $0x38;
	[tilespmem:$0x1F400] =	vst v63  }
0xa2: {  	s1 =	sld [smem:$0x7EC];
	s2 =	sadd.s32 $0x0, s20  }
0xa3: {  	[hbm4b:s2+s11] =	stream.strided.scatter [tilespmem:s31], [sflag:$0x3], $0xC80, s12, s11, $0x38;
	[tilespmem:$0x1F400] =	vst v63  }
0xa4: {  	p0 =	por $0x0, $0x0;
	s4 =	rddreg [dreg:$0x3];
	s22 =	sadd.s32 $0x0, s29  }
0xa5: {  	[hbm4b:s22+s11] =	stream.strided.scatter [tilespmem:s1], [sflag:$0x3], $0xC80, s12, s11, $0x38;
	[tilespmem:$0x1F400] =	vst v63  }
0xa6: {  	s19 =	simm.s32 @!p0 $0x3;
	s24 =	sadd.s32 $0x0, s4  }
0xa7: {  	[hbm4b:s24+s11] =	stream.strided.scatter [tilespmem:s23], [sflag:$0x3], $0xC80, s12, s11, $0x38;
	[tilespmem:$0x1F400] =	vst v63  }
0xa8: {  	_ =	swait.ge @!p0 [sflag:s19], $0xC80  }
0xa9: {  	[sflag:s19] =	ssyncset.done @!p0 $0x0  }
0xaa: {  	[sflag:s19] =	ssyncadd.s32 @!p0 $0xFFFFF380  }
0xab: {  	_ =	swait.ge @!p0 [sflag:s19], $0xC80  }
0xac: {  	[sflag:s19] =	ssyncset.done @!p0 $0x0  }
0xad: {  	[sflag:s19] =	ssyncadd.s32 @!p0 $0xFFFFF380  }
0xae: {  	_ =	swait.ge @!p0 [sflag:s19], $0xC80  }
0xaf: {  	[sflag:s19] =	ssyncset.done @!p0 $0x0  }
0xb0: {  	[sflag:s19] =	ssyncadd.s32 @!p0 $0xFFFFF380  }
0xb1: {  	_ =	swait.ge @!p0 [sflag:s19], $0xC80  }
0xb2: {  	[sflag:s19] =	ssyncset.done @!p0 $0x0  }
0xb3: {  	[sflag:s19] =	ssyncadd.s32 @!p0 $0xFFFFF380  }
0xb4: {  	_ =	swait.ge @!p0 [sflag:s19], $0xC80  }
0xb5: {  	[sflag:s19] =	ssyncset.done @!p0 $0x0  }
0xb6: {  	[sflag:s19] =	ssyncadd.s32 @!p0 $0xFFFFF380  }
0xb7: {  	_ =	swait.ge @!p0 [sflag:s19], $0xC80  }
0xb8: {  	[sflag:s19] =	ssyncset.done @!p0 $0x0  }
0xb9: {  	[sflag:s19] =	ssyncadd.s32 @!p0 $0xFFFFF380  }
0xba: {  	_ =	swait.ge @!p0 [sflag:s19], $0xC80  }
0xbb: {  	[sflag:s19] =	ssyncset.done @!p0 $0x0  }
0xbc: {  	[sflag:s19] =	ssyncadd.s32 @!p0 $0xFFFFF380  }
0xbd: {  	_ =	swait.ge @!p0 [sflag:s19], $0xC80  }
0xbe: {  	[sflag:s19] =	ssyncset.done @!p0 $0x0  }
0xbf: {  	[sflag:s19] =	ssyncadd.s32 @!p0 $0xFFFFF380  }
0xc0: {  	_ =	swait.ge @!p0 [sflag:s19], $0xC80  }
0xc1: {  	[sflag:s19] =	ssyncset.done @!p0 $0x0  }
0xc2: {  	[sflag:s19] =	ssyncadd.s32 @!p0 $0xFFFFF380  }
0xc3: {  	_ =	swait.ge @!p0 [sflag:s19], $0xC80  }
0xc4: {  	[sflag:s19] =	ssyncset.done @!p0 $0x0  }
0xc5: {  	[sflag:s19] =	ssyncadd.s32 @!p0 $0xFFFFF380  }
0xc6: {  	_ =	swait.ge @!p0 [sflag:s19], $0xC80  }
0xc7: {  	[sflag:s19] =	ssyncset.done @!p0 $0x0  }
0xc8: {  	[sflag:s19] =	ssyncadd.s32 @!p0 $0xFFFFF380  }
0xc9: {  	_ =	swait.ge @!p0 [sflag:s19], $0xC80  }
0xca: {  	[sflag:s19] =	ssyncset.done @!p0 $0x0  }
0xcb: {  	[sflag:s19] =	ssyncadd.s32 @!p0 $0xFFFFF380  }
0xcc: {  	_ =	swait.ge @!p0 [sflag:s19], $0xC80  }
0xcd: {  	[sflag:s19] =	ssyncset.done @!p0 $0x0  }
0xce: {  	[sflag:s19] =	ssyncadd.s32 @!p0 $0xFFFFF380  }
0xcf: {  	_ =	swait.ge @!p0 [sflag:s19], $0xC80  }
0xd0: {  	[sflag:s19] =	ssyncset.done @!p0 $0x0  }
0xd1: {  	[sflag:s19] =	ssyncadd.s32 @!p0 $0xFFFFF380  }
0xd2: {  	_ =	swait.ge @!p0 [sflag:s19], $0xC80  }
0xd3: {  	[sflag:s19] =	ssyncset.done @!p0 $0x0  }
0xd4: {  	[sflag:s19] =	ssyncadd.s32 @!p0 $0xFFFFF380  }
0xd5: {  	_ =	swait.ge @!p0 [sflag:s19], $0xC80  }
0xd6: {  	s17 =	simm.s32 $0x640;
	[sflag:s19] =	ssyncset.done @!p0 $0x0  }
0xd7: {  	s20 =	simm.s32 @!p0 $0x6400;
	[sflag:s19] =	ssyncadd.s32 @!p0 $0xFFFFF380;
	s19 =	simm.s32 @!p0 $0x320  }
0xd8: {  	[tilespmem:s20], [sflag:$0x1] =	stream.indirect.gather @!p0 [hbm4b:s3+s19], $0x40, s17, s19, $0xb8;
	[tilespmem:$0x1F400] =	vst v63  }
0xd9: {  	_ =	swait.ge [sflag:s13], $0xC800  }
0xda: {  	s25 =	rddreg [dreg:$0x1a]  }
0xdb: {  	s22 =	rddreg [dreg:$0x19]  }
0xdc: {  	s0 =	sld [smem:$0x7EE]  }
0xdd: {  	s2 =	sld [smem:$0x7EF]  }
0xde: {  	s20 =	rddreg [dreg:$0x18]  }
0xdf: {  	s4 =	sld [smem:$0x7F1]  }
0xe0: {  	s21 =	rddreg [dreg:$0x17]  }
0xe1: {  	s29 =	rddreg [dreg:$0x1b]  }
0xe2: {  	[sflag:s13] =	ssyncset.done $0x0;
	s30 =	sld [smem:$0x7F0]  }
0xe3: {  	s31 =	sadd.s32 $0x3800, s18;
	s28 =	sld [smem:$0x7F2];
	[sflag:s13] =	ssyncadd.s32 $0xFFFF3800  }
0xe4: {  	[hbm4b:s31+s11] =	stream.strided.scatter [tilespmem:s9], [sflag:$0x4], $0xC80, s12, s11, $0x38;
	[tilespmem:$0x1F400] =	vst v63  }
0xe5: {  	s1 =	sadd.s32 $0x3B80, s18;
	s26 =	rddreg [dreg:$0x16]  }
0xe6: {  	[hbm4b:s1+s11] =	stream.strided.scatter [tilespmem:s0], [sflag:$0x4], $0xC80, s12, s11, $0x38;
	[tilespmem:$0x1F400] =	vst v63  }
0xe7: {  	s18 =	sadd.s32 $0x3F00, s18;
	s24 =	rddreg [dreg:$0x14]  }
0xe8: {  	[hbm4b:s18+s11] =	stream.strided.scatter [tilespmem:s2], [sflag:$0x4], $0xC80, s12, s11, $0x38;
	[tilespmem:$0x1F400] =	vst v63  }
0xe9: {  	s23 =	sadd.s32 $0x0, s29;
	s19 =	sadd.s32 $0x0, s25;
	s25 =	rddreg [dreg:$0x15]  }
0xea: {  	[hbm4b:s23+s11] =	stream.strided.scatter [tilespmem:s30], [sflag:$0x4], $0xC80, s12, s11, $0x38;
	[tilespmem:$0x1F400] =	vst v63  }
0xeb: {  	s31 =	sadd.s32 $0x0, s22;
	s22 =	rddreg [dreg:$0x12]  }
0xec: {  	[hbm4b:s19+s11] =	stream.strided.scatter [tilespmem:s4], [sflag:$0x4], $0xC80, s12, s11, $0x38;
	[tilespmem:$0x1F400] =	vst v63  }
0xed: {  	s18 =	simm.s32 $0x0;
	s23 =	rddreg [dreg:$0x13];
	s19 =	simm.s32 $0x7000  }
0xee: {  	[hbm4b:s31+s11] =	stream.strided.scatter [tilespmem:s28], [sflag:$0x4], $0xC80, s12, s11, $0x38;
	[tilespmem:$0x1F400] =	vst v63  }
.LBB2_2:
0xef: {  	s28 =	rddreg [dreg:$0x11]  }
0xf0: {  	s30 =	rddreg [dreg:$0x10]  }
0xf1: {  	s31 =	sld [smem:$0x7F3]  }
0xf2: {  	s1 =	rddreg [dreg:$0xf]  }
0xf3: {  	s20 =	sadd.s32 s18, s20;
	s0 =	sld [smem:$0x7F5]  }
0xf4: {  	[hbm4b:s20+s11] =	stream.strided.scatter [tilespmem:s31], [sflag:$0x4], $0xC80, s12, s11, $0x38;
	[tilespmem:$0x1F400] =	vst v63  }
0xf5: {  	s21 =	sadd.s32 s18, s21;
	s31 =	sld [smem:$0x7F6]  }
0xf6: {  	[hbm4b:s21+s11] =	stream.strided.scatter [tilespmem:s0], [sflag:$0x4], $0xC80, s12, s11, $0x38;
	[tilespmem:$0x1F400] =	vst v63  }
0xf7: {  	s2 =	sadd.s32 s18, s26;
	s4 =	sld [smem:$0x7F7]  }
0xf8: {  	[hbm4b:s2+s11] =	stream.strided.scatter [tilespmem:s31], [sflag:$0x4], $0xC80, s12, s11, $0x38;
	[tilespmem:$0x1F400] =	vst v63  }
0xf9: {  	s21 =	sadd.s32 s18, s25;
	s25 =	sld [smem:$0x7F8]  }
0xfa: {  	[hbm4b:s21+s11] =	stream.strided.scatter [tilespmem:s4], [sflag:$0x4], $0xC80, s12, s11, $0x38;
	[tilespmem:$0x1F400] =	vst v63  }
0xfb: {  	s26 =	sadd.s32 s18, s24;
	s31 =	sld [smem:$0x7F9]  }
0xfc: {  	[hbm4b:s26+s11] =	stream.strided.scatter [tilespmem:s25], [sflag:$0x4], $0xC80, s12, s11, $0x38;
	[tilespmem:$0x1F400] =	vst v63  }
0xfd: {  	s2 =	sadd.s32 s18, s23;
	s4 =	sld [smem:$0x7FA]  }
0xfe: {  	[hbm4b:s2+s11] =	stream.strided.scatter [tilespmem:s31], [sflag:$0x4], $0xC80, s12, s11, $0x38;
	[tilespmem:$0x1F400] =	vst v63  }
0xff: {  	s24 =	sld [smem:$0x7FB];
	s23 =	sadd.s32 s18, s22  }
0x100: {  	[hbm4b:s23+s11] =	stream.strided.scatter [tilespmem:s4], [sflag:$0x4], $0xC80, s12, s11, $0x38;
	[tilespmem:$0x1F400] =	vst v63  }
0x101: {  	s29 =	smov.u32 s19;
	s25 =	sadd.s32 s18, s28;
	s26 =	sld [smem:$0x7FC]  }
0x102: {  	[hbm4b:s25+s11] =	stream.strided.scatter [tilespmem:s24], [sflag:$0x4], $0xC80, s12, s11, $0x38;
	[tilespmem:$0x1F400] =	vst v63  }
0x103: {  	p1 =	seq.s32 s29, $0x0;
	s28 =	sadd.s32 s18, s30;
	s30 =	sld [smem:$0x7FD]  }
0x104: {  	[hbm4b:s28+s11] =	stream.strided.scatter [tilespmem:s26], [sflag:$0x4], $0xC80, s12, s11, $0x38;
	[tilespmem:$0x1F400] =	vst v63  }
0x105: {  	s20 =	simm.s32 @!p1 $0x4;
	s31 =	sadd.s32 s18, s1  }
0x106: {  	[hbm4b:s31+s11] =	stream.strided.scatter [tilespmem:s30], [sflag:$0x4], $0xC80, s12, s11, $0x38;
	[tilespmem:$0x1F400] =	vst v63  }
0x107: {  	_ =	swait.ge @!p1 [sflag:s20], $0xC80  }
0x108: {  	[sflag:s20] =	ssyncset.done @!p1 $0x0  }
0x109: {  	[sflag:s20] =	ssyncadd.s32 @!p1 $0xFFFFF380  }
0x10a: {  	_ =	swait.ge @!p1 [sflag:s20], $0xC80  }
0x10b: {  	[sflag:s20] =	ssyncset.done @!p1 $0x0  }
0x10c: {  	[sflag:s20] =	ssyncadd.s32 @!p1 $0xFFFFF380  }
0x10d: {  	_ =	swait.ge @!p1 [sflag:s20], $0xC80  }
0x10e: {  	[sflag:s20] =	ssyncset.done @!p1 $0x0  }
0x10f: {  	[sflag:s20] =	ssyncadd.s32 @!p1 $0xFFFFF380  }
0x110: {  	_ =	swait.ge @!p1 [sflag:s20], $0xC80  }
0x111: {  	[sflag:s20] =	ssyncset.done @!p1 $0x0  }
0x112: {  	[sflag:s20] =	ssyncadd.s32 @!p1 $0xFFFFF380  }
0x113: {  	_ =	swait.ge @!p1 [sflag:s20], $0xC80  }
0x114: {  	[sflag:s20] =	ssyncset.done @!p1 $0x0  }
0x115: {  	[sflag:s20] =	ssyncadd.s32 @!p1 $0xFFFFF380  }
0x116: {  	_ =	swait.ge @!p1 [sflag:s20], $0xC80  }
0x117: {  	[sflag:s20] =	ssyncset.done @!p1 $0x0  }
0x118: {  	[sflag:s20] =	ssyncadd.s32 @!p1 $0xFFFFF380  }
0x119: {  	_ =	swait.ge @!p1 [sflag:s20], $0xC80  }
0x11a: {  	[sflag:s20] =	ssyncset.done @!p1 $0x0  }
0x11b: {  	[sflag:s20] =	ssyncadd.s32 @!p1 $0xFFFFF380  }
0x11c: {  	_ =	swait.ge @!p1 [sflag:s20], $0xC80  }
0x11d: {  	[sflag:s20] =	ssyncset.done @!p1 $0x0  }
0x11e: {  	[sflag:s20] =	ssyncadd.s32 @!p1 $0xFFFFF380  }
0x11f: {  	_ =	swait.ge @!p1 [sflag:s20], $0xC80  }
0x120: {  	[sflag:s20] =	ssyncset.done @!p1 $0x0  }
0x121: {  	[sflag:s20] =	ssyncadd.s32 @!p1 $0xFFFFF380  }
0x122: {  	_ =	swait.ge @!p1 [sflag:s20], $0xC80  }
0x123: {  	[sflag:s20] =	ssyncset.done @!p1 $0x0  }
0x124: {  	[sflag:s20] =	ssyncadd.s32 @!p1 $0xFFFFF380  }
0x125: {  	_ =	swait.ge @!p1 [sflag:s20], $0xC80  }
0x126: {  	[sflag:s20] =	ssyncset.done @!p1 $0x0  }
0x127: {  	[sflag:s20] =	ssyncadd.s32 @!p1 $0xFFFFF380  }
0x128: {  	_ =	swait.ge @!p1 [sflag:s20], $0xC80  }
0x129: {  	[sflag:s20] =	ssyncset.done @!p1 $0x0  }
0x12a: {  	[sflag:s20] =	ssyncadd.s32 @!p1 $0xFFFFF380  }
0x12b: {  	_ =	swait.ge @!p1 [sflag:s20], $0xC80  }
0x12c: {  	[sflag:s20] =	ssyncset.done @!p1 $0x0  }
0x12d: {  	[sflag:s20] =	ssyncadd.s32 @!p1 $0xFFFFF380  }
0x12e: {  	_ =	swait.ge @!p1 [sflag:s20], $0xC80  }
0x12f: {  	[sflag:s20] =	ssyncset.done @!p1 $0x0  }
0x130: {  	[sflag:s20] =	ssyncadd.s32 @!p1 $0xFFFFF380  }
0x131: {  	_ =	swait.ge @!p1 [sflag:s20], $0xC80  }
0x132: {  	[sflag:s20] =	ssyncset.done @!p1 $0x0  }
0x133: {  	[sflag:s20] =	ssyncadd.s32 @!p1 $0xFFFFF380  }
0x134: {  	_ =	swait.ge @!p1 [sflag:s20], $0xC80  }
0x135: {  	s17 =	sadd.s32 $0x640, s17;
	[sflag:s20] =	ssyncset.done @!p1 $0x0  }
0x136: {  	s1 =	sadd.s32 $0xFFFFFCE0, s17;
	[sflag:s20] =	ssyncadd.s32 @!p1 $0xFFFFF380  }
0x137: {  	[tilespmem:s9], [sflag:$0x2] =	stream.indirect.gather [hbm4b:s3+s7], $0x40, s1, s7, $0xb8;
	[tilespmem:$0x1F400] =	vst v63  }
0x138: {  	_ =	swait.ge [sflag:s10], $0xC800  }
0x139: {  	s0 =	rddreg [dreg:$0x1d]  }
0x13a: {  	s1 =	rddreg [dreg:$0x1c]  }
0x13b: {  	s21 =	rddreg [dreg:$0x5]  }
0x13c: {  	s23 =	rddreg [dreg:$0xa]  }
0x13d: {  	s22 =	rddreg [dreg:$0x7]  }
0x13e: {  	s2 =	rddreg [dreg:$0xd]  }
0x13f: {  	s25 =	rddreg [dreg:$0x9]  }
0x140: {  	s26 =	rddreg [dreg:$0xc]  }
0x141: {  	s4 =	rddreg [dreg:$0xe]  }
0x142: {  	s28 =	rddreg [dreg:$0x1e]  }
0x143: {  	s18 =	smov.u32 s29;
	s29 =	sld [smem:$0x7E3]  }
0x144: {  	[sflag:s10] =	ssyncset.done $0x0;
	s30 =	rddreg [dreg:$0x1f]  }
0x145: {  	s31 =	sld [smem:$0x7E4];
	[sflag:s10] =	ssyncadd.s32 $0xFFFF3800;
	s20 =	sadd.s32 s18, s4  }
0x146: {  	[hbm4b:s20+s11] =	stream.strided.scatter [tilespmem:s8], [sflag:$0x3], $0xC80, s12, s11, $0x38;
	[tilespmem:$0x1F400] =	vst v63  }
0x147: {  	s24 =	sadd.s32 s18, s2;
	s4 =	rddreg [dreg:$0xb];
	s2 =	sadd.s32 $0x380, s20  }
0x148: {  	[hbm4b:s2+s11] =	stream.strided.scatter [tilespmem:s1], [sflag:$0x3], $0xC80, s12, s11, $0x38;
	[tilespmem:$0x1F400] =	vst v63  }
0x149: {  	s1 =	sadd.s32 $0x700, s20;
	s2 =	sld [smem:$0x7E5]  }
0x14a: {  	[hbm4b:s1+s11] =	stream.strided.scatter [tilespmem:s0], [sflag:$0x3], $0xC80, s12, s11, $0x38;
	[tilespmem:$0x1F400] =	vst v63  }
0x14b: {  	s0 =	sadd.s32 $0xA80, s20;
	s1 =	sadd.s32 s18, s4;
	s4 =	sld [smem:$0x7E6]  }
0x14c: {  	[hbm4b:s0+s11] =	stream.strided.scatter [tilespmem:s28], [sflag:$0x3], $0xC80, s12, s11, $0x38;
	[tilespmem:$0x1F400] =	vst v63  }
0x14d: {  	s0 =	sadd.s32 $0xE00, s20;
	s28 =	rddreg [dreg:$0x8]  }
0x14e: {  	[hbm4b:s0+s11] =	stream.strided.scatter [tilespmem:s30], [sflag:$0x3], $0xC80, s12, s11, $0x38;
	[tilespmem:$0x1F400] =	vst v63  }
0x14f: {  	s0 =	sld [smem:$0x7E7]  }
0x150: {  	[hbm4b:s24+s11] =	stream.strided.scatter [tilespmem:s29], [sflag:$0x3], $0xC80, s12, s11, $0x38;
	[tilespmem:$0x1F400] =	vst v63  }
0x151: {  	s26 =	sadd.s32 s18, s26;
	s30 =	sadd.s32 s18, s25;
	s25 =	sld [smem:$0x7E8]  }
0x152: {  	[hbm4b:s26+s11] =	stream.strided.scatter [tilespmem:s31], [sflag:$0x3], $0xC80, s12, s11, $0x38;
	[tilespmem:$0x1F400] =	vst v63  }
0x153: {  	s24 =	sld [smem:$0x7EC]  }
0x154: {  	[hbm4b:s1+s11] =	stream.strided.scatter [tilespmem:s2], [sflag:$0x3], $0xC80, s12, s11, $0x38;
	[tilespmem:$0x1F400] =	vst v63  }
0x155: {  	s23 =	sadd.s32 s18, s23;
	s31 =	rddreg [dreg:$0x6]  }
0x156: {  	[hbm4b:s23+s11] =	stream.strided.scatter [tilespmem:s4], [sflag:$0x3], $0xC80, s12, s11, $0x38;
	[tilespmem:$0x1F400] =	vst v63  }
0x157: {  	s26 =	sadd.s32 s18, s28;
	s28 =	sld [smem:$0x7ED]  }
0x158: {  	[hbm4b:s30+s11] =	stream.strided.scatter [tilespmem:s0], [sflag:$0x3], $0xC80, s12, s11, $0x38;
	[tilespmem:$0x1F400] =	vst v63  }
0x159: {  	s2 =	sld [smem:$0x7E9]  }
0x15a: {  	[hbm4b:s26+s11] =	stream.strided.scatter [tilespmem:s25], [sflag:$0x3], $0xC80, s12, s11, $0x38;
	[tilespmem:$0x1F400] =	vst v63  }
0x15b: {  	s22 =	sadd.s32 s18, s22;
	s23 =	sld [smem:$0x7EA]  }
0x15c: {  	[hbm4b:s22+s11] =	stream.strided.scatter [tilespmem:s2], [sflag:$0x3], $0xC80, s12, s11, $0x38;
	[tilespmem:$0x1F400] =	vst v63  }
0x15d: {  	s29 =	sadd.s32 s18, s31;
	s31 =	sld [smem:$0x7EB]  }
0x15e: {  	[hbm4b:s29+s11] =	stream.strided.scatter [tilespmem:s23], [sflag:$0x3], $0xC80, s12, s11, $0x38;
	[tilespmem:$0x1F400] =	vst v63  }
0x15f: {  	s21 =	sadd.s32 s18, s21;
	s30 =	rddreg [dreg:$0x4]  }
0x160: {  	[hbm4b:s21+s11] =	stream.strided.scatter [tilespmem:s31], [sflag:$0x3], $0xC80, s12, s11, $0x38;
	[tilespmem:$0x1F400] =	vst v63  }
0x161: {  	p1 =	seq.s32 s18, $0x69000;
	s25 =	sadd.s32 s18, s30;
	s26 =	rddreg [dreg:$0x3]  }
0x162: {  	[hbm4b:s25+s11] =	stream.strided.scatter [tilespmem:s24], [sflag:$0x3], $0xC80, s12, s11, $0x38;
	[tilespmem:$0x1F400] =	vst v63  }
0x163: {  	s29 =	sadd.s32 s18, s26;
	s21 =	simm.s32 @!p1 $0x3  }
0x164: {  	[hbm4b:s29+s11] =	stream.strided.scatter [tilespmem:s28], [sflag:$0x3], $0xC80, s12, s11, $0x38;
	[tilespmem:$0x1F400] =	vst v63  }
0x165: {  	_ =	swait.ge @!p1 [sflag:s21], $0xC80  }
0x166: {  	[sflag:s21] =	ssyncset.done @!p1 $0x0  }
0x167: {  	[sflag:s21] =	ssyncadd.s32 @!p1 $0xFFFFF380  }
0x168: {  	_ =	swait.ge @!p1 [sflag:s21], $0xC80  }
0x169: {  	[sflag:s21] =	ssyncset.done @!p1 $0x0  }
0x16a: {  	[sflag:s21] =	ssyncadd.s32 @!p1 $0xFFFFF380  }
0x16b: {  	_ =	swait.ge @!p1 [sflag:s21], $0xC80  }
0x16c: {  	[sflag:s21] =	ssyncset.done @!p1 $0x0  }
0x16d: {  	[sflag:s21] =	ssyncadd.s32 @!p1 $0xFFFFF380  }
0x16e: {  	_ =	swait.ge @!p1 [sflag:s21], $0xC80  }
0x16f: {  	[sflag:s21] =	ssyncset.done @!p1 $0x0  }
0x170: {  	[sflag:s21] =	ssyncadd.s32 @!p1 $0xFFFFF380  }
0x171: {  	_ =	swait.ge @!p1 [sflag:s21], $0xC80  }
0x172: {  	[sflag:s21] =	ssyncset.done @!p1 $0x0  }
0x173: {  	[sflag:s21] =	ssyncadd.s32 @!p1 $0xFFFFF380  }
0x174: {  	_ =	swait.ge @!p1 [sflag:s21], $0xC80  }
0x175: {  	[sflag:s21] =	ssyncset.done @!p1 $0x0  }
0x176: {  	[sflag:s21] =	ssyncadd.s32 @!p1 $0xFFFFF380  }
0x177: {  	_ =	swait.ge @!p1 [sflag:s21], $0xC80  }
0x178: {  	[sflag:s21] =	ssyncset.done @!p1 $0x0  }
0x179: {  	[sflag:s21] =	ssyncadd.s32 @!p1 $0xFFFFF380  }
0x17a: {  	_ =	swait.ge @!p1 [sflag:s21], $0xC80  }
0x17b: {  	[sflag:s21] =	ssyncset.done @!p1 $0x0  }
0x17c: {  	[sflag:s21] =	ssyncadd.s32 @!p1 $0xFFFFF380  }
0x17d: {  	_ =	swait.ge @!p1 [sflag:s21], $0xC80  }
0x17e: {  	[sflag:s21] =	ssyncset.done @!p1 $0x0  }
0x17f: {  	[sflag:s21] =	ssyncadd.s32 @!p1 $0xFFFFF380  }
0x180: {  	_ =	swait.ge @!p1 [sflag:s21], $0xC80  }
0x181: {  	[sflag:s21] =	ssyncset.done @!p1 $0x0  }
0x182: {  	[sflag:s21] =	ssyncadd.s32 @!p1 $0xFFFFF380  }
0x183: {  	_ =	swait.ge @!p1 [sflag:s21], $0xC80  }
0x184: {  	[sflag:s21] =	ssyncset.done @!p1 $0x0  }
0x185: {  	[sflag:s21] =	ssyncadd.s32 @!p1 $0xFFFFF380  }
0x186: {  	_ =	swait.ge @!p1 [sflag:s21], $0xC80  }
0x187: {  	[sflag:s21] =	ssyncset.done @!p1 $0x0  }
0x188: {  	[sflag:s21] =	ssyncadd.s32 @!p1 $0xFFFFF380  }
0x189: {  	_ =	swait.ge @!p1 [sflag:s21], $0xC80  }
0x18a: {  	[sflag:s21] =	ssyncset.done @!p1 $0x0  }
0x18b: {  	[sflag:s21] =	ssyncadd.s32 @!p1 $0xFFFFF380  }
0x18c: {  	_ =	swait.ge @!p1 [sflag:s21], $0xC80  }
0x18d: {  	[sflag:s21] =	ssyncset.done @!p1 $0x0  }
0x18e: {  	[sflag:s21] =	ssyncadd.s32 @!p1 $0xFFFFF380  }
0x18f: {  	_ =	swait.ge @!p1 [sflag:s21], $0xC80  }
0x190: {  	[sflag:s21] =	ssyncset.done @!p1 $0x0  }
0x191: {  	[sflag:s21] =	ssyncadd.s32 @!p1 $0xFFFFF380  }
0x192: {  	_ =	swait.ge @!p1 [sflag:s21], $0xC80  }
0x193: {  	[sflag:s21] =	ssyncset.done @!p1 $0x0  }
0x194: {  	s1 =	simm.s32 @!p1 $0x6400;
	s0 =	simm.s32 @!p1 $0x320;
	[sflag:s21] =	ssyncadd.s32 @!p1 $0xFFFFF380  }
0x195: {  	[tilespmem:s1], [sflag:$0x1] =	stream.indirect.gather @!p1 [hbm4b:s3+s0], $0x40, s17, s0, $0xb8;
	[tilespmem:$0x1F400] =	vst v63  }
0x196: {  	_ =	swait.ge [sflag:s13], $0xC800  }
0x197: {  	s31 =	rddreg [dreg:$0x1a]  }
0x198: {  	s2 =	rddreg [dreg:$0x19]  }
0x199: {  	s24 =	sld [smem:$0x7EE]  }
0x19a: {  	s30 =	sadd.s32 $0x3800, s20;
	s26 =	sld [smem:$0x7EF]  }
0x19b: {  	s23 =	sadd.s32 $0x3B80, s20;
	s25 =	sadd.s32 $0x3F00, s20;
	s20 =	rddreg [dreg:$0x18]  }
0x19c: {  	s28 =	sld [smem:$0x7F1]  }
0x19d: {  	s21 =	rddreg [dreg:$0x17]  }
0x19e: {  	[sflag:s13] =	ssyncset.done $0x0;
	s29 =	sld [smem:$0x7F2]  }
0x19f: {  	[sflag:s13] =	ssyncadd.s32 $0xFFFF3800;
	s1 =	sadd.s32 s18, s31;
	s31 =	sld [smem:$0x7F0]  }
0x1a0: {  	[hbm4b:s30+s11] =	stream.strided.scatter [tilespmem:s9], [sflag:$0x4], $0xC80, s12, s11, $0x38;
	[tilespmem:$0x1F400] =	vst v63  }
0x1a1: {  	s30 =	rddreg [dreg:$0x1b]  }
0x1a2: {  	[hbm4b:s23+s11] =	stream.strided.scatter [tilespmem:s24], [sflag:$0x4], $0xC80, s12, s11, $0x38;
	[tilespmem:$0x1F400] =	vst v63  }
0x1a3: {  	s19 =	sadd.s32 $0x7000, s19;
	s24 =	rddreg [dreg:$0x14]  }
0x1a4: {  	[hbm4b:s25+s11] =	stream.strided.scatter [tilespmem:s26], [sflag:$0x4], $0xC80, s12, s11, $0x38;
	[tilespmem:$0x1F400] =	vst v63  }
0x1a5: {  	p0 =	sne.s32 s19, $0x70000;
	s22 =	sadd.s32 s18, s30;
	s23 =	rddreg [dreg:$0x13]  }
0x1a6: {  	[hbm4b:s22+s11] =	stream.strided.scatter [tilespmem:s31], [sflag:$0x4], $0xC80, s12, s11, $0x38;
	[tilespmem:$0x1F400] =	vst v63  }
.Ltmp0:
0x1a7: {  	s26 =	rddreg [dreg:$0x16];
	(pc) =	sbr.rel @p0 .LBB2_2-.Ltmp0, $4  }
0x1a8: {  	s25 =	rddreg [dreg:$0x15]  }
0x1a9: {  	[hbm4b:s1+s11] =	stream.strided.scatter [tilespmem:s28], [sflag:$0x4], $0xC80, s12, s11, $0x38;
	[tilespmem:$0x1F400] =	vst v63  }
0x1aa: {  	s2 =	sadd.s32 s18, s2;
	s22 =	rddreg [dreg:$0x12]  }
0x1ab: {  	[hbm4b:s2+s11] =	stream.strided.scatter [tilespmem:s29], [sflag:$0x4], $0xC80, s12, s11, $0x38;
	[tilespmem:$0x1F400] =	vst v63  }
0x1ac: {  	s0 =	rddreg [dreg:$0x11]  }
0x1ad: {  	s1 =	rddreg [dreg:$0x10]  }
0x1ae: {  	s2 =	sld [smem:$0x7F3]  }
0x1af: {  	s4 =	rddreg [dreg:$0xf]  }
0x1b0: {  	s17 =	sadd.s32 s18, s20;
	s19 =	sld [smem:$0x7F5]  }
0x1b1: {  	[hbm4b:s17+s11] =	stream.strided.scatter [tilespmem:s2], [sflag:$0x4], $0xC80, s12, s11, $0x38;
	[tilespmem:$0x1F400] =	vst v63  }
0x1b2: {  	s20 =	sadd.s32 s18, s21;
	s21 =	sld [smem:$0x7F6]  }
0x1b3: {  	[hbm4b:s20+s11] =	stream.strided.scatter [tilespmem:s19], [sflag:$0x4], $0xC80, s12, s11, $0x38;
	[tilespmem:$0x1F400] =	vst v63  }
0x1b4: {  	s28 =	sadd.s32 s18, s26;
	s29 =	sld [smem:$0x7F7]  }
0x1b5: {  	[hbm4b:s28+s11] =	stream.strided.scatter [tilespmem:s21], [sflag:$0x4], $0xC80, s12, s11, $0x38;
	[tilespmem:$0x1F400] =	vst v63  }
0x1b6: {  	s30 =	sadd.s32 s18, s25;
	s31 =	sld [smem:$0x7F8]  }
0x1b7: {  	[hbm4b:s30+s11] =	stream.strided.scatter [tilespmem:s29], [sflag:$0x4], $0xC80, s12, s11, $0x38;
	[tilespmem:$0x1F400] =	vst v63  }
0x1b8: {  	s20 =	sadd.s32 s18, s24;
	s21 =	sld [smem:$0x7F9]  }
0x1b9: {  	[hbm4b:s20+s11] =	stream.strided.scatter [tilespmem:s31], [sflag:$0x4], $0xC80, s12, s11, $0x38;
	[tilespmem:$0x1F400] =	vst v63  }
0x1ba: {  	s23 =	sadd.s32 s18, s23;
	s24 =	sld [smem:$0x7FA]  }
0x1bb: {  	[hbm4b:s23+s11] =	stream.strided.scatter [tilespmem:s21], [sflag:$0x4], $0xC80, s12, s11, $0x38;
	[tilespmem:$0x1F400] =	vst v63  }
0x1bc: {  	s25 =	sadd.s32 s18, s22;
	s26 =	sld [smem:$0x7FB]  }
0x1bd: {  	[hbm4b:s25+s11] =	stream.strided.scatter [tilespmem:s24], [sflag:$0x4], $0xC80, s12, s11, $0x38;
	[tilespmem:$0x1F400] =	vst v63  }
0x1be: {  	s0 =	sadd.s32 s18, s0;
	s28 =	sld [smem:$0x7FC]  }
0x1bf: {  	[hbm4b:s0+s11] =	stream.strided.scatter [tilespmem:s26], [sflag:$0x4], $0xC80, s12, s11, $0x38;
	[tilespmem:$0x1F400] =	vst v63  }
0x1c0: {  	s29 =	sadd.s32 s18, s1;
	s30 =	sld [smem:$0x7FD]  }
0x1c1: {  	[hbm4b:s29+s11] =	stream.strided.scatter [tilespmem:s28], [sflag:$0x4], $0xC80, s12, s11, $0x38;
	[tilespmem:$0x1F400] =	vst v63  }
0x1c2: {  	s31 =	sadd.s32 s18, s4  }
0x1c3: {  	[hbm4b:s31+s11] =	stream.strided.scatter [tilespmem:s30], [sflag:$0x4], $0xC80, s12, s11, $0x38;
	[tilespmem:$0x1F400] =	vst v63  }
0x1c4: {  	_ =	swait.ge [sflag:s14], $0xC80  }
0x1c5: {  	[sflag:s14] =	ssyncset.done $0x0  }
0x1c6: {  	[sflag:s14] =	ssyncadd.s32 $0xFFFFF380  }
0x1c7: {  	_ =	swait.ge [sflag:s14], $0xC80  }
0x1c8: {  	[sflag:s14] =	ssyncset.done $0x0  }
0x1c9: {  	[sflag:s14] =	ssyncadd.s32 $0xFFFFF380  }
0x1ca: {  	_ =	swait.ge [sflag:s14], $0xC80  }
0x1cb: {  	[sflag:s14] =	ssyncset.done $0x0  }
0x1cc: {  	[sflag:s14] =	ssyncadd.s32 $0xFFFFF380  }
0x1cd: {  	_ =	swait.ge [sflag:s14], $0xC80  }
0x1ce: {  	[sflag:s14] =	ssyncset.done $0x0  }
0x1cf: {  	[sflag:s14] =	ssyncadd.s32 $0xFFFFF380  }
0x1d0: {  	_ =	swait.ge [sflag:s14], $0xC80  }
0x1d1: {  	[sflag:s14] =	ssyncset.done $0x0  }
0x1d2: {  	[sflag:s14] =	ssyncadd.s32 $0xFFFFF380  }
0x1d3: {  	_ =	swait.ge [sflag:s14], $0xC80  }
0x1d4: {  	[sflag:s14] =	ssyncset.done $0x0  }
0x1d5: {  	[sflag:s14] =	ssyncadd.s32 $0xFFFFF380  }
0x1d6: {  	_ =	swait.ge [sflag:s14], $0xC80  }
0x1d7: {  	[sflag:s14] =	ssyncset.done $0x0  }
0x1d8: {  	[sflag:s14] =	ssyncadd.s32 $0xFFFFF380  }
0x1d9: {  	_ =	swait.ge [sflag:s14], $0xC80  }
0x1da: {  	[sflag:s14] =	ssyncset.done $0x0  }
0x1db: {  	[sflag:s14] =	ssyncadd.s32 $0xFFFFF380  }
0x1dc: {  	_ =	swait.ge [sflag:s14], $0xC80  }
0x1dd: {  	[sflag:s14] =	ssyncset.done $0x0  }
0x1de: {  	[sflag:s14] =	ssyncadd.s32 $0xFFFFF380  }
0x1df: {  	_ =	swait.ge [sflag:s14], $0xC80  }
0x1e0: {  	[sflag:s14] =	ssyncset.done $0x0  }
0x1e1: {  	[sflag:s14] =	ssyncadd.s32 $0xFFFFF380  }
0x1e2: {  	_ =	swait.ge [sflag:s14], $0xC80  }
0x1e3: {  	[sflag:s14] =	ssyncset.done $0x0  }
0x1e4: {  	[sflag:s14] =	ssyncadd.s32 $0xFFFFF380  }
0x1e5: {  	_ =	swait.ge [sflag:s14], $0xC80  }
0x1e6: {  	[sflag:s14] =	ssyncset.done $0x0  }
0x1e7: {  	[sflag:s14] =	ssyncadd.s32 $0xFFFFF380  }
0x1e8: {  	_ =	swait.ge [sflag:s14], $0xC80  }
0x1e9: {  	[sflag:s14] =	ssyncset.done $0x0  }
0x1ea: {  	[sflag:s14] =	ssyncadd.s32 $0xFFFFF380  }
0x1eb: {  	_ =	swait.ge [sflag:s14], $0xC80  }
0x1ec: {  	[sflag:s14] =	ssyncset.done $0x0  }
0x1ed: {  	[sflag:s14] =	ssyncadd.s32 $0xFFFFF380  }
0x1ee: {  	_ =	swait.ge [sflag:s14], $0xC80  }
0x1ef: {  	[sflag:s14] =	ssyncset.done $0x0  }
0x1f0: {  	[sflag:s14] =	ssyncadd.s32 $0xFFFFF380  }
0x1f1: {  	_ =	swait.ge [sflag:s14], $0xC80  }
0x1f2: {  	[sflag:s14] =	ssyncset.done $0x0  }
0x1f3: {  	[sflag:s14] =	ssyncadd.s32 $0xFFFFF380  }
0x1f4: {  	_ =	swait.ge [sflag:s15], $0xC80  }
0x1f5: {  	[sflag:s15] =	ssyncset.done $0x0  }
0x1f6: {  	[sflag:s15] =	ssyncadd.s32 $0xFFFFF380  }
0x1f7: {  	_ =	swait.ge [sflag:s15], $0xC80  }
0x1f8: {  	[sflag:s15] =	ssyncset.done $0x0  }
0x1f9: {  	[sflag:s15] =	ssyncadd.s32 $0xFFFFF380  }
0x1fa: {  	_ =	swait.ge [sflag:s15], $0xC80  }
0x1fb: {  	[sflag:s15] =	ssyncset.done $0x0  }
0x1fc: {  	[sflag:s15] =	ssyncadd.s32 $0xFFFFF380  }
0x1fd: {  	_ =	swait.ge [sflag:s15], $0xC80  }
0x1fe: {  	[sflag:s15] =	ssyncset.done $0x0  }
0x1ff: {  	[sflag:s15] =	ssyncadd.s32 $0xFFFFF380  }
0x200: {  	_ =	swait.ge [sflag:s15], $0xC80  }
0x201: {  	[sflag:s15] =	ssyncset.done $0x0  }
0x202: {  	[sflag:s15] =	ssyncadd.s32 $0xFFFFF380  }
0x203: {  	_ =	swait.ge [sflag:s15], $0xC80  }
0x204: {  	[sflag:s15] =	ssyncset.done $0x0  }
0x205: {  	[sflag:s15] =	ssyncadd.s32 $0xFFFFF380  }
0x206: {  	_ =	swait.ge [sflag:s15], $0xC80  }
0x207: {  	[sflag:s15] =	ssyncset.done $0x0  }
0x208: {  	[sflag:s15] =	ssyncadd.s32 $0xFFFFF380  }
0x209: {  	_ =	swait.ge [sflag:s15], $0xC80  }
0x20a: {  	[sflag:s15] =	ssyncset.done $0x0  }
0x20b: {  	[sflag:s15] =	ssyncadd.s32 $0xFFFFF380  }
0x20c: {  	_ =	swait.ge [sflag:s15], $0xC80  }
0x20d: {  	[sflag:s15] =	ssyncset.done $0x0  }
0x20e: {  	[sflag:s15] =	ssyncadd.s32 $0xFFFFF380  }
0x20f: {  	_ =	swait.ge [sflag:s15], $0xC80  }
0x210: {  	[sflag:s15] =	ssyncset.done $0x0  }
0x211: {  	[sflag:s15] =	ssyncadd.s32 $0xFFFFF380  }
0x212: {  	_ =	swait.ge [sflag:s15], $0xC80  }
0x213: {  	[sflag:s15] =	ssyncset.done $0x0  }
0x214: {  	[sflag:s15] =	ssyncadd.s32 $0xFFFFF380  }
0x215: {  	_ =	swait.ge [sflag:s15], $0xC80  }
0x216: {  	[sflag:s15] =	ssyncset.done $0x0  }
0x217: {  	[sflag:s15] =	ssyncadd.s32 $0xFFFFF380  }
0x218: {  	_ =	swait.ge [sflag:s15], $0xC80  }
0x219: {  	[sflag:s15] =	ssyncset.done $0x0  }
0x21a: {  	[sflag:s15] =	ssyncadd.s32 $0xFFFFF380  }
0x21b: {  	_ =	swait.ge [sflag:s15], $0xC80  }
0x21c: {  	[sflag:s15] =	ssyncset.done $0x0  }
0x21d: {  	s16 =	sadd.s32 $0x1, s16;
	[sflag:s15] =	ssyncadd.s32 $0xFFFFF380  }
0x21e: {  	p0 =	sne.s32 s16, s5;
	_ =	swait.ge [sflag:s15], $0xC80  }
.Ltmp1:
0x21f: {  	[sflag:s15] =	ssyncset.done $0x0;
	(pc) =	sbr.rel @p0 .LBB2_1-.Ltmp1, $4  }
0x220: {  	[sflag:s15] =	ssyncadd.s32 $0xFFFFF380  }
0x221: {  	_ =	swait.ge [sflag:s15], $0xC80  }
0x222: {  	[sflag:s15] =	ssyncset.done $0x0  }
0x223: {  	[sflag:s15] =	ssyncadd.s32 $0xFFFFF380  }
0x224: {  	_ =	sfence.sel $0x180000  }
0x225: {  	[bflag:$0x0] =	sbarrier.arrive $0xFFFF  }
0x226: {  	_ =	strace $0x90000047  }
0x227: {  	s0 =	stileid.u32;
	[bflag:$0x2] =	sbarrier.arrive $0xFFFF  }
0x228: {  	p0 =	sne.s32 s0, $0x0;
	s0 =	rddreg [dreg:$0x2]  }
0x229: {  	s0 =	sadd.s32 @!p0 $0x100000, s0  }
0x22a: {  	[sflag:s0] =	ssyncadd.tile.s32 @!p0 $0x1;
	_ =	shalt  }
.Lfunc_end2:
_tile_overlayer_lowered:
.L_overlay_start_2:
0x22b: {  	(tag) =	ssettag $0x2  }
0x22c: {  	s0 =	rddreg [dreg:$0x0];
	s2 =	stileid.u32  }
0x22d: {  	s1 =	rddreg [dreg:$0x1];
	p0 =	sne.s32 s2, $0x0  }
0x22e: {  	s3 =	rddreg [dreg:$0x2];
	[bflag:$0x3] =	sbarrier.arrive $0xFFFF;
	s2 =	simm.s32 @!p0 $0x1C05  }
0x22f: {  	[timem:s3], [sflag:s2] =	dma.local @!p0 [hbm:s0], s1  }
0x230: {  	s0 =	simm.s32 @!p0 $0x5  }
0x231: {  	_ =	swait.ge @!p0 [sflag:s0], s1  }
0x232: {  	s1 =	ssub.s32 @!p0 $0x0, s1;
	[sflag:s0] =	ssyncset.done @!p0 $0x0  }
0x233: {  	[sflag:s0] =	ssyncadd.s32 @!p0 s1  }
0x234: {  	[bflag:$0x3] =	sbarrier.arrive $0xFFFF  }
0x235: {  	_ =	shalt  }

// kernel: sparse-core-data-format-call.cloned.1.call-start
scs
called_computation_lowered:
.L_overlay_start_0:
0x0: {  	s2 =	sld [smem:$0x3FD9]  }
0x1: {  	s3 =	sld [smem:$0x3FFE];
	_ =	sdelay $0x1  }
0x2: {  	s1 =	srdreg.scid  }
0x3: {  	s0 =	sand.u32 $0x1, s1  }
0x4: {  	s18 =	sshll.u32 s0, $0xA;
	s2 =	sadd.s32 s3, s2  }
0x5: {  	s2 =	sadd.s32 s2, s18  }
0x6: {  	[smem:$0x3FC6] =	sst s2  }
0x7: {  	_ = 	snop  }
0x8: {  	s2 =	sld [smem:$0x3FD0];
	(tm) =	ssettm $0x1  }
0x9: {  	s19 =	sld [smem:$0x3FFB];
	_ =	sdelay $0x3  }
0xa: {  	_ =	strace s19  }
0xb: {  	s3 =	sld [smem:$0x3FFC];
	_ =	sdelay $0x3  }
0xc: {  	_ =	strace s3  }
0xd: {  	s3 =	sld [smem:$0x3FFD];
	_ =	sdelay $0x3  }
0xe: {  	_ =	strace s3  }
0xf: {  	_ =	strace $0x8FFFFFFF  }
0x10: {  	s20 =	sld [smem:$0x3FDB];
	_ =	sdelay $0x1  }
0x11: {  	s4 =	simm.s32 $_scs_section_size  }
0x12: {  	s5 =	simm.s32 $_size__tile_overlayer_lowered;
	s6 =	simm.s32 $_tile_overlayer_lowered  }
0x13: {  	s23 =	simm.s32 $0x1BFF;
	s22 =	sshll.u32 s6, $0x1;
	s3 =	sadd.s32 s4, s20  }
0x14: {  	s7 =	simm.s32 $0x0;
	s21 =	sshll.u32 s5, $0x1;
	s5 =	sadd.s32 s22, s3  }
0x15: {  	[timem:s7], [sflag:s23] =	dma.local [hbm:s5], s21  }
0x16: {  	_ =	swait.ge [sflag:s23], s21  }
0x17: {  	s4 =	ssub.s32 $0x0, s21;
	[sflag:s23] =	ssyncset.done $0x0  }
0x18: {  	[sflag:s23] =	ssyncadd.s32 s4;
	_ =	sdelay $0x1  }
0x19: {  	s24 =	simm.s32 $0x1B8B  }
0x1a: {  	_ =	swait.ge [sflag:s24], $0x1  }
0x1b: {  	[sflag:s24] =	ssyncset.done $0x0  }
0x1c: {  	s26 =	simm.s32 $0x1B8E;
	s25 =	sld [smem:$0x3FFE];
	[sflag:s24] =	ssyncadd.s32 $0xFFFFFFFF  }
0x1d: {  	s27 =	simm.s32 $execute0_lowered;
	[smem:$0x3FD2] =	sst s26  }
0x1e: {  	s5 =	sshll.u32 s27, $0x1;
	_ =	strace $0x80000049;
	[dreg:$0x1] =	wrdreg $0xFFFFFFFF  }
0x1f: {  	s28 =	simm.s32 $_size_execute0_lowered;
	s3 =	sadd.s32 s3, s5;
	[dreg:$0x0] =	wrdreg $0x0  }
0x20: {  	s5 =	sshll.u32 s28, $0x1;
	[dreg:$0x2] =	wrdreg s3  }
0x21: {  	[dreg:$0x3] =	wrdreg s5  }
0x22: {  	[dreg:$0x4] =	wrdreg $0xC0  }
0x23: {  	_ =	task [dreg:s7], $0x5FFFF  }
0x24: {  	[dreg:$0x1] =	wrdreg $0xFFFFFFFF  }
0x25: {  	[dreg:$0x0] =	wrdreg $0x60  }
0x26: {  	[dreg:$0x2] =	wrdreg s25  }
0x27: {  	[dreg:$0x3] =	wrdreg s2  }
0x28: {  	[dreg:$0x4] =	wrdreg $0x9  }
0x29: {  	_ =	task.clear_ibuf [dreg:s7], $0x5FFFF;
	_ =	strace $0x90000049  }
0x2a: {  	s29 =	simm.s32 $0x9;
	_ =	strace $0x8000004B  }
0x2b: {  	_ =	swait.ge [sflag:s29], $0x1  }
0x2c: {  	[sflag:s29] =	ssyncadd.s32 $0xFFFFFFFF  }
0x2d: {  	_ =	strace $0x9000004B  }
0x2e: {  	_ =	sfence  }
0x2f: {  	s30 =	sld [smem:$0x0];
	_ =	sdelay $0x2  }
0x30: {  	s31 =	sshll.u32 s1, $0xD;
	s1 =	sshrl.u32 s1, $0x2  }
0x31: {  	s3 =	sand.u32 $0x4000, s31;
	s1 =	sadd.s32 s1, s30  }
0x32: {  	s0 =	sor.u32 s3, s0;
	s1 =	sshll.u32 s1, $0x11  }
0x33: {  	s0 =	sor.u32 s1, s0  }
0x34: {  	s0 =	sadd.s32 $0x8F2B, s0  }
0x35: {  	[sflag:s0] =	ssyncadd.remote.s32 $0x1  }
0x36: {  	_ =	sfence.sel $0xFFFF  }
0x37: {  	[dreg:$0x0] =	wrdreg $0xFFFFFFFF;
	(pc) =	sbr.abs _section_cstart, $3  }
0x38: {  	[dreg:$0x1] =	wrdreg $0xFFFFFFFF  }
0x39: {  	_ =	task.clear_ibuf [dreg:s7], $0x2FFFF;
	_ =	strace $0x9FFFFFFF  }
0x3a: {  	(tm) =	ssettm $0x7FFFFFFF  }
0x3b: {  	_ =	shalt  }
tec
execute0_lowered:
.L_overlay_start_1:
0x0: {  	(tag) =	ssettag $0x1  }
0x1: {  	s0 =	srdreg.scid  }
0x2: {  	s1 =	sshll.u32 s0, $0x4  }
0x3: {  	s0 =	stileid.u32;
	s1 =	sand.u32 $0x10, s1  }
0x4: {  	s1 =	sor.u32 s0, s1  }
0x5: {  	s6 =	rddreg [dreg:$0x0];
	s4 =	simm.s32 $0x1;
	s2 =	sshll.u32 s1, $0x7  }
0x6: {  	s7 =	simm.s32 $0x2;
	s12 =	simm.s32 $0x0;
	s1 =	ssub.s32 $0x4000, s2  }
0x7: {  	s8 =	simm.s32 $0x20000;
	s13 =	simm.s32 $0x0;
	s3 =	sand.u32 $0xF80, s1  }
0x8: {  	s9 =	simm.s32 $0x0;
	s5 =	sshrl.u32 s1, $0xC;
	p0 =	sne.s32 s3, $0x0  }
.Ltmp0:
0x9: {  	s1 =	rddreg [dreg:$0x2];
	s4 =	simm.s32 @!p0 $0x0;
	(pc) =	sbr.rel .LBB1_1-.Ltmp0, $4  }
0xa: {  	s11 =	simm.s32 $0x0;
	s3 =	rddreg [dreg:$0x1];
	s5 =	sadd.s32 s4, s5  }
0xb: {  	_ =	strace $0x8000004A;
	s4 =	simm.s32 $0x1;
	s5 =	smul.u32 $0x32, s5  }
0xc: {  	s6 =	sadd.s32 $0xA00, s6;
	s10 =	smov.u32 s2;
	[sflag:s4] =	ssyncpa.u1 $0x0  }
0xd: {  	p0 =	por $0x0, $0x0;
	[sflag:s7] =	ssyncpa.u1 $0x0;
	s7 =	sor.u32 $0x1, s5  }
.LBB1_4:
0xe: {  	s16 =	sshll.u32 s13, $0x3;
	s17 =	sand.u32 $0x78, s13  }
0xf: {  	s30 =	sand.u32 $0x1F800, s13;
	s12 =	sshll.u32 s12, $0x11;
	s16 =	sand.u32 $0x3C00, s16  }
0x10: {  	[tilespmem:s15+$0x810 ss:$0x81] =	vst.msk $0xffff, v2;
	s31 =	sand.u32 $0x7, s13;
	s16 =	sor.u32 s17, s16;
	s17 =	sadd.s32 s3, s30  }
0x11: {  	[tilespmem:s15+$0x1020 ss:$0x81] =	vst.msk $0xffff, v0;
	s13 =	sshll.u32 s31, $0x12;
	s12 =	sadd.s32 s12, s17;
	s16 =	sshrl.u32 s16, $0x3  }
0x12: {  	[tilespmem:s15+$0x0 ss:$0x81] =	vst.msk $0xffff, v1;
	s13 =	sor.u32 $0x400, s13;
	s12 =	sadd.s32 s16, s12  }
0x13: {  	[hbm4b:s12+s13] =	stream.strided.scatter [tilespmem:s14], [sflag:$0x2], $0x2000, s8, s13, $0x20;
	[tilespmem:$0x8080] =	vst v63  }
.LBB1_5:
0x14: {  	s14 =	sadd.s32 $0x1, s9  }
0x15: {  	s12 =	sadd.s32 $0x1000, s10;
	s16 =	smov.u32 s10;
	p2 =	sgt.s32 s14, $0x31  }
0x16: {  	s16 =	smov.u32 @p2 s12  }
0x17: {  	s14 =	simm.s32 @p2 $0x0;
	p2 =	sgt.s32 s16, $0x3FFF  }
0x18: {  	s16 =	smov.u32 @p2 s2;
	p2 =	sne.s32 s11, s7  }
.Ltmp1:
0x19: {  	p1 =	slt.u32 s11, $0x2;
	(pc) =	sbr.rel @!p2 .LBB1_6-.Ltmp1, $4  }
0x1a: {  	s15 =	simm.s32 @!p1 $0x2  }
0x1b: {  	s13 =	smov.u32 s10;
	p0 =	por !p0, !p0;
	_ =	swait.ge @!p1 [sflag:s15], $0x2000  }
0x1c: {  	s12 =	smov.u32 s9;
	[sflag:s15] =	ssyncset.done @!p1 $0x0;
	s9 =	smov.u32 s14  }
0x1d: {  	s11 =	sadd.s32 $0x1, s11;
	[sflag:s15] =	ssyncadd.s32 @!p1 $0xFFFFE000;
	s10 =	smov.u32 s16  }
.LBB1_1:
0x1e: {  	p1 =	sge.u32 s11, s5  }
0x1f: {  	s14 =	sand.u32 @!p1 $0x1FFFFFF, s9  }
0x20: {  	s15 =	smulhi.u32 @!p1 $0x4924925, s14;
	_ =	sdelay $0x1  }
0x21: {  	s15 =	smul.u32 @!p1 $0x38, s15  }
0x22: {  	s16 =	sxor.u32 @!p1 $0xFFFFFFFF, s11;
	s17 =	smul.u32 @!p1 $0x380, s10  }
0x23: {  	s31 =	sadd.s32 $0xFFFFFFFF, s11;
	s16 =	sshll.u32 @!p1 s16, $0xD;
	s14 =	ssub.s32 @!p1 s14, s15  }
0x24: {  	s15 =	sand.u32 @!p1 $0x2000, s16;
	s16 =	sadd.s32 @!p1 s6, s17;
	s14 =	sshll.u32 @!p1 s14, $0x4  }
0x25: {  	s17 =	simm.s32 @!p1 $0x1C00;
	s14 =	sadd.s32 @!p1 s14, s16;
	s16 =	simm.s32 @!p1 $0x40  }
0x26: {  	[tilespmem:s15], [sflag:$0x1] =	stream.strided.gather @!p1 [hbm4b:s14+s16], $0x2000, s17, s16, $0x38;
	[tilespmem:$0x8080] =	vst v63  }
0x27: {  	p1 =	sge.u32 s31, s5  }
.Ltmp2:
0x28: {  	_ = 	snop;
	(pc) =	sbr.rel @p1 .LBB1_5-.Ltmp2, $1  }
0x29: {  	_ =	sdelay $0x3  }
0x2a: {  	s14 =	simm.s32 $0x1  }
0x2b: {  	_ =	swait.ge [sflag:s4], $0x2000;
	s14 =	simm.s32 @!p0 $0x0  }
0x2c: {  	[sflag:s4] =	ssyncset.done $0x0;
	s15 =	sshll.u32 s14, $0xD  }
0x2d: {  	[sflag:s4] =	ssyncadd.s32 $0xFFFFE000;
	s18 =	sor.u32 $0x20, s15  }
0x2e: {  	s14 =	smul.u32 $0x8100, s14;
	v3 =	vld [tilespmem:s18+$0x10]  }
0x2f: {  	s30 =	sand.u32 $0x1, s11;
	v2 =	vld [tilespmem:s18+$0xFFFFFFF0]  }
0x30: {  	s15 =	smul.u32 $0x8100, s30;
	s14 =	sshrl.u32 s14, $0x2;
	v0 =	vld [tilespmem:s18+$0x0]  }
0x31: {  	v1 =	vld [tilespmem:s18+$0xFFFFFFE0];
	s16 =	sor.u32 $0x4000, s14  }
0x32: {  	s31 =	sshrl.u32 s15, $0x2;
	s15 =	sadd.s32 $0x0, s16  }
0x33: {  	s17 =	simm.s32 $0x4;
	s18 =	sadd.s32 $0x40, s18;
	s14 =	sor.u32 $0x4000, s31;
	[tilespmem:s15+$0x1830 ss:$0x81] =	vst.msk $0xffff, v3  }
.LBB1_3:
0x34: {  	v3 =	vld [tilespmem:s18+$0x10];
	p1 =	sne.s32 s17, $0x1FC;
	[tilespmem:s15+$0x810 ss:$0x81] =	vst.msk $0xffff, v2;
	s19 =	smov.u32 s17;
	s17 =	sadd.s32 $0x4, s17  }
.Ltmp3:
0x35: {  	v2 =	vld [tilespmem:s18+$0xFFFFFFF0];
	[tilespmem:s15+$0x1020 ss:$0x81] =	vst.msk $0xffff, v0;
	(pc) =	sbr.rel @p1 .LBB1_3-.Ltmp3, $4  }
0x36: {  	v0 =	vld [tilespmem:s18+$0x0];
	[tilespmem:s15+$0x0 ss:$0x81] =	vst.msk $0xffff, v1  }
0x37: {  	s15 =	sshra.s32 s19, $0x2;
	v1 =	vld [tilespmem:s18+$0xFFFFFFE0]  }
0x38: {  	s15 =	sadd.s32 s15, s16  }
0x39: {  	s18 =	sadd.s32 $0x40, s18;
	[tilespmem:s15+$0x1830 ss:$0x81] =	vst.msk $0xffff, v3  }
.Ltmp4:
0x3a: {  	_ = 	snop;
	(pc) =	sbr.rel .LBB1_4-.Ltmp4, $1  }
0x3b: {  	_ =	sdelay $0x3  }
.LBB1_6:
0x3c: {  	_ =	sfence.sel $0x180000  }
0x3d: {  	s2 =	simm.s32 $0x1;
	[bflag:$0x0] =	sbarrier.arrive $0xFFFF  }
0x3e: {  	s31 =	simm.s32 $0x2;
	[sflag:s2] =	ssyncpa.u1 $0x1  }
0x3f: {  	[sflag:s31] =	ssyncpa.u1 $0x1  }
0x40: {  	p0 =	sne.s32 s0, $0x0;
	_ =	strace $0x9000004A  }
0x41: {  	s0 =	sadd.s32 @!p0 $0x100000, s1;
	[bflag:$0x2] =	sbarrier.arrive $0xFFFF  }
0x42: {  	[sflag:s0] =	ssyncadd.tile.s32 @!p0 $0x1;
	_ =	shalt  }
.Lfunc_end1:
_tile_overlayer_lowered:
.L_overlay_start_2:
0x43: {  	(tag) =	ssettag $0x2  }
0x44: {  	s0 =	rddreg [dreg:$0x0];
	s2 =	stileid.u32  }
0x45: {  	s1 =	rddreg [dreg:$0x1];
	p0 =	sne.s32 s2, $0x0  }
0x46: {  	s3 =	rddreg [dreg:$0x2];
	[bflag:$0x3] =	sbarrier.arrive $0xFFFF;
	s2 =	simm.s32 @!p0 $0x1C01  }
0x47: {  	[timem:s3], [sflag:s2] =	dma.local @!p0 [hbm:s0], s1  }
0x48: {  	s0 =	simm.s32 @!p0 $0x1  }
0x49: {  	_ =	swait.ge @!p0 [sflag:s0], s1  }
0x4a: {  	s1 =	ssub.s32 @!p0 $0x0, s1;
	[sflag:s0] =	ssyncset.done @!p0 $0x0  }
0x4b: {  	[sflag:s0] =	ssyncadd.s32 @!p0 s1  }
0x4c: {  	[bflag:$0x3] =	sbarrier.arrive $0xFFFF  }
0x4d: {  	_ =	shalt  }

</sc_bundles>
